<compile_context>
chip_gen: v7x
topology: tpu7x:2x2x1
jax: 0.10.2.dev20260603
libtpu: 0.0.44.dev20260713+nightly
codegen_flags: <defaults>
</compile_context>

<pallas_src>
import functools

import jax
import jax.numpy as jnp
from jax import lax
from jax.experimental import pallas as pl
from jax.experimental.pallas import tpu as pltpu
from jax.experimental.pallas import tpu_sc as plsc

D = 2048
I = 1408
E = 8
T = 4096
A = 2 * T
BM = 128


def _pack_bf16(lo_f32, hi_f32):
    blo = lax.bitcast_convert_type(lo_f32, jnp.int32)
    bhi = lax.bitcast_convert_type(hi_f32, jnp.int32)
    lo16 = lax.shift_right_logical(blo + 0x8000, 16)
    hi16 = (bhi + 0x8000) & jnp.int32(-65536)
    return lo16 | hi16


def _unpack_lo_hi(words):
    lo = lax.bitcast_convert_type(words << 16, jnp.float32)
    hi = lax.bitcast_convert_type(words & jnp.int32(-65536), jnp.float32)
    return lo, hi
CAP = A + E * BM
NB = CAP // BM
NW = 32
CH = 32
P = D // 2


def _router_body(x_ref, gw_ref, ids_ref, w_ref, xp_ref):
    xb = x_ref[...]
    l = jnp.dot(xb, gw_ref[...], preferred_element_type=jnp.float32)
    idx8 = lax.broadcasted_iota(jnp.int32, l.shape, 1)
    m0 = jnp.max(l, axis=-1, keepdims=True)
    e0 = jnp.min(jnp.where(l == m0, idx8, E), axis=-1, keepdims=True)
    lm = jnp.where(idx8 == e0, -jnp.inf, l)
    m1 = jnp.max(lm, axis=-1, keepdims=True)
    e1 = jnp.min(jnp.where(lm == m1, idx8, E), axis=-1, keepdims=True)
    p1 = jnp.exp(m1 - m0)
    w0 = 1.0 / (1.0 + p1)
    ids_ref[...] = jnp.concatenate([e0, e1], axis=1)
    w_ref[...] = jnp.concatenate([w0, 1.0 - w0], axis=1)
    xp_ref[...] = _pack_bf16(xb[:, :P], xb[:, P:])


def _router(x, gw_t):
    bt = 1024
    return pl.pallas_call(
        _router_body,
        grid=(T // bt,),
        in_specs=[
            pl.BlockSpec((bt, D), lambda i: (i, 0)),
            pl.BlockSpec((D, E), lambda i: (0, 0)),
        ],
        out_specs=[
            pl.BlockSpec((bt, 2), lambda i: (i, 0)),
            pl.BlockSpec((bt, 2), lambda i: (i, 0)),
            pl.BlockSpec((bt, P), lambda i: (i, 0)),
        ],
        out_shape=[
            jax.ShapeDtypeStruct((T, 2), jnp.int32),
            jax.ShapeDtypeStruct((T, 2), jnp.float32),
            jax.ShapeDtypeStruct((T, P), jnp.int32),
        ],
    )(x, gw_t)


def _dispatch_body(ef_ref, dest_ref, meta_ref):
    ef = ef_ref[...]
    r128 = lax.broadcasted_iota(jnp.int32, (128, 128), 0)
    c128 = lax.broadcasted_iota(jnp.int32, (128, 128), 1)
    upper = (r128 <= c128).astype(jnp.float32)
    r64 = lax.broadcasted_iota(jnp.int32, (64, 64), 0)
    c64 = lax.broadcasted_iota(jnp.int32, (64, 64), 1)
    lower = (c64 < r64).astype(jnp.float32)

    masks, incls, cnts = [], [], []
    for e in range(E):
        a = (ef == e).astype(jnp.float32)
        incl_row = jnp.dot(a, upper, preferred_element_type=jnp.float32)
        row_sum = jnp.sum(a, axis=1, keepdims=True)
        prev_rows = jnp.dot(lower, row_sum, preferred_element_type=jnp.float32)
        masks.append(a)
        incls.append(incl_row + prev_rows)
        cnts.append(jnp.sum(a).astype(jnp.int32))

    off = jnp.int32(0)
    ends = []
    dest = jnp.zeros((64, 128), jnp.int32)
    for e in range(E):
        dest = dest + masks[e].astype(jnp.int32) * (
            off + incls[e].astype(jnp.int32) - 1)
        off = off + ((cnts[e] + BM - 1) // BM) * BM
        ends.append(off)
    nreal = off // BM

    bstart = lax.broadcasted_iota(jnp.int32, (8, 128), 1) * BM
    be = jnp.zeros((8, 128), jnp.int32)
    for e in range(E):
        be = be + (bstart >= ends[e]).astype(jnp.int32)
    be = jnp.minimum(be, E - 1)
    rowi = lax.broadcasted_iota(jnp.int32, (8, 128), 0)
    dest_ref[...] = dest
    meta_ref[...] = jnp.where(rowi == 1, nreal, be)


def _dispatch(efr):
    return pl.pallas_call(
        _dispatch_body,
        out_shape=[
            jax.ShapeDtypeStruct((64, 128), jnp.int32),
            jax.ShapeDtypeStruct((8, 128), jnp.int32),
        ],
    )(efr)


NCH = A // (NW * CH)


def _sc_scatter(x, tok2d, dest2d):
    mesh = plsc.VectorSubcoreMesh(
        core_axis_name="c", subcore_axis_name="s", num_cores=2,
        num_subcores=16)

    @functools.partial(
        pl.kernel,
        out_type=jax.ShapeDtypeStruct((CAP, P), jnp.int32),
        mesh=mesh,
        scratch_types=[
            pltpu.VMEM((NCH, CH), jnp.int32),
            pltpu.VMEM((NCH, CH), jnp.int32),
            pltpu.VMEM((CH, P), jnp.int32),
            pltpu.VMEM((CH, P), jnp.int32),
            pltpu.SemaphoreType.DMA,
            pltpu.SemaphoreType.DMA,
            pltpu.SemaphoreType.DMA,
            pltpu.SemaphoreType.DMA,
        ],
    )
    def k(x_hbm, tok_hbm, dest_hbm, xs_hbm, tok_v, dest_v,
          rows_a, rows_b, gs_a, gs_b, ss_a, ss_b):
        wid = lax.axis_index("s") * 2 + lax.axis_index("c")
        pltpu.sync_copy(tok_hbm.at[pl.ds(wid * NCH, NCH)], tok_v)
        pltpu.sync_copy(dest_hbm.at[pl.ds(wid * NCH, NCH)], dest_v)
        rows = (rows_a, rows_b)
        gsem = (gs_a, gs_b)
        ssem = (ss_a, ss_b)
        gd = [None, None]
        sd = [None, None]
        gd[0] = pltpu.async_copy(x_hbm.at[tok_v.at[0]], rows[0], gsem[0])
        for c in range(NCH):
            b = c % 2
            if sd[1 - b] is not None:
                sd[1 - b].wait()
            if c + 1 < NCH:
                gd[1 - b] = pltpu.async_copy(
                    x_hbm.at[tok_v.at[c + 1]], rows[1 - b], gsem[1 - b])
            gd[b].wait()
            sd[b] = pltpu.async_copy(rows[b], xs_hbm.at[dest_v.at[c]], ssem[b])
        sd[(NCH - 1) % 2].wait()

    return k(x, tok2d, dest2d)


_WSPEC = pl.Buffered(buffer_count=2)


def _m1_body(pref_ref, xs_ref, wgu_ref, act_ref, wgu_bf):
    m = pl.program_id(0)
    prev = pref_ref[jnp.maximum(m - 1, 0)]

    @pl.when((m == 0) | (pref_ref[m] != prev))
    def _():
        wgu_bf[...] = wgu_ref[0].astype(jnp.bfloat16)

    @pl.when(m < pref_ref[NB])
    def _():
        xlo, xhi = _unpack_lo_hi(xs_ref[...])
        gu = (jnp.dot(xlo.astype(jnp.bfloat16), wgu_bf[:P, :],
                      preferred_element_type=jnp.float32) +
              jnp.dot(xhi.astype(jnp.bfloat16), wgu_bf[P:, :],
                      preferred_element_type=jnp.float32))
        g = gu[:, :I]
        u = gu[:, I:]
        act_ref[...] = ((g / (1.0 + jnp.exp(-g))) * u).astype(jnp.bfloat16)


def _m2_body(pref_ref, act_ref, wd_ref, ys_ref, wd_bf):
    m = pl.program_id(0)
    prev = pref_ref[jnp.maximum(m - 1, 0)]

    @pl.when((m == 0) | (pref_ref[m] != prev))
    def _():
        wd_bf[...] = wd_ref[0].astype(jnp.bfloat16)

    @pl.when(m < pref_ref[NB])
    def _():
        y = jnp.dot(act_ref[...], wd_bf[...],
                    preferred_element_type=jnp.float32)
        ys_ref[...] = _pack_bf16(y[:, :P], y[:, P:])


def _moe(pref, xs, gup, wd):
    m1_spec = pltpu.PrefetchScalarGridSpec(
        num_scalar_prefetch=1,
        grid=(NB,),
        in_specs=[
            pl.BlockSpec((BM, P), lambda m, p: (m, 0)),
            pl.BlockSpec((1, D, 2 * I), lambda m, p: (p[m], 0, 0),
                         pipeline_mode=_WSPEC),
        ],
        out_specs=pl.BlockSpec((BM, I), lambda m, p: (m, 0)),
        scratch_shapes=[pltpu.VMEM((D, 2 * I), jnp.bfloat16)],
    )
    act = pl.pallas_call(
        _m1_body,
        grid_spec=m1_spec,
        out_shape=jax.ShapeDtypeStruct((CAP, I), jnp.bfloat16),
        compiler_params=pltpu.CompilerParams(
            vmem_limit_bytes=63 * 1024 * 1024),
    )(pref, xs, gup)
    m2_spec = pltpu.PrefetchScalarGridSpec(
        num_scalar_prefetch=1,
        grid=(NB,),
        in_specs=[
            pl.BlockSpec((BM, I), lambda m, p: (m, 0)),
            pl.BlockSpec((1, I, D), lambda m, p: (p[m], 0, 0),
                         pipeline_mode=_WSPEC),
        ],
        out_specs=pl.BlockSpec((BM, P), lambda m, p: (m, 0)),
        scratch_shapes=[pltpu.VMEM((I, D), jnp.bfloat16)],
    )
    return pl.pallas_call(
        _m2_body,
        grid_spec=m2_spec,
        out_shape=jax.ShapeDtypeStruct((CAP, P), jnp.int32),
        compiler_params=pltpu.CompilerParams(
            vmem_limit_bytes=63 * 1024 * 1024),
    )(pref, act, wd)


def _sc_gather(ys, dest2d):
    mesh = plsc.VectorSubcoreMesh(
        core_axis_name="c", subcore_axis_name="s", num_cores=2,
        num_subcores=16)

    @functools.partial(
        pl.kernel,
        out_type=jax.ShapeDtypeStruct((A, P), jnp.int32),
        mesh=mesh,
        scratch_types=[
            pltpu.VMEM((NCH, CH), jnp.int32),
            pltpu.VMEM((CH, P), jnp.int32),
            pltpu.VMEM((CH, P), jnp.int32),
            pltpu.SemaphoreType.DMA,
            pltpu.SemaphoreType.DMA,
            pltpu.SemaphoreType.DMA,
            pltpu.SemaphoreType.DMA,
        ],
    )
    def k(ys_hbm, dest_hbm, yp_hbm, dest_v, rows_a, rows_b,
          gs_a, gs_b, os_a, os_b):
        wid = lax.axis_index("s") * 2 + lax.axis_index("c")
        pltpu.sync_copy(dest_hbm.at[pl.ds(wid * NCH, NCH)], dest_v)
        rows = (rows_a, rows_b)
        gsem = (gs_a, gs_b)
        osem = (os_a, os_b)
        gd = [None, None]
        od = [None, None]
        gd[0] = pltpu.async_copy(ys_hbm.at[dest_v.at[0]], rows[0], gsem[0])
        for c in range(NCH):
            b = c % 2
            if od[1 - b] is not None:
                od[1 - b].wait()
            if c + 1 < NCH:
                gd[1 - b] = pltpu.async_copy(
                    ys_hbm.at[dest_v.at[c + 1]], rows[1 - b], gsem[1 - b])
            gd[b].wait()
            base = wid * (A // NW) + c * CH
            od[b] = pltpu.async_copy(rows[b], yp_hbm.at[pl.ds(base, CH)],
                                     osem[b])
        od[(NCH - 1) % 2].wait()

    return k(ys, dest2d)


def _combine_body(yp_ref, w_ref, o_ref):
    ylo, yhi = _unpack_lo_hi(yp_ref[...])
    wexp = w_ref[...][:, :, None]
    zlo = ylo * wexp
    zhi = yhi * wexp
    out_lo = zlo[:, 0, :] + zlo[:, 1, :]
    out_hi = zhi[:, 0, :] + zhi[:, 1, :]
    o_ref[...] = jnp.concatenate([out_lo, out_hi], axis=-1)


def _combine(yp3, w):
    bt = 512
    return pl.pallas_call(
        _combine_body,
        grid=(T // bt,),
        in_specs=[
            pl.BlockSpec((bt, 2, P), lambda i: (i, 0, 0)),
            pl.BlockSpec((bt, 2), lambda i: (i, 0)),
        ],
        out_specs=pl.BlockSpec((bt, D), lambda i: (i, 0)),
        out_shape=jax.ShapeDtypeStruct((T, D), jnp.float32),
    )(yp3, w)


def kernel(hidden_states, gate_weight, gate_up_weights, down_weights):
    x = hidden_states.reshape(-1, D)
    gw_t = gate_weight.T

    ids, w, xp = _router(x, gw_t)
    dest2, meta = _dispatch(ids.reshape(64, 128))
    dest2d = dest2.reshape(A // CH, CH)
    pref = jnp.concatenate([meta[0, :NB], meta[1, :1]]).astype(jnp.int32)
    tok2d = (jnp.arange(A, dtype=jnp.int32) // 2).reshape(A // CH, CH)

    xs = _sc_scatter(xp, tok2d, dest2d)
    ys = _moe(pref, xs, gate_up_weights, down_weights)
    yp = _sc_gather(ys, dest2d)
    out = _combine(yp.reshape(T, 2, P), w)
    return out.reshape(hidden_states.shape)

# --- scband reference (transcript-rebuilt; emitter-appended) ---
"""Pipeline reference for scband-qwen3-moe-sparse-moe-block-2551210574776 (READ-ONLY COPY).

The authoritative reference and input builder live on the scoring server;
editing this copy changes nothing except your own understanding.
"""

import jax, jax.numpy as jnp
import numpy as np

HIDDEN_SIZE = 2048
INTERMEDIATE_SIZE = 1408
NUM_EXPERTS = 8
TOP_K = 2
NORM_TOPK_PROB = True


def setup_inputs(seed: int = 0) -> dict:
    key = jax.random.key(seed)
    k1, k2, k3, k4 = jax.random.split(key, 4)
    hidden_states = jax.random.normal(k1, (2, 2048, HIDDEN_SIZE), dtype=jnp.float32)
    gate_weight = jax.random.normal(k2, (NUM_EXPERTS, HIDDEN_SIZE), dtype=jnp.float32) * 0.02
    gate_up_weights = jax.random.normal(k3, (NUM_EXPERTS, HIDDEN_SIZE, 2 * INTERMEDIATE_SIZE), dtype=jnp.float32) * 0.02
    down_weights = jax.random.normal(k4, (NUM_EXPERTS, INTERMEDIATE_SIZE, HIDDEN_SIZE), dtype=jnp.float32) * 0.02
    return {
        "hidden_states": hidden_states,
        "gate_weight": gate_weight,
        "gate_up_weights": gate_up_weights,
        "down_weights": down_weights,
    }


def _moe_forward(hidden_states, gate_weight, gate_up_weights, down_weights):
    orig_shape = hidden_states.shape
    x = hidden_states.reshape(-1, orig_shape[-1])
    # router: ReplicatedLinear(hidden_size, num_experts), weight [E, D]
    router_logits = x @ gate_weight.T
    probs = jax.nn.softmax(router_logits.astype(jnp.float32), axis=-1)
    routing_weights, selected_experts = jax.lax.top_k(probs, TOP_K)
    if NORM_TOPK_PROB:
        s = jnp.sum(routing_weights, axis=-1, keepdims=True)
        s = jnp.where(s == 0.0, 1.0, s)
        routing_weights = routing_weights / s
    routing_weights = routing_weights.astype(x.dtype)
    out = jnp.zeros_like(x)
    # Per-expert dense computation; tokens masked by routing selection.
    # Matches the original per-token loop: sum_e w_e * down(silu(gate)*up)
    for e in range(NUM_EXPERTS):
        gu = x @ gate_up_weights[e]  # [T, 2*I] (gate_up weight stored [D, 2*I])
        gate, up = jnp.split(gu, 2, axis=-1)
        act = jax.nn.silu(gate) * up
        eo = act @ down_weights[e]  # [T, D] (down weight stored [I, D])
        w_e = jnp.sum(jnp.where(selected_experts == e, routing_weights, 0.0), axis=-1)
        out = out + eo * w_e[:, None]
    return out.reshape(orig_shape)


def reference(hidden_states, gate_weight, gate_up_weights, down_weights):
    return _moe_forward(hidden_states, gate_weight, gate_up_weights, down_weights)

if __name__ == "__main__":
    import jax
    _d = setup_inputs()
    print(jax.jit(kernel)(*tuple(_d.values())))

</pallas_src>

<mosaic_0001>
#map = affine_map<(d0, d1) -> (0, 0)>
module attributes {stable_mosaic.version = 14 : i64} {
  func.func @k(%arg0: i32, %arg1: i32, %arg2: memref<4096x1024xi32, #tpu.memory_space<hbm>>, %arg3: memref<256x32xi32, #tpu.memory_space<hbm>>, %arg4: memref<256x32xi32, #tpu.memory_space<hbm>>, %arg5: memref<9216x1024xi32, #tpu.memory_space<hbm>>, %arg6: memref<8x32xi32, #tpu.memory_space<vmem>>, %arg7: memref<8x32xi32, #tpu.memory_space<vmem>>, %arg8: memref<32x1024xi32, #tpu.memory_space<vmem>>, %arg9: memref<32x1024xi32, #tpu.memory_space<vmem>>, %arg10: memref<!tpu.dma_semaphore, #tpu.memory_space<semaphore_mem>>, %arg11: memref<!tpu.dma_semaphore, #tpu.memory_space<semaphore_mem>>, %arg12: memref<!tpu.dma_semaphore, #tpu.memory_space<semaphore_mem>>, %arg13: memref<!tpu.dma_semaphore, #tpu.memory_space<semaphore_mem>>) attributes {dimension_semantics = [#tpu.dimension_semantics<core_parallel>, #tpu.dimension_semantics<subcore_parallel>], iteration_bounds = array<i64: 2, 16>, scalar_prefetch = 0 : i64, scratch_operands = 8 : i64, tpu.core_type = #tpu.core_type<sc_vector_subcore>, window_params = [{transform_indices = #map}, {transform_indices = #map}, {transform_indices = #map}, {transform_indices = #map}]} {
    %mul3A = arith.constant 2 : i32
    %mul3A_0 = arith.muli %arg1, %mul3A : i32
    %add3A = arith.addi %mul3A_0, %arg0 : i32
    %mul3A_1 = arith.constant 8 : i32
    %mul3A_2 = arith.muli %add3A, %mul3A_1 : i32
    "tpu.region"() ({
      %run_scoped3A = tpu.sem_alloc : memref<!tpu.dma_semaphore, #tpu.memory_space<semaphore_mem>>
      %dma_start3A_227 = arith.constant 0 : i32
      %dma_start3A_228 = tpu.memref_slice %arg3[%mul3A_2, %dma_start3A_227] : memref<256x32xi32, #tpu.memory_space<hbm>> -> memref<8x32xi32, #tpu.memory_space<hbm>>
      %dma_start3A_229 = arith.constant 0 : i32
      %dma_start3A_230 = tpu.memref_slice %arg3[%mul3A_2, %dma_start3A_229] : memref<256x32xi32, #tpu.memory_space<hbm>> -> memref<8x32xi32, #tpu.memory_space<hbm>>
      tpu.enqueue_dma source(%dma_start3A_230 : memref<8x32xi32, #tpu.memory_space<hbm>>) target(%arg6 : memref<8x32xi32, #tpu.memory_space<vmem>>) target_semaphore(%run_scoped3A : memref<!tpu.dma_semaphore, #tpu.memory_space<semaphore_mem>>)
      %dma_wait3A_231 = arith.constant 0 : i32
      %dma_wait3A_232 = tpu.memref_slice %arg3[%mul3A_2, %dma_wait3A_231] : memref<256x32xi32, #tpu.memory_space<hbm>> -> memref<8x32xi32, #tpu.memory_space<hbm>>
      %dma_wait3A_233 = arith.constant 0 : i32
      %dma_wait3A_234 = tpu.memref_slice %arg3[%mul3A_2, %dma_wait3A_233] : memref<256x32xi32, #tpu.memory_space<hbm>> -> memref<8x32xi32, #tpu.memory_space<hbm>>
      tpu.wait_dma2 semaphore(%run_scoped3A : memref<!tpu.dma_semaphore, #tpu.memory_space<semaphore_mem>>) src(%dma_wait3A_234 : memref<8x32xi32, #tpu.memory_space<hbm>>) dst(%arg6 : memref<8x32xi32, #tpu.memory_space<vmem>>)
      tpu.yield
    }) : () -> ()
    %mul3A_3 = arith.constant 8 : i32
    %mul3A_4 = arith.muli %add3A, %mul3A_3 : i32
    "tpu.region"() ({
      %run_scoped3A = tpu.sem_alloc : memref<!tpu.dma_semaphore, #tpu.memory_space<semaphore_mem>>
      %dma_start3A_227 = arith.constant 0 : i32
      %dma_start3A_228 = tpu.memref_slice %arg4[%mul3A_4, %dma_start3A_227] : memref<256x32xi32, #tpu.memory_space<hbm>> -> memref<8x32xi32, #tpu.memory_space<hbm>>
      %dma_start3A_229 = arith.constant 0 : i32
      %dma_start3A_230 = tpu.memref_slice %arg4[%mul3A_4, %dma_start3A_229] : memref<256x32xi32, #tpu.memory_space<hbm>> -> memref<8x32xi32, #tpu.memory_space<hbm>>
      tpu.enqueue_dma source(%dma_start3A_230 : memref<8x32xi32, #tpu.memory_space<hbm>>) target(%arg7 : memref<8x32xi32, #tpu.memory_space<vmem>>) target_semaphore(%run_scoped3A : memref<!tpu.dma_semaphore, #tpu.memory_space<semaphore_mem>>)
      %dma_wait3A_231 = arith.constant 0 : i32
      %dma_wait3A_232 = tpu.memref_slice %arg4[%mul3A_4, %dma_wait3A_231] : memref<256x32xi32, #tpu.memory_space<hbm>> -> memref<8x32xi32, #tpu.memory_space<hbm>>
      %dma_wait3A_233 = arith.constant 0 : i32
      %dma_wait3A_234 = tpu.memref_slice %arg4[%mul3A_4, %dma_wait3A_233] : memref<256x32xi32, #tpu.memory_space<hbm>> -> memref<8x32xi32, #tpu.memory_space<hbm>>
      tpu.wait_dma2 semaphore(%run_scoped3A : memref<!tpu.dma_semaphore, #tpu.memory_space<semaphore_mem>>) src(%dma_wait3A_234 : memref<8x32xi32, #tpu.memory_space<hbm>>) dst(%arg7 : memref<8x32xi32, #tpu.memory_space<vmem>>)
      tpu.yield
    }) : () -> ()
    %dma_start3A = arith.constant 0 : i32
    %dma_start3A_5 = arith.constant 0 : i32
    %dma_start3A_6 = tpu.memref_slice %arg6[%dma_start3A, %dma_start3A_5] : memref<8x32xi32, #tpu.memory_space<vmem>> -> memref<1x32xi32, #tpu.memory_space<vmem>>
    %dma_start3A_7 = tpu.memref_squeeze %dma_start3A_6 : memref<1x32xi32, #tpu.memory_space<vmem>> -> memref<32xi32, #tpu.memory_space<vmem>>
    %dma_start3A_8 = arith.constant 0 : i32
    %dma_start3A_9 = arith.constant 0 : i32
    %dma_start3A_10 = tpu.memref_slice %arg2[%dma_start3A_8, %dma_start3A_9] : memref<4096x1024xi32, #tpu.memory_space<hbm>> -> memref<4096x1024xi32, #tpu.memory_space<hbm>>
    tpu.enqueue_indirect_dma source(%dma_start3A_10 : memref<4096x1024xi32, #tpu.memory_space<hbm>>) target(%arg8 : memref<32x1024xi32, #tpu.memory_space<vmem>>) offsets(%dma_start3A_7 : memref<32xi32, #tpu.memory_space<vmem>>) semaphore(%arg10 : memref<!tpu.dma_semaphore, #tpu.memory_space<semaphore_mem>>)
    %dma_start3A_11 = arith.constant 1 : i32
    %dma_start3A_12 = arith.constant 0 : i32
    %dma_start3A_13 = tpu.memref_slice %arg6[%dma_start3A_11, %dma_start3A_12] : memref<8x32xi32, #tpu.memory_space<vmem>> -> memref<1x32xi32, #tpu.memory_space<vmem>>
    %dma_start3A_14 = tpu.memref_squeeze %dma_start3A_13 : memref<1x32xi32, #tpu.memory_space<vmem>> -> memref<32xi32, #tpu.memory_space<vmem>>
    %dma_start3A_15 = arith.constant 0 : i32
    %dma_start3A_16 = arith.constant 0 : i32
    %dma_start3A_17 = tpu.memref_slice %arg2[%dma_start3A_15, %dma_start3A_16] : memref<4096x1024xi32, #tpu.memory_space<hbm>> -> memref<4096x1024xi32, #tpu.memory_space<hbm>>
    tpu.enqueue_indirect_dma source(%dma_start3A_17 : memref<4096x1024xi32, #tpu.memory_space<hbm>>) target(%arg9 : memref<32x1024xi32, #tpu.memory_space<vmem>>) offsets(%dma_start3A_14 : memref<32xi32, #tpu.memory_space<vmem>>) semaphore(%arg11 : memref<!tpu.dma_semaphore, #tpu.memory_space<semaphore_mem>>)
    %dma_wait3A = arith.constant 0 : i32
    %dma_wait3A_18 = arith.constant 0 : i32
    %dma_wait3A_19 = tpu.memref_slice %arg6[%dma_wait3A, %dma_wait3A_18] : memref<8x32xi32, #tpu.memory_space<vmem>> -> memref<1x32xi32, #tpu.memory_space<vmem>>
    %dma_wait3A_20 = tpu.memref_squeeze %dma_wait3A_19 : memref<1x32xi32, #tpu.memory_space<vmem>> -> memref<32xi32, #tpu.memory_space<vmem>>
    %dma_wait3A_21 = arith.constant 0 : i32
    %dma_wait3A_22 = arith.constant 0 : i32
    %dma_wait3A_23 = tpu.memref_slice %arg2[%dma_wait3A_21, %dma_wait3A_22] : memref<4096x1024xi32, #tpu.memory_space<hbm>> -> memref<4096x1024xi32, #tpu.memory_space<hbm>>
    tpu.wait_indirect_dma semaphore(%arg10 : memref<!tpu.dma_semaphore, #tpu.memory_space<semaphore_mem>>) src(%dma_wait3A_23 : memref<4096x1024xi32, #tpu.memory_space<hbm>>) dst(%arg8 : memref<32x1024xi32, #tpu.memory_space<vmem>>)
    %dma_start3A_24 = arith.constant 0 : i32
    %dma_start3A_25 = arith.constant 0 : i32
    %dma_start3A_26 = tpu.memref_slice %arg7[%dma_start3A_24, %dma_start3A_25] : memref<8x32xi32, #tpu.memory_space<vmem>> -> memref<1x32xi32, #tpu.memory_space<vmem>>
    %dma_start3A_27 = tpu.memref_squeeze %dma_start3A_26 : memref<1x32xi32, #tpu.memory_space<vmem>> -> memref<32xi32, #tpu.memory_space<vmem>>
    %dma_start3A_28 = arith.constant 0 : i32
    %dma_start3A_29 = arith.constant 0 : i32
    %dma_start3A_30 = tpu.memref_slice %arg5[%dma_start3A_28, %dma_start3A_29] : memref<9216x1024xi32, #tpu.memory_space<hbm>> -> memref<9216x1024xi32, #tpu.memory_space<hbm>>
    tpu.enqueue_indirect_dma source(%arg8 : memref<32x1024xi32, #tpu.memory_space<vmem>>) target(%dma_start3A_30 : memref<9216x1024xi32, #tpu.memory_space<hbm>>) offsets(%dma_start3A_27 : memref<32xi32, #tpu.memory_space<vmem>>) semaphore(%arg12 : memref<!tpu.dma_semaphore, #tpu.memory_space<semaphore_mem>>)
    %dma_wait3A_31 = arith.constant 0 : i32
    %dma_wait3A_32 = arith.constant 0 : i32
    %dma_wait3A_33 = tpu.memref_slice %arg7[%dma_wait3A_31, %dma_wait3A_32] : memref<8x32xi32, #tpu.memory_space<vmem>> -> memref<1x32xi32, #tpu.memory_space<vmem>>
    %dma_wait3A_34 = tpu.memref_squeeze %dma_wait3A_33 : memref<1x32xi32, #tpu.memory_space<vmem>> -> memref<32xi32, #tpu.memory_space<vmem>>
    %dma_wait3A_35 = arith.constant 0 : i32
    %dma_wait3A_36 = arith.constant 0 : i32
    %dma_wait3A_37 = tpu.memref_slice %arg5[%dma_wait3A_35, %dma_wait3A_36] : memref<9216x1024xi32, #tpu.memory_space<hbm>> -> memref<9216x1024xi32, #tpu.memory_space<hbm>>
    tpu.wait_indirect_dma semaphore(%arg12 : memref<!tpu.dma_semaphore, #tpu.memory_space<semaphore_mem>>) src(%arg8 : memref<32x1024xi32, #tpu.memory_space<vmem>>) dst(%dma_wait3A_37 : memref<9216x1024xi32, #tpu.memory_space<hbm>>)
    %dma_start3A_38 = arith.constant 2 : i32
    %dma_start3A_39 = arith.constant 0 : i32
    %dma_start3A_40 = tpu.memref_slice %arg6[%dma_start3A_38, %dma_start3A_39] : memref<8x32xi32, #tpu.memory_space<vmem>> -> memref<1x32xi32, #tpu.memory_space<vmem>>
    %dma_start3A_41 = tpu.memref_squeeze %dma_start3A_40 : memref<1x32xi32, #tpu.memory_space<vmem>> -> memref<32xi32, #tpu.memory_space<vmem>>
    %dma_start3A_42 = arith.constant 0 : i32
    %dma_start3A_43 = arith.constant 0 : i32
    %dma_start3A_44 = tpu.memref_slice %arg2[%dma_start3A_42, %dma_start3A_43] : memref<4096x1024xi32, #tpu.memory_space<hbm>> -> memref<4096x1024xi32, #tpu.memory_space<hbm>>
    tpu.enqueue_indirect_dma source(%dma_start3A_44 : memref<4096x1024xi32, #tpu.memory_space<hbm>>) target(%arg8 : memref<32x1024xi32, #tpu.memory_space<vmem>>) offsets(%dma_start3A_41 : memref<32xi32, #tpu.memory_space<vmem>>) semaphore(%arg10 : memref<!tpu.dma_semaphore, #tpu.memory_space<semaphore_mem>>)
    %dma_wait3A_45 = arith.constant 1 : i32
    %dma_wait3A_46 = arith.constant 0 : i32
    %dma_wait3A_47 = tpu.memref_slice %arg6[%dma_wait3A_45, %dma_wait3A_46] : memref<8x32xi32, #tpu.memory_space<vmem>> -> memref<1x32xi32, #tpu.memory_space<vmem>>
    %dma_wait3A_48 = tpu.memref_squeeze %dma_wait3A_47 : memref<1x32xi32, #tpu.memory_space<vmem>> -> memref<32xi32, #tpu.memory_space<vmem>>
    %dma_wait3A_49 = arith.constant 0 : i32
    %dma_wait3A_50 = arith.constant 0 : i32
    %dma_wait3A_51 = tpu.memref_slice %arg2[%dma_wait3A_49, %dma_wait3A_50] : memref<4096x1024xi32, #tpu.memory_space<hbm>> -> memref<4096x1024xi32, #tpu.memory_space<hbm>>
    tpu.wait_indirect_dma semaphore(%arg11 : memref<!tpu.dma_semaphore, #tpu.memory_space<semaphore_mem>>) src(%dma_wait3A_51 : memref<4096x1024xi32, #tpu.memory_space<hbm>>) dst(%arg9 : memref<32x1024xi32, #tpu.memory_space<vmem>>)
    %dma_start3A_52 = arith.constant 1 : i32
    %dma_start3A_53 = arith.constant 0 : i32
    %dma_start3A_54 = tpu.memref_slice %arg7[%dma_start3A_52, %dma_start3A_53] : memref<8x32xi32, #tpu.memory_space<vmem>> -> memref<1x32xi32, #tpu.memory_space<vmem>>
    %dma_start3A_55 = tpu.memref_squeeze %dma_start3A_54 : memref<1x32xi32, #tpu.memory_space<vmem>> -> memref<32xi32, #tpu.memory_space<vmem>>
    %dma_start3A_56 = arith.constant 0 : i32
    %dma_start3A_57 = arith.constant 0 : i32
    %dma_start3A_58 = tpu.memref_slice %arg5[%dma_start3A_56, %dma_start3A_57] : memref<9216x1024xi32, #tpu.memory_space<hbm>> -> memref<9216x1024xi32, #tpu.memory_space<hbm>>
    tpu.enqueue_indirect_dma source(%arg9 : memref<32x1024xi32, #tpu.memory_space<vmem>>) target(%dma_start3A_58 : memref<9216x1024xi32, #tpu.memory_space<hbm>>) offsets(%dma_start3A_55 : memref<32xi32, #tpu.memory_space<vmem>>) semaphore(%arg13 : memref<!tpu.dma_semaphore, #tpu.memory_space<semaphore_mem>>)
    %dma_wait3A_59 = arith.constant 1 : i32
    %dma_wait3A_60 = arith.constant 0 : i32
    %dma_wait3A_61 = tpu.memref_slice %arg7[%dma_wait3A_59, %dma_wait3A_60] : memref<8x32xi32, #tpu.memory_space<vmem>> -> memref<1x32xi32, #tpu.memory_space<vmem>>
    %dma_wait3A_62 = tpu.memref_squeeze %dma_wait3A_61 : memref<1x32xi32, #tpu.memory_space<vmem>> -> memref<32xi32, #tpu.memory_space<vmem>>
    %dma_wait3A_63 = arith.constant 0 : i32
    %dma_wait3A_64 = arith.constant 0 : i32
    %dma_wait3A_65 = tpu.memref_slice %arg5[%dma_wait3A_63, %dma_wait3A_64] : memref<9216x1024xi32, #tpu.memory_space<hbm>> -> memref<9216x1024xi32, #tpu.memory_space<hbm>>
    tpu.wait_indirect_dma semaphore(%arg13 : memref<!tpu.dma_semaphore, #tpu.memory_space<semaphore_mem>>) src(%arg9 : memref<32x1024xi32, #tpu.memory_space<vmem>>) dst(%dma_wait3A_65 : memref<9216x1024xi32, #tpu.memory_space<hbm>>)
    %dma_start3A_66 = arith.constant 3 : i32
    %dma_start3A_67 = arith.constant 0 : i32
    %dma_start3A_68 = tpu.memref_slice %arg6[%dma_start3A_66, %dma_start3A_67] : memref<8x32xi32, #tpu.memory_space<vmem>> -> memref<1x32xi32, #tpu.memory_space<vmem>>
    %dma_start3A_69 = tpu.memref_squeeze %dma_start3A_68 : memref<1x32xi32, #tpu.memory_space<vmem>> -> memref<32xi32, #tpu.memory_space<vmem>>
    %dma_start3A_70 = arith.constant 0 : i32
    %dma_start3A_71 = arith.constant 0 : i32
    %dma_start3A_72 = tpu.memref_slice %arg2[%dma_start3A_70, %dma_start3A_71] : memref<4096x1024xi32, #tpu.memory_space<hbm>> -> memref<4096x1024xi32, #tpu.memory_space<hbm>>
    tpu.enqueue_indirect_dma source(%dma_start3A_72 : memref<4096x1024xi32, #tpu.memory_space<hbm>>) target(%arg9 : memref<32x1024xi32, #tpu.memory_space<vmem>>) offsets(%dma_start3A_69 : memref<32xi32, #tpu.memory_space<vmem>>) semaphore(%arg11 : memref<!tpu.dma_semaphore, #tpu.memory_space<semaphore_mem>>)
    %dma_wait3A_73 = arith.constant 2 : i32
    %dma_wait3A_74 = arith.constant 0 : i32
    %dma_wait3A_75 = tpu.memref_slice %arg6[%dma_wait3A_73, %dma_wait3A_74] : memref<8x32xi32, #tpu.memory_space<vmem>> -> memref<1x32xi32, #tpu.memory_space<vmem>>
    %dma_wait3A_76 = tpu.memref_squeeze %dma_wait3A_75 : memref<1x32xi32, #tpu.memory_space<vmem>> -> memref<32xi32, #tpu.memory_space<vmem>>
    %dma_wait3A_77 = arith.constant 0 : i32
    %dma_wait3A_78 = arith.constant 0 : i32
    %dma_wait3A_79 = tpu.memref_slice %arg2[%dma_wait3A_77, %dma_wait3A_78] : memref<4096x1024xi32, #tpu.memory_space<hbm>> -> memref<4096x1024xi32, #tpu.memory_space<hbm>>
    tpu.wait_indirect_dma semaphore(%arg10 : memref<!tpu.dma_semaphore, #tpu.memory_space<semaphore_mem>>) src(%dma_wait3A_79 : memref<4096x1024xi32, #tpu.memory_space<hbm>>) dst(%arg8 : memref<32x1024xi32, #tpu.memory_space<vmem>>)
    %dma_start3A_80 = arith.constant 2 : i32
    %dma_start3A_81 = arith.constant 0 : i32
    %dma_start3A_82 = tpu.memref_slice %arg7[%dma_start3A_80, %dma_start3A_81] : memref<8x32xi32, #tpu.memory_space<vmem>> -> memref<1x32xi32, #tpu.memory_space<vmem>>
    %dma_start3A_83 = tpu.memref_squeeze %dma_start3A_82 : memref<1x32xi32, #tpu.memory_space<vmem>> -> memref<32xi32, #tpu.memory_space<vmem>>
    %dma_start3A_84 = arith.constant 0 : i32
    %dma_start3A_85 = arith.constant 0 : i32
    %dma_start3A_86 = tpu.memref_slice %arg5[%dma_start3A_84, %dma_start3A_85] : memref<9216x1024xi32, #tpu.memory_space<hbm>> -> memref<9216x1024xi32, #tpu.memory_space<hbm>>
    tpu.enqueue_indirect_dma source(%arg8 : memref<32x1024xi32, #tpu.memory_space<vmem>>) target(%dma_start3A_86 : memref<9216x1024xi32, #tpu.memory_space<hbm>>) offsets(%dma_start3A_83 : memref<32xi32, #tpu.memory_space<vmem>>) semaphore(%arg12 : memref<!tpu.dma_semaphore, #tpu.memory_space<semaphore_mem>>)
    %dma_wait3A_87 = arith.constant 2 : i32
    %dma_wait3A_88 = arith.constant 0 : i32
    %dma_wait3A_89 = tpu.memref_slice %arg7[%dma_wait3A_87, %dma_wait3A_88] : memref<8x32xi32, #tpu.memory_space<vmem>> -> memref<1x32xi32, #tpu.memory_space<vmem>>
    %dma_wait3A_90 = tpu.memref_squeeze %dma_wait3A_89 : memref<1x32xi32, #tpu.memory_space<vmem>> -> memref<32xi32, #tpu.memory_space<vmem>>
    %dma_wait3A_91 = arith.constant 0 : i32
    %dma_wait3A_92 = arith.constant 0 : i32
    %dma_wait3A_93 = tpu.memref_slice %arg5[%dma_wait3A_91, %dma_wait3A_92] : memref<9216x1024xi32, #tpu.memory_space<hbm>> -> memref<9216x1024xi32, #tpu.memory_space<hbm>>
    tpu.wait_indirect_dma semaphore(%arg12 : memref<!tpu.dma_semaphore, #tpu.memory_space<semaphore_mem>>) src(%arg8 : memref<32x1024xi32, #tpu.memory_space<vmem>>) dst(%dma_wait3A_93 : memref<9216x1024xi32, #tpu.memory_space<hbm>>)
    %dma_start3A_94 = arith.constant 4 : i32
    %dma_start3A_95 = arith.constant 0 : i32
    %dma_start3A_96 = tpu.memref_slice %arg6[%dma_start3A_94, %dma_start3A_95] : memref<8x32xi32, #tpu.memory_space<vmem>> -> memref<1x32xi32, #tpu.memory_space<vmem>>
    %dma_start3A_97 = tpu.memref_squeeze %dma_start3A_96 : memref<1x32xi32, #tpu.memory_space<vmem>> -> memref<32xi32, #tpu.memory_space<vmem>>
    %dma_start3A_98 = arith.constant 0 : i32
    %dma_start3A_99 = arith.constant 0 : i32
    %dma_start3A_100 = tpu.memref_slice %arg2[%dma_start3A_98, %dma_start3A_99] : memref<4096x1024xi32, #tpu.memory_space<hbm>> -> memref<4096x1024xi32, #tpu.memory_space<hbm>>
    tpu.enqueue_indirect_dma source(%dma_start3A_100 : memref<4096x1024xi32, #tpu.memory_space<hbm>>) target(%arg8 : memref<32x1024xi32, #tpu.memory_space<vmem>>) offsets(%dma_start3A_97 : memref<32xi32, #tpu.memory_space<vmem>>) semaphore(%arg10 : memref<!tpu.dma_semaphore, #tpu.memory_space<semaphore_mem>>)
    %dma_wait3A_101 = arith.constant 3 : i32
    %dma_wait3A_102 = arith.constant 0 : i32
    %dma_wait3A_103 = tpu.memref_slice %arg6[%dma_wait3A_101, %dma_wait3A_102] : memref<8x32xi32, #tpu.memory_space<vmem>> -> memref<1x32xi32, #tpu.memory_space<vmem>>
    %dma_wait3A_104 = tpu.memref_squeeze %dma_wait3A_103 : memref<1x32xi32, #tpu.memory_space<vmem>> -> memref<32xi32, #tpu.memory_space<vmem>>
    %dma_wait3A_105 = arith.constant 0 : i32
    %dma_wait3A_106 = arith.constant 0 : i32
    %dma_wait3A_107 = tpu.memref_slice %arg2[%dma_wait3A_105, %dma_wait3A_106] : memref<4096x1024xi32, #tpu.memory_space<hbm>> -> memref<4096x1024xi32, #tpu.memory_space<hbm>>
    tpu.wait_indirect_dma semaphore(%arg11 : memref<!tpu.dma_semaphore, #tpu.memory_space<semaphore_mem>>) src(%dma_wait3A_107 : memref<4096x1024xi32, #tpu.memory_space<hbm>>) dst(%arg9 : memref<32x1024xi32, #tpu.memory_space<vmem>>)
    %dma_start3A_108 = arith.constant 3 : i32
    %dma_start3A_109 = arith.constant 0 : i32
    %dma_start3A_110 = tpu.memref_slice %arg7[%dma_start3A_108, %dma_start3A_109] : memref<8x32xi32, #tpu.memory_space<vmem>> -> memref<1x32xi32, #tpu.memory_space<vmem>>
    %dma_start3A_111 = tpu.memref_squeeze %dma_start3A_110 : memref<1x32xi32, #tpu.memory_space<vmem>> -> memref<32xi32, #tpu.memory_space<vmem>>
    %dma_start3A_112 = arith.constant 0 : i32
    %dma_start3A_113 = arith.constant 0 : i32
    %dma_start3A_114 = tpu.memref_slice %arg5[%dma_start3A_112, %dma_start3A_113] : memref<9216x1024xi32, #tpu.memory_space<hbm>> -> memref<9216x1024xi32, #tpu.memory_space<hbm>>
    tpu.enqueue_indirect_dma source(%arg9 : memref<32x1024xi32, #tpu.memory_space<vmem>>) target(%dma_start3A_114 : memref<9216x1024xi32, #tpu.memory_space<hbm>>) offsets(%dma_start3A_111 : memref<32xi32, #tpu.memory_space<vmem>>) semaphore(%arg13 : memref<!tpu.dma_semaphore, #tpu.memory_space<semaphore_mem>>)
    %dma_wait3A_115 = arith.constant 3 : i32
    %dma_wait3A_116 = arith.constant 0 : i32
    %dma_wait3A_117 = tpu.memref_slice %arg7[%dma_wait3A_115, %dma_wait3A_116] : memref<8x32xi32, #tpu.memory_space<vmem>> -> memref<1x32xi32, #tpu.memory_space<vmem>>
    %dma_wait3A_118 = tpu.memref_squeeze %dma_wait3A_117 : memref<1x32xi32, #tpu.memory_space<vmem>> -> memref<32xi32, #tpu.memory_space<vmem>>
    %dma_wait3A_119 = arith.constant 0 : i32
    %dma_wait3A_120 = arith.constant 0 : i32
    %dma_wait3A_121 = tpu.memref_slice %arg5[%dma_wait3A_119, %dma_wait3A_120] : memref<9216x1024xi32, #tpu.memory_space<hbm>> -> memref<9216x1024xi32, #tpu.memory_space<hbm>>
    tpu.wait_indirect_dma semaphore(%arg13 : memref<!tpu.dma_semaphore, #tpu.memory_space<semaphore_mem>>) src(%arg9 : memref<32x1024xi32, #tpu.memory_space<vmem>>) dst(%dma_wait3A_121 : memref<9216x1024xi32, #tpu.memory_space<hbm>>)
    %dma_start3A_122 = arith.constant 5 : i32
    %dma_start3A_123 = arith.constant 0 : i32
    %dma_start3A_124 = tpu.memref_slice %arg6[%dma_start3A_122, %dma_start3A_123] : memref<8x32xi32, #tpu.memory_space<vmem>> -> memref<1x32xi32, #tpu.memory_space<vmem>>
    %dma_start3A_125 = tpu.memref_squeeze %dma_start3A_124 : memref<1x32xi32, #tpu.memory_space<vmem>> -> memref<32xi32, #tpu.memory_space<vmem>>
    %dma_start3A_126 = arith.constant 0 : i32
    %dma_start3A_127 = arith.constant 0 : i32
    %dma_start3A_128 = tpu.memref_slice %arg2[%dma_start3A_126, %dma_start3A_127] : memref<4096x1024xi32, #tpu.memory_space<hbm>> -> memref<4096x1024xi32, #tpu.memory_space<hbm>>
    tpu.enqueue_indirect_dma source(%dma_start3A_128 : memref<4096x1024xi32, #tpu.memory_space<hbm>>) target(%arg9 : memref<32x1024xi32, #tpu.memory_space<vmem>>) offsets(%dma_start3A_125 : memref<32xi32, #tpu.memory_space<vmem>>) semaphore(%arg11 : memref<!tpu.dma_semaphore, #tpu.memory_space<semaphore_mem>>)
    %dma_wait3A_129 = arith.constant 4 : i32
    %dma_wait3A_130 = arith.constant 0 : i32
    %dma_wait3A_131 = tpu.memref_slice %arg6[%dma_wait3A_129, %dma_wait3A_130] : memref<8x32xi32, #tpu.memory_space<vmem>> -> memref<1x32xi32, #tpu.memory_space<vmem>>
    %dma_wait3A_132 = tpu.memref_squeeze %dma_wait3A_131 : memref<1x32xi32, #tpu.memory_space<vmem>> -> memref<32xi32, #tpu.memory_space<vmem>>
    %dma_wait3A_133 = arith.constant 0 : i32
    %dma_wait3A_134 = arith.constant 0 : i32
    %dma_wait3A_135 = tpu.memref_slice %arg2[%dma_wait3A_133, %dma_wait3A_134] : memref<4096x1024xi32, #tpu.memory_space<hbm>> -> memref<4096x1024xi32, #tpu.memory_space<hbm>>
    tpu.wait_indirect_dma semaphore(%arg10 : memref<!tpu.dma_semaphore, #tpu.memory_space<semaphore_mem>>) src(%dma_wait3A_135 : memref<4096x1024xi32, #tpu.memory_space<hbm>>) dst(%arg8 : memref<32x1024xi32, #tpu.memory_space<vmem>>)
    %dma_start3A_136 = arith.constant 4 : i32
    %dma_start3A_137 = arith.constant 0 : i32
    %dma_start3A_138 = tpu.memref_slice %arg7[%dma_start3A_136, %dma_start3A_137] : memref<8x32xi32, #tpu.memory_space<vmem>> -> memref<1x32xi32, #tpu.memory_space<vmem>>
    %dma_start3A_139 = tpu.memref_squeeze %dma_start3A_138 : memref<1x32xi32, #tpu.memory_space<vmem>> -> memref<32xi32, #tpu.memory_space<vmem>>
    %dma_start3A_140 = arith.constant 0 : i32
    %dma_start3A_141 = arith.constant 0 : i32
    %dma_start3A_142 = tpu.memref_slice %arg5[%dma_start3A_140, %dma_start3A_141] : memref<9216x1024xi32, #tpu.memory_space<hbm>> -> memref<9216x1024xi32, #tpu.memory_space<hbm>>
    tpu.enqueue_indirect_dma source(%arg8 : memref<32x1024xi32, #tpu.memory_space<vmem>>) target(%dma_start3A_142 : memref<9216x1024xi32, #tpu.memory_space<hbm>>) offsets(%dma_start3A_139 : memref<32xi32, #tpu.memory_space<vmem>>) semaphore(%arg12 : memref<!tpu.dma_semaphore, #tpu.memory_space<semaphore_mem>>)
    %dma_wait3A_143 = arith.constant 4 : i32
    %dma_wait3A_144 = arith.constant 0 : i32
    %dma_wait3A_145 = tpu.memref_slice %arg7[%dma_wait3A_143, %dma_wait3A_144] : memref<8x32xi32, #tpu.memory_space<vmem>> -> memref<1x32xi32, #tpu.memory_space<vmem>>
    %dma_wait3A_146 = tpu.memref_squeeze %dma_wait3A_145 : memref<1x32xi32, #tpu.memory_space<vmem>> -> memref<32xi32, #tpu.memory_space<vmem>>
    %dma_wait3A_147 = arith.constant 0 : i32
    %dma_wait3A_148 = arith.constant 0 : i32
    %dma_wait3A_149 = tpu.memref_slice %arg5[%dma_wait3A_147, %dma_wait3A_148] : memref<9216x1024xi32, #tpu.memory_space<hbm>> -> memref<9216x1024xi32, #tpu.memory_space<hbm>>
    tpu.wait_indirect_dma semaphore(%arg12 : memref<!tpu.dma_semaphore, #tpu.memory_space<semaphore_mem>>) src(%arg8 : memref<32x1024xi32, #tpu.memory_space<vmem>>) dst(%dma_wait3A_149 : memref<9216x1024xi32, #tpu.memory_space<hbm>>)
    %dma_start3A_150 = arith.constant 6 : i32
    %dma_start3A_151 = arith.constant 0 : i32
    %dma_start3A_152 = tpu.memref_slice %arg6[%dma_start3A_150, %dma_start3A_151] : memref<8x32xi32, #tpu.memory_space<vmem>> -> memref<1x32xi32, #tpu.memory_space<vmem>>
    %dma_start3A_153 = tpu.memref_squeeze %dma_start3A_152 : memref<1x32xi32, #tpu.memory_space<vmem>> -> memref<32xi32, #tpu.memory_space<vmem>>
    %dma_start3A_154 = arith.constant 0 : i32
    %dma_start3A_155 = arith.constant 0 : i32
    %dma_start3A_156 = tpu.memref_slice %arg2[%dma_start3A_154, %dma_start3A_155] : memref<4096x1024xi32, #tpu.memory_space<hbm>> -> memref<4096x1024xi32, #tpu.memory_space<hbm>>
    tpu.enqueue_indirect_dma source(%dma_start3A_156 : memref<4096x1024xi32, #tpu.memory_space<hbm>>) target(%arg8 : memref<32x1024xi32, #tpu.memory_space<vmem>>) offsets(%dma_start3A_153 : memref<32xi32, #tpu.memory_space<vmem>>) semaphore(%arg10 : memref<!tpu.dma_semaphore, #tpu.memory_space<semaphore_mem>>)
    %dma_wait3A_157 = arith.constant 5 : i32
    %dma_wait3A_158 = arith.constant 0 : i32
    %dma_wait3A_159 = tpu.memref_slice %arg6[%dma_wait3A_157, %dma_wait3A_158] : memref<8x32xi32, #tpu.memory_space<vmem>> -> memref<1x32xi32, #tpu.memory_space<vmem>>
    %dma_wait3A_160 = tpu.memref_squeeze %dma_wait3A_159 : memref<1x32xi32, #tpu.memory_space<vmem>> -> memref<32xi32, #tpu.memory_space<vmem>>
    %dma_wait3A_161 = arith.constant 0 : i32
    %dma_wait3A_162 = arith.constant 0 : i32
    %dma_wait3A_163 = tpu.memref_slice %arg2[%dma_wait3A_161, %dma_wait3A_162] : memref<4096x1024xi32, #tpu.memory_space<hbm>> -> memref<4096x1024xi32, #tpu.memory_space<hbm>>
    tpu.wait_indirect_dma semaphore(%arg11 : memref<!tpu.dma_semaphore, #tpu.memory_space<semaphore_mem>>) src(%dma_wait3A_163 : memref<4096x1024xi32, #tpu.memory_space<hbm>>) dst(%arg9 : memref<32x1024xi32, #tpu.memory_space<vmem>>)
    %dma_start3A_164 = arith.constant 5 : i32
    %dma_start3A_165 = arith.constant 0 : i32
    %dma_start3A_166 = tpu.memref_slice %arg7[%dma_start3A_164, %dma_start3A_165] : memref<8x32xi32, #tpu.memory_space<vmem>> -> memref<1x32xi32, #tpu.memory_space<vmem>>
    %dma_start3A_167 = tpu.memref_squeeze %dma_start3A_166 : memref<1x32xi32, #tpu.memory_space<vmem>> -> memref<32xi32, #tpu.memory_space<vmem>>
    %dma_start3A_168 = arith.constant 0 : i32
    %dma_start3A_169 = arith.constant 0 : i32
    %dma_start3A_170 = tpu.memref_slice %arg5[%dma_start3A_168, %dma_start3A_169] : memref<9216x1024xi32, #tpu.memory_space<hbm>> -> memref<9216x1024xi32, #tpu.memory_space<hbm>>
    tpu.enqueue_indirect_dma source(%arg9 : memref<32x1024xi32, #tpu.memory_space<vmem>>) target(%dma_start3A_170 : memref<9216x1024xi32, #tpu.memory_space<hbm>>) offsets(%dma_start3A_167 : memref<32xi32, #tpu.memory_space<vmem>>) semaphore(%arg13 : memref<!tpu.dma_semaphore, #tpu.memory_space<semaphore_mem>>)
    %dma_wait3A_171 = arith.constant 5 : i32
    %dma_wait3A_172 = arith.constant 0 : i32
    %dma_wait3A_173 = tpu.memref_slice %arg7[%dma_wait3A_171, %dma_wait3A_172] : memref<8x32xi32, #tpu.memory_space<vmem>> -> memref<1x32xi32, #tpu.memory_space<vmem>>
    %dma_wait3A_174 = tpu.memref_squeeze %dma_wait3A_173 : memref<1x32xi32, #tpu.memory_space<vmem>> -> memref<32xi32, #tpu.memory_space<vmem>>
    %dma_wait3A_175 = arith.constant 0 : i32
    %dma_wait3A_176 = arith.constant 0 : i32
    %dma_wait3A_177 = tpu.memref_slice %arg5[%dma_wait3A_175, %dma_wait3A_176] : memref<9216x1024xi32, #tpu.memory_space<hbm>> -> memref<9216x1024xi32, #tpu.memory_space<hbm>>
    tpu.wait_indirect_dma semaphore(%arg13 : memref<!tpu.dma_semaphore, #tpu.memory_space<semaphore_mem>>) src(%arg9 : memref<32x1024xi32, #tpu.memory_space<vmem>>) dst(%dma_wait3A_177 : memref<9216x1024xi32, #tpu.memory_space<hbm>>)
    %dma_start3A_178 = arith.constant 7 : i32
    %dma_start3A_179 = arith.constant 0 : i32
    %dma_start3A_180 = tpu.memref_slice %arg6[%dma_start3A_178, %dma_start3A_179] : memref<8x32xi32, #tpu.memory_space<vmem>> -> memref<1x32xi32, #tpu.memory_space<vmem>>
    %dma_start3A_181 = tpu.memref_squeeze %dma_start3A_180 : memref<1x32xi32, #tpu.memory_space<vmem>> -> memref<32xi32, #tpu.memory_space<vmem>>
    %dma_start3A_182 = arith.constant 0 : i32
    %dma_start3A_183 = arith.constant 0 : i32
    %dma_start3A_184 = tpu.memref_slice %arg2[%dma_start3A_182, %dma_start3A_183] : memref<4096x1024xi32, #tpu.memory_space<hbm>> -> memref<4096x1024xi32, #tpu.memory_space<hbm>>
    tpu.enqueue_indirect_dma source(%dma_start3A_184 : memref<4096x1024xi32, #tpu.memory_space<hbm>>) target(%arg9 : memref<32x1024xi32, #tpu.memory_space<vmem>>) offsets(%dma_start3A_181 : memref<32xi32, #tpu.memory_space<vmem>>) semaphore(%arg11 : memref<!tpu.dma_semaphore, #tpu.memory_space<semaphore_mem>>)
    %dma_wait3A_185 = arith.constant 6 : i32
    %dma_wait3A_186 = arith.constant 0 : i32
    %dma_wait3A_187 = tpu.memref_slice %arg6[%dma_wait3A_185, %dma_wait3A_186] : memref<8x32xi32, #tpu.memory_space<vmem>> -> memref<1x32xi32, #tpu.memory_space<vmem>>
    %dma_wait3A_188 = tpu.memref_squeeze %dma_wait3A_187 : memref<1x32xi32, #tpu.memory_space<vmem>> -> memref<32xi32, #tpu.memory_space<vmem>>
    %dma_wait3A_189 = arith.constant 0 : i32
    %dma_wait3A_190 = arith.constant 0 : i32
    %dma_wait3A_191 = tpu.memref_slice %arg2[%dma_wait3A_189, %dma_wait3A_190] : memref<4096x1024xi32, #tpu.memory_space<hbm>> -> memref<4096x1024xi32, #tpu.memory_space<hbm>>
    tpu.wait_indirect_dma semaphore(%arg10 : memref<!tpu.dma_semaphore, #tpu.memory_space<semaphore_mem>>) src(%dma_wait3A_191 : memref<4096x1024xi32, #tpu.memory_space<hbm>>) dst(%arg8 : memref<32x1024xi32, #tpu.memory_space<vmem>>)
    %dma_start3A_192 = arith.constant 6 : i32
    %dma_start3A_193 = arith.constant 0 : i32
    %dma_start3A_194 = tpu.memref_slice %arg7[%dma_start3A_192, %dma_start3A_193] : memref<8x32xi32, #tpu.memory_space<vmem>> -> memref<1x32xi32, #tpu.memory_space<vmem>>
    %dma_start3A_195 = tpu.memref_squeeze %dma_start3A_194 : memref<1x32xi32, #tpu.memory_space<vmem>> -> memref<32xi32, #tpu.memory_space<vmem>>
    %dma_start3A_196 = arith.constant 0 : i32
    %dma_start3A_197 = arith.constant 0 : i32
    %dma_start3A_198 = tpu.memref_slice %arg5[%dma_start3A_196, %dma_start3A_197] : memref<9216x1024xi32, #tpu.memory_space<hbm>> -> memref<9216x1024xi32, #tpu.memory_space<hbm>>
    tpu.enqueue_indirect_dma source(%arg8 : memref<32x1024xi32, #tpu.memory_space<vmem>>) target(%dma_start3A_198 : memref<9216x1024xi32, #tpu.memory_space<hbm>>) offsets(%dma_start3A_195 : memref<32xi32, #tpu.memory_space<vmem>>) semaphore(%arg12 : memref<!tpu.dma_semaphore, #tpu.memory_space<semaphore_mem>>)
    %dma_wait3A_199 = arith.constant 6 : i32
    %dma_wait3A_200 = arith.constant 0 : i32
    %dma_wait3A_201 = tpu.memref_slice %arg7[%dma_wait3A_199, %dma_wait3A_200] : memref<8x32xi32, #tpu.memory_space<vmem>> -> memref<1x32xi32, #tpu.memory_space<vmem>>
    %dma_wait3A_202 = tpu.memref_squeeze %dma_wait3A_201 : memref<1x32xi32, #tpu.memory_space<vmem>> -> memref<32xi32, #tpu.memory_space<vmem>>
    %dma_wait3A_203 = arith.constant 0 : i32
    %dma_wait3A_204 = arith.constant 0 : i32
    %dma_wait3A_205 = tpu.memref_slice %arg5[%dma_wait3A_203, %dma_wait3A_204] : memref<9216x1024xi32, #tpu.memory_space<hbm>> -> memref<9216x1024xi32, #tpu.memory_space<hbm>>
    tpu.wait_indirect_dma semaphore(%arg12 : memref<!tpu.dma_semaphore, #tpu.memory_space<semaphore_mem>>) src(%arg8 : memref<32x1024xi32, #tpu.memory_space<vmem>>) dst(%dma_wait3A_205 : memref<9216x1024xi32, #tpu.memory_space<hbm>>)
    %dma_wait3A_206 = arith.constant 7 : i32
    %dma_wait3A_207 = arith.constant 0 : i32
    %dma_wait3A_208 = tpu.memref_slice %arg6[%dma_wait3A_206, %dma_wait3A_207] : memref<8x32xi32, #tpu.memory_space<vmem>> -> memref<1x32xi32, #tpu.memory_space<vmem>>
    %dma_wait3A_209 = tpu.memref_squeeze %dma_wait3A_208 : memref<1x32xi32, #tpu.memory_space<vmem>> -> memref<32xi32, #tpu.memory_space<vmem>>
    %dma_wait3A_210 = arith.constant 0 : i32
    %dma_wait3A_211 = arith.constant 0 : i32
    %dma_wait3A_212 = tpu.memref_slice %arg2[%dma_wait3A_210, %dma_wait3A_211] : memref<4096x1024xi32, #tpu.memory_space<hbm>> -> memref<4096x1024xi32, #tpu.memory_space<hbm>>
    tpu.wait_indirect_dma semaphore(%arg11 : memref<!tpu.dma_semaphore, #tpu.memory_space<semaphore_mem>>) src(%dma_wait3A_212 : memref<4096x1024xi32, #tpu.memory_space<hbm>>) dst(%arg9 : memref<32x1024xi32, #tpu.memory_space<vmem>>)
    %dma_start3A_213 = arith.constant 7 : i32
    %dma_start3A_214 = arith.constant 0 : i32
    %dma_start3A_215 = tpu.memref_slice %arg7[%dma_start3A_213, %dma_start3A_214] : memref<8x32xi32, #tpu.memory_space<vmem>> -> memref<1x32xi32, #tpu.memory_space<vmem>>
    %dma_start3A_216 = tpu.memref_squeeze %dma_start3A_215 : memref<1x32xi32, #tpu.memory_space<vmem>> -> memref<32xi32, #tpu.memory_space<vmem>>
    %dma_start3A_217 = arith.constant 0 : i32
    %dma_start3A_218 = arith.constant 0 : i32
    %dma_start3A_219 = tpu.memref_slice %arg5[%dma_start3A_217, %dma_start3A_218] : memref<9216x1024xi32, #tpu.memory_space<hbm>> -> memref<9216x1024xi32, #tpu.memory_space<hbm>>
    tpu.enqueue_indirect_dma source(%arg9 : memref<32x1024xi32, #tpu.memory_space<vmem>>) target(%dma_start3A_219 : memref<9216x1024xi32, #tpu.memory_space<hbm>>) offsets(%dma_start3A_216 : memref<32xi32, #tpu.memory_space<vmem>>) semaphore(%arg13 : memref<!tpu.dma_semaphore, #tpu.memory_space<semaphore_mem>>)
    %dma_wait3A_220 = arith.constant 7 : i32
    %dma_wait3A_221 = arith.constant 0 : i32
    %dma_wait3A_222 = tpu.memref_slice %arg7[%dma_wait3A_220, %dma_wait3A_221] : memref<8x32xi32, #tpu.memory_space<vmem>> -> memref<1x32xi32, #tpu.memory_space<vmem>>
    %dma_wait3A_223 = tpu.memref_squeeze %dma_wait3A_222 : memref<1x32xi32, #tpu.memory_space<vmem>> -> memref<32xi32, #tpu.memory_space<vmem>>
    %dma_wait3A_224 = arith.constant 0 : i32
    %dma_wait3A_225 = arith.constant 0 : i32
    %dma_wait3A_226 = tpu.memref_slice %arg5[%dma_wait3A_224, %dma_wait3A_225] : memref<9216x1024xi32, #tpu.memory_space<hbm>> -> memref<9216x1024xi32, #tpu.memory_space<hbm>>
    tpu.wait_indirect_dma semaphore(%arg13 : memref<!tpu.dma_semaphore, #tpu.memory_space<semaphore_mem>>) src(%arg9 : memref<32x1024xi32, #tpu.memory_space<vmem>>) dst(%dma_wait3A_226 : memref<9216x1024xi32, #tpu.memory_space<hbm>>)
    return
  }
}

#map = affine_map<(d0, d1) -> (0, 0)>
module attributes {stable_mosaic.version = 14 : i64} {
  func.func @k(%arg0: i32, %arg1: i32, %arg2: memref<9216x1024xi32, #tpu.memory_space<hbm>>, %arg3: memref<256x32xi32, #tpu.memory_space<hbm>>, %arg4: memref<8192x1024xi32, #tpu.memory_space<hbm>>, %arg5: memref<8x32xi32, #tpu.memory_space<vmem>>, %arg6: memref<32x1024xi32, #tpu.memory_space<vmem>>, %arg7: memref<32x1024xi32, #tpu.memory_space<vmem>>, %arg8: memref<!tpu.dma_semaphore, #tpu.memory_space<semaphore_mem>>, %arg9: memref<!tpu.dma_semaphore, #tpu.memory_space<semaphore_mem>>, %arg10: memref<!tpu.dma_semaphore, #tpu.memory_space<semaphore_mem>>, %arg11: memref<!tpu.dma_semaphore, #tpu.memory_space<semaphore_mem>>) attributes {dimension_semantics = [#tpu.dimension_semantics<core_parallel>, #tpu.dimension_semantics<subcore_parallel>], iteration_bounds = array<i64: 2, 16>, scalar_prefetch = 0 : i64, scratch_operands = 7 : i64, tpu.core_type = #tpu.core_type<sc_vector_subcore>, window_params = [{transform_indices = #map}, {transform_indices = #map}, {transform_indices = #map}]} {
    %mul3A = arith.constant 2 : i32
    %mul3A_0 = arith.muli %arg1, %mul3A : i32
    %add3A = arith.addi %mul3A_0, %arg0 : i32
    %mul3A_1 = arith.constant 8 : i32
    %mul3A_2 = arith.muli %add3A, %mul3A_1 : i32
    "tpu.region"() ({
      %run_scoped3A = tpu.sem_alloc : memref<!tpu.dma_semaphore, #tpu.memory_space<semaphore_mem>>
      %dma_start3A_209 = arith.constant 0 : i32
      %dma_start3A_210 = tpu.memref_slice %arg3[%mul3A_2, %dma_start3A_209] : memref<256x32xi32, #tpu.memory_space<hbm>> -> memref<8x32xi32, #tpu.memory_space<hbm>>
      %dma_start3A_211 = arith.constant 0 : i32
      %dma_start3A_212 = tpu.memref_slice %arg3[%mul3A_2, %dma_start3A_211] : memref<256x32xi32, #tpu.memory_space<hbm>> -> memref<8x32xi32, #tpu.memory_space<hbm>>
      tpu.enqueue_dma source(%dma_start3A_212 : memref<8x32xi32, #tpu.memory_space<hbm>>) target(%arg5 : memref<8x32xi32, #tpu.memory_space<vmem>>) target_semaphore(%run_scoped3A : memref<!tpu.dma_semaphore, #tpu.memory_space<semaphore_mem>>)
      %dma_wait3A_213 = arith.constant 0 : i32
      %dma_wait3A_214 = tpu.memref_slice %arg3[%mul3A_2, %dma_wait3A_213] : memref<256x32xi32, #tpu.memory_space<hbm>> -> memref<8x32xi32, #tpu.memory_space<hbm>>
      %dma_wait3A_215 = arith.constant 0 : i32
      %dma_wait3A_216 = tpu.memref_slice %arg3[%mul3A_2, %dma_wait3A_215] : memref<256x32xi32, #tpu.memory_space<hbm>> -> memref<8x32xi32, #tpu.memory_space<hbm>>
      tpu.wait_dma2 semaphore(%run_scoped3A : memref<!tpu.dma_semaphore, #tpu.memory_space<semaphore_mem>>) src(%dma_wait3A_216 : memref<8x32xi32, #tpu.memory_space<hbm>>) dst(%arg5 : memref<8x32xi32, #tpu.memory_space<vmem>>)
      tpu.yield
    }) : () -> ()
    %dma_start3A = arith.constant 0 : i32
    %dma_start3A_3 = arith.constant 0 : i32
    %dma_start3A_4 = tpu.memref_slice %arg5[%dma_start3A, %dma_start3A_3] : memref<8x32xi32, #tpu.memory_space<vmem>> -> memref<1x32xi32, #tpu.memory_space<vmem>>
    %dma_start3A_5 = tpu.memref_squeeze %dma_start3A_4 : memref<1x32xi32, #tpu.memory_space<vmem>> -> memref<32xi32, #tpu.memory_space<vmem>>
    %dma_start3A_6 = arith.constant 0 : i32
    %dma_start3A_7 = arith.constant 0 : i32
    %dma_start3A_8 = tpu.memref_slice %arg2[%dma_start3A_6, %dma_start3A_7] : memref<9216x1024xi32, #tpu.memory_space<hbm>> -> memref<9216x1024xi32, #tpu.memory_space<hbm>>
    tpu.enqueue_indirect_dma source(%dma_start3A_8 : memref<9216x1024xi32, #tpu.memory_space<hbm>>) target(%arg6 : memref<32x1024xi32, #tpu.memory_space<vmem>>) offsets(%dma_start3A_5 : memref<32xi32, #tpu.memory_space<vmem>>) semaphore(%arg8 : memref<!tpu.dma_semaphore, #tpu.memory_space<semaphore_mem>>)
    %dma_start3A_9 = arith.constant 1 : i32
    %dma_start3A_10 = arith.constant 0 : i32
    %dma_start3A_11 = tpu.memref_slice %arg5[%dma_start3A_9, %dma_start3A_10] : memref<8x32xi32, #tpu.memory_space<vmem>> -> memref<1x32xi32, #tpu.memory_space<vmem>>
    %dma_start3A_12 = tpu.memref_squeeze %dma_start3A_11 : memref<1x32xi32, #tpu.memory_space<vmem>> -> memref<32xi32, #tpu.memory_space<vmem>>
    %dma_start3A_13 = arith.constant 0 : i32
    %dma_start3A_14 = arith.constant 0 : i32
    %dma_start3A_15 = tpu.memref_slice %arg2[%dma_start3A_13, %dma_start3A_14] : memref<9216x1024xi32, #tpu.memory_space<hbm>> -> memref<9216x1024xi32, #tpu.memory_space<hbm>>
    tpu.enqueue_indirect_dma source(%dma_start3A_15 : memref<9216x1024xi32, #tpu.memory_space<hbm>>) target(%arg7 : memref<32x1024xi32, #tpu.memory_space<vmem>>) offsets(%dma_start3A_12 : memref<32xi32, #tpu.memory_space<vmem>>) semaphore(%arg9 : memref<!tpu.dma_semaphore, #tpu.memory_space<semaphore_mem>>)
    %dma_wait3A = arith.constant 0 : i32
    %dma_wait3A_16 = arith.constant 0 : i32
    %dma_wait3A_17 = tpu.memref_slice %arg5[%dma_wait3A, %dma_wait3A_16] : memref<8x32xi32, #tpu.memory_space<vmem>> -> memref<1x32xi32, #tpu.memory_space<vmem>>
    %dma_wait3A_18 = tpu.memref_squeeze %dma_wait3A_17 : memref<1x32xi32, #tpu.memory_space<vmem>> -> memref<32xi32, #tpu.memory_space<vmem>>
    %dma_wait3A_19 = arith.constant 0 : i32
    %dma_wait3A_20 = arith.constant 0 : i32
    %dma_wait3A_21 = tpu.memref_slice %arg2[%dma_wait3A_19, %dma_wait3A_20] : memref<9216x1024xi32, #tpu.memory_space<hbm>> -> memref<9216x1024xi32, #tpu.memory_space<hbm>>
    tpu.wait_indirect_dma semaphore(%arg8 : memref<!tpu.dma_semaphore, #tpu.memory_space<semaphore_mem>>) src(%dma_wait3A_21 : memref<9216x1024xi32, #tpu.memory_space<hbm>>) dst(%arg6 : memref<32x1024xi32, #tpu.memory_space<vmem>>)
    %mul3A_22 = arith.constant 256 : i32
    %mul3A_23 = arith.muli %add3A, %mul3A_22 : i32
    %add3A_24 = arith.constant 0 : i32
    %add3A_25 = arith.addi %mul3A_23, %add3A_24 : i32
    %dma_start3A_26 = arith.constant 0 : i32
    %dma_start3A_27 = tpu.memref_slice %arg4[%add3A_25, %dma_start3A_26] : memref<8192x1024xi32, #tpu.memory_space<hbm>> -> memref<32x1024xi32, #tpu.memory_space<hbm>>
    %dma_start3A_28 = arith.constant 0 : i32
    %dma_start3A_29 = tpu.memref_slice %arg4[%add3A_25, %dma_start3A_28] : memref<8192x1024xi32, #tpu.memory_space<hbm>> -> memref<32x1024xi32, #tpu.memory_space<hbm>>
    tpu.enqueue_dma source(%arg6 : memref<32x1024xi32, #tpu.memory_space<vmem>>) target(%dma_start3A_29 : memref<32x1024xi32, #tpu.memory_space<hbm>>) target_semaphore(%arg10 : memref<!tpu.dma_semaphore, #tpu.memory_space<semaphore_mem>>)
    %dma_wait3A_30 = arith.constant 0 : i32
    %dma_wait3A_31 = tpu.memref_slice %arg4[%add3A_25, %dma_wait3A_30] : memref<8192x1024xi32, #tpu.memory_space<hbm>> -> memref<32x1024xi32, #tpu.memory_space<hbm>>
    %dma_wait3A_32 = arith.constant 0 : i32
    %dma_wait3A_33 = tpu.memref_slice %arg4[%add3A_25, %dma_wait3A_32] : memref<8192x1024xi32, #tpu.memory_space<hbm>> -> memref<32x1024xi32, #tpu.memory_space<hbm>>
    tpu.wait_dma2 semaphore(%arg10 : memref<!tpu.dma_semaphore, #tpu.memory_space<semaphore_mem>>) src(%arg6 : memref<32x1024xi32, #tpu.memory_space<vmem>>) dst(%dma_wait3A_33 : memref<32x1024xi32, #tpu.memory_space<hbm>>)
    %dma_start3A_34 = arith.constant 2 : i32
    %dma_start3A_35 = arith.constant 0 : i32
    %dma_start3A_36 = tpu.memref_slice %arg5[%dma_start3A_34, %dma_start3A_35] : memref<8x32xi32, #tpu.memory_space<vmem>> -> memref<1x32xi32, #tpu.memory_space<vmem>>
    %dma_start3A_37 = tpu.memref_squeeze %dma_start3A_36 : memref<1x32xi32, #tpu.memory_space<vmem>> -> memref<32xi32, #tpu.memory_space<vmem>>
    %dma_start3A_38 = arith.constant 0 : i32
    %dma_start3A_39 = arith.constant 0 : i32
    %dma_start3A_40 = tpu.memref_slice %arg2[%dma_start3A_38, %dma_start3A_39] : memref<9216x1024xi32, #tpu.memory_space<hbm>> -> memref<9216x1024xi32, #tpu.memory_space<hbm>>
    tpu.enqueue_indirect_dma source(%dma_start3A_40 : memref<9216x1024xi32, #tpu.memory_space<hbm>>) target(%arg6 : memref<32x1024xi32, #tpu.memory_space<vmem>>) offsets(%dma_start3A_37 : memref<32xi32, #tpu.memory_space<vmem>>) semaphore(%arg8 : memref<!tpu.dma_semaphore, #tpu.memory_space<semaphore_mem>>)
    %dma_wait3A_41 = arith.constant 1 : i32
    %dma_wait3A_42 = arith.constant 0 : i32
    %dma_wait3A_43 = tpu.memref_slice %arg5[%dma_wait3A_41, %dma_wait3A_42] : memref<8x32xi32, #tpu.memory_space<vmem>> -> memref<1x32xi32, #tpu.memory_space<vmem>>
    %dma_wait3A_44 = tpu.memref_squeeze %dma_wait3A_43 : memref<1x32xi32, #tpu.memory_space<vmem>> -> memref<32xi32, #tpu.memory_space<vmem>>
    %dma_wait3A_45 = arith.constant 0 : i32
    %dma_wait3A_46 = arith.constant 0 : i32
    %dma_wait3A_47 = tpu.memref_slice %arg2[%dma_wait3A_45, %dma_wait3A_46] : memref<9216x1024xi32, #tpu.memory_space<hbm>> -> memref<9216x1024xi32, #tpu.memory_space<hbm>>
    tpu.wait_indirect_dma semaphore(%arg9 : memref<!tpu.dma_semaphore, #tpu.memory_space<semaphore_mem>>) src(%dma_wait3A_47 : memref<9216x1024xi32, #tpu.memory_space<hbm>>) dst(%arg7 : memref<32x1024xi32, #tpu.memory_space<vmem>>)
    %mul3A_48 = arith.constant 256 : i32
    %mul3A_49 = arith.muli %add3A, %mul3A_48 : i32
    %add3A_50 = arith.constant 32 : i32
    %add3A_51 = arith.addi %mul3A_49, %add3A_50 : i32
    %dma_start3A_52 = arith.constant 0 : i32
    %dma_start3A_53 = tpu.memref_slice %arg4[%add3A_51, %dma_start3A_52] : memref<8192x1024xi32, #tpu.memory_space<hbm>> -> memref<32x1024xi32, #tpu.memory_space<hbm>>
    %dma_start3A_54 = arith.constant 0 : i32
    %dma_start3A_55 = tpu.memref_slice %arg4[%add3A_51, %dma_start3A_54] : memref<8192x1024xi32, #tpu.memory_space<hbm>> -> memref<32x1024xi32, #tpu.memory_space<hbm>>
    tpu.enqueue_dma source(%arg7 : memref<32x1024xi32, #tpu.memory_space<vmem>>) target(%dma_start3A_55 : memref<32x1024xi32, #tpu.memory_space<hbm>>) target_semaphore(%arg11 : memref<!tpu.dma_semaphore, #tpu.memory_space<semaphore_mem>>)
    %dma_wait3A_56 = arith.constant 0 : i32
    %dma_wait3A_57 = tpu.memref_slice %arg4[%add3A_51, %dma_wait3A_56] : memref<8192x1024xi32, #tpu.memory_space<hbm>> -> memref<32x1024xi32, #tpu.memory_space<hbm>>
    %dma_wait3A_58 = arith.constant 0 : i32
    %dma_wait3A_59 = tpu.memref_slice %arg4[%add3A_51, %dma_wait3A_58] : memref<8192x1024xi32, #tpu.memory_space<hbm>> -> memref<32x1024xi32, #tpu.memory_space<hbm>>
    tpu.wait_dma2 semaphore(%arg11 : memref<!tpu.dma_semaphore, #tpu.memory_space<semaphore_mem>>) src(%arg7 : memref<32x1024xi32, #tpu.memory_space<vmem>>) dst(%dma_wait3A_59 : memref<32x1024xi32, #tpu.memory_space<hbm>>)
    %dma_start3A_60 = arith.constant 3 : i32
    %dma_start3A_61 = arith.constant 0 : i32
    %dma_start3A_62 = tpu.memref_slice %arg5[%dma_start3A_60, %dma_start3A_61] : memref<8x32xi32, #tpu.memory_space<vmem>> -> memref<1x32xi32, #tpu.memory_space<vmem>>
    %dma_start3A_63 = tpu.memref_squeeze %dma_start3A_62 : memref<1x32xi32, #tpu.memory_space<vmem>> -> memref<32xi32, #tpu.memory_space<vmem>>
    %dma_start3A_64 = arith.constant 0 : i32
    %dma_start3A_65 = arith.constant 0 : i32
    %dma_start3A_66 = tpu.memref_slice %arg2[%dma_start3A_64, %dma_start3A_65] : memref<9216x1024xi32, #tpu.memory_space<hbm>> -> memref<9216x1024xi32, #tpu.memory_space<hbm>>
    tpu.enqueue_indirect_dma source(%dma_start3A_66 : memref<9216x1024xi32, #tpu.memory_space<hbm>>) target(%arg7 : memref<32x1024xi32, #tpu.memory_space<vmem>>) offsets(%dma_start3A_63 : memref<32xi32, #tpu.memory_space<vmem>>) semaphore(%arg9 : memref<!tpu.dma_semaphore, #tpu.memory_space<semaphore_mem>>)
    %dma_wait3A_67 = arith.constant 2 : i32
    %dma_wait3A_68 = arith.constant 0 : i32
    %dma_wait3A_69 = tpu.memref_slice %arg5[%dma_wait3A_67, %dma_wait3A_68] : memref<8x32xi32, #tpu.memory_space<vmem>> -> memref<1x32xi32, #tpu.memory_space<vmem>>
    %dma_wait3A_70 = tpu.memref_squeeze %dma_wait3A_69 : memref<1x32xi32, #tpu.memory_space<vmem>> -> memref<32xi32, #tpu.memory_space<vmem>>
    %dma_wait3A_71 = arith.constant 0 : i32
    %dma_wait3A_72 = arith.constant 0 : i32
    %dma_wait3A_73 = tpu.memref_slice %arg2[%dma_wait3A_71, %dma_wait3A_72] : memref<9216x1024xi32, #tpu.memory_space<hbm>> -> memref<9216x1024xi32, #tpu.memory_space<hbm>>
    tpu.wait_indirect_dma semaphore(%arg8 : memref<!tpu.dma_semaphore, #tpu.memory_space<semaphore_mem>>) src(%dma_wait3A_73 : memref<9216x1024xi32, #tpu.memory_space<hbm>>) dst(%arg6 : memref<32x1024xi32, #tpu.memory_space<vmem>>)
    %mul3A_74 = arith.constant 256 : i32
    %mul3A_75 = arith.muli %add3A, %mul3A_74 : i32
    %add3A_76 = arith.constant 64 : i32
    %add3A_77 = arith.addi %mul3A_75, %add3A_76 : i32
    %dma_start3A_78 = arith.constant 0 : i32
    %dma_start3A_79 = tpu.memref_slice %arg4[%add3A_77, %dma_start3A_78] : memref<8192x1024xi32, #tpu.memory_space<hbm>> -> memref<32x1024xi32, #tpu.memory_space<hbm>>
    %dma_start3A_80 = arith.constant 0 : i32
    %dma_start3A_81 = tpu.memref_slice %arg4[%add3A_77, %dma_start3A_80] : memref<8192x1024xi32, #tpu.memory_space<hbm>> -> memref<32x1024xi32, #tpu.memory_space<hbm>>
    tpu.enqueue_dma source(%arg6 : memref<32x1024xi32, #tpu.memory_space<vmem>>) target(%dma_start3A_81 : memref<32x1024xi32, #tpu.memory_space<hbm>>) target_semaphore(%arg10 : memref<!tpu.dma_semaphore, #tpu.memory_space<semaphore_mem>>)
    %dma_wait3A_82 = arith.constant 0 : i32
    %dma_wait3A_83 = tpu.memref_slice %arg4[%add3A_77, %dma_wait3A_82] : memref<8192x1024xi32, #tpu.memory_space<hbm>> -> memref<32x1024xi32, #tpu.memory_space<hbm>>
    %dma_wait3A_84 = arith.constant 0 : i32
    %dma_wait3A_85 = tpu.memref_slice %arg4[%add3A_77, %dma_wait3A_84] : memref<8192x1024xi32, #tpu.memory_space<hbm>> -> memref<32x1024xi32, #tpu.memory_space<hbm>>
    tpu.wait_dma2 semaphore(%arg10 : memref<!tpu.dma_semaphore, #tpu.memory_space<semaphore_mem>>) src(%arg6 : memref<32x1024xi32, #tpu.memory_space<vmem>>) dst(%dma_wait3A_85 : memref<32x1024xi32, #tpu.memory_space<hbm>>)
    %dma_start3A_86 = arith.constant 4 : i32
    %dma_start3A_87 = arith.constant 0 : i32
    %dma_start3A_88 = tpu.memref_slice %arg5[%dma_start3A_86, %dma_start3A_87] : memref<8x32xi32, #tpu.memory_space<vmem>> -> memref<1x32xi32, #tpu.memory_space<vmem>>
    %dma_start3A_89 = tpu.memref_squeeze %dma_start3A_88 : memref<1x32xi32, #tpu.memory_space<vmem>> -> memref<32xi32, #tpu.memory_space<vmem>>
    %dma_start3A_90 = arith.constant 0 : i32
    %dma_start3A_91 = arith.constant 0 : i32
    %dma_start3A_92 = tpu.memref_slice %arg2[%dma_start3A_90, %dma_start3A_91] : memref<9216x1024xi32, #tpu.memory_space<hbm>> -> memref<9216x1024xi32, #tpu.memory_space<hbm>>
    tpu.enqueue_indirect_dma source(%dma_start3A_92 : memref<9216x1024xi32, #tpu.memory_space<hbm>>) target(%arg6 : memref<32x1024xi32, #tpu.memory_space<vmem>>) offsets(%dma_start3A_89 : memref<32xi32, #tpu.memory_space<vmem>>) semaphore(%arg8 : memref<!tpu.dma_semaphore, #tpu.memory_space<semaphore_mem>>)
    %dma_wait3A_93 = arith.constant 3 : i32
    %dma_wait3A_94 = arith.constant 0 : i32
    %dma_wait3A_95 = tpu.memref_slice %arg5[%dma_wait3A_93, %dma_wait3A_94] : memref<8x32xi32, #tpu.memory_space<vmem>> -> memref<1x32xi32, #tpu.memory_space<vmem>>
    %dma_wait3A_96 = tpu.memref_squeeze %dma_wait3A_95 : memref<1x32xi32, #tpu.memory_space<vmem>> -> memref<32xi32, #tpu.memory_space<vmem>>
    %dma_wait3A_97 = arith.constant 0 : i32
    %dma_wait3A_98 = arith.constant 0 : i32
    %dma_wait3A_99 = tpu.memref_slice %arg2[%dma_wait3A_97, %dma_wait3A_98] : memref<9216x1024xi32, #tpu.memory_space<hbm>> -> memref<9216x1024xi32, #tpu.memory_space<hbm>>
    tpu.wait_indirect_dma semaphore(%arg9 : memref<!tpu.dma_semaphore, #tpu.memory_space<semaphore_mem>>) src(%dma_wait3A_99 : memref<9216x1024xi32, #tpu.memory_space<hbm>>) dst(%arg7 : memref<32x1024xi32, #tpu.memory_space<vmem>>)
    %mul3A_100 = arith.constant 256 : i32
    %mul3A_101 = arith.muli %add3A, %mul3A_100 : i32
    %add3A_102 = arith.constant 96 : i32
    %add3A_103 = arith.addi %mul3A_101, %add3A_102 : i32
    %dma_start3A_104 = arith.constant 0 : i32
    %dma_start3A_105 = tpu.memref_slice %arg4[%add3A_103, %dma_start3A_104] : memref<8192x1024xi32, #tpu.memory_space<hbm>> -> memref<32x1024xi32, #tpu.memory_space<hbm>>
    %dma_start3A_106 = arith.constant 0 : i32
    %dma_start3A_107 = tpu.memref_slice %arg4[%add3A_103, %dma_start3A_106] : memref<8192x1024xi32, #tpu.memory_space<hbm>> -> memref<32x1024xi32, #tpu.memory_space<hbm>>
    tpu.enqueue_dma source(%arg7 : memref<32x1024xi32, #tpu.memory_space<vmem>>) target(%dma_start3A_107 : memref<32x1024xi32, #tpu.memory_space<hbm>>) target_semaphore(%arg11 : memref<!tpu.dma_semaphore, #tpu.memory_space<semaphore_mem>>)
    %dma_wait3A_108 = arith.constant 0 : i32
    %dma_wait3A_109 = tpu.memref_slice %arg4[%add3A_103, %dma_wait3A_108] : memref<8192x1024xi32, #tpu.memory_space<hbm>> -> memref<32x1024xi32, #tpu.memory_space<hbm>>
    %dma_wait3A_110 = arith.constant 0 : i32
    %dma_wait3A_111 = tpu.memref_slice %arg4[%add3A_103, %dma_wait3A_110] : memref<8192x1024xi32, #tpu.memory_space<hbm>> -> memref<32x1024xi32, #tpu.memory_space<hbm>>
    tpu.wait_dma2 semaphore(%arg11 : memref<!tpu.dma_semaphore, #tpu.memory_space<semaphore_mem>>) src(%arg7 : memref<32x1024xi32, #tpu.memory_space<vmem>>) dst(%dma_wait3A_111 : memref<32x1024xi32, #tpu.memory_space<hbm>>)
    %dma_start3A_112 = arith.constant 5 : i32
    %dma_start3A_113 = arith.constant 0 : i32
    %dma_start3A_114 = tpu.memref_slice %arg5[%dma_start3A_112, %dma_start3A_113] : memref<8x32xi32, #tpu.memory_space<vmem>> -> memref<1x32xi32, #tpu.memory_space<vmem>>
    %dma_start3A_115 = tpu.memref_squeeze %dma_start3A_114 : memref<1x32xi32, #tpu.memory_space<vmem>> -> memref<32xi32, #tpu.memory_space<vmem>>
    %dma_start3A_116 = arith.constant 0 : i32
    %dma_start3A_117 = arith.constant 0 : i32
    %dma_start3A_118 = tpu.memref_slice %arg2[%dma_start3A_116, %dma_start3A_117] : memref<9216x1024xi32, #tpu.memory_space<hbm>> -> memref<9216x1024xi32, #tpu.memory_space<hbm>>
    tpu.enqueue_indirect_dma source(%dma_start3A_118 : memref<9216x1024xi32, #tpu.memory_space<hbm>>) target(%arg7 : memref<32x1024xi32, #tpu.memory_space<vmem>>) offsets(%dma_start3A_115 : memref<32xi32, #tpu.memory_space<vmem>>) semaphore(%arg9 : memref<!tpu.dma_semaphore, #tpu.memory_space<semaphore_mem>>)
    %dma_wait3A_119 = arith.constant 4 : i32
    %dma_wait3A_120 = arith.constant 0 : i32
    %dma_wait3A_121 = tpu.memref_slice %arg5[%dma_wait3A_119, %dma_wait3A_120] : memref<8x32xi32, #tpu.memory_space<vmem>> -> memref<1x32xi32, #tpu.memory_space<vmem>>
    %dma_wait3A_122 = tpu.memref_squeeze %dma_wait3A_121 : memref<1x32xi32, #tpu.memory_space<vmem>> -> memref<32xi32, #tpu.memory_space<vmem>>
    %dma_wait3A_123 = arith.constant 0 : i32
    %dma_wait3A_124 = arith.constant 0 : i32
    %dma_wait3A_125 = tpu.memref_slice %arg2[%dma_wait3A_123, %dma_wait3A_124] : memref<9216x1024xi32, #tpu.memory_space<hbm>> -> memref<9216x1024xi32, #tpu.memory_space<hbm>>
    tpu.wait_indirect_dma semaphore(%arg8 : memref<!tpu.dma_semaphore, #tpu.memory_space<semaphore_mem>>) src(%dma_wait3A_125 : memref<9216x1024xi32, #tpu.memory_space<hbm>>) dst(%arg6 : memref<32x1024xi32, #tpu.memory_space<vmem>>)
    %mul3A_126 = arith.constant 256 : i32
    %mul3A_127 = arith.muli %add3A, %mul3A_126 : i32
    %add3A_128 = arith.constant 128 : i32
    %add3A_129 = arith.addi %mul3A_127, %add3A_128 : i32
    %dma_start3A_130 = arith.constant 0 : i32
    %dma_start3A_131 = tpu.memref_slice %arg4[%add3A_129, %dma_start3A_130] : memref<8192x1024xi32, #tpu.memory_space<hbm>> -> memref<32x1024xi32, #tpu.memory_space<hbm>>
    %dma_start3A_132 = arith.constant 0 : i32
    %dma_start3A_133 = tpu.memref_slice %arg4[%add3A_129, %dma_start3A_132] : memref<8192x1024xi32, #tpu.memory_space<hbm>> -> memref<32x1024xi32, #tpu.memory_space<hbm>>
    tpu.enqueue_dma source(%arg6 : memref<32x1024xi32, #tpu.memory_space<vmem>>) target(%dma_start3A_133 : memref<32x1024xi32, #tpu.memory_space<hbm>>) target_semaphore(%arg10 : memref<!tpu.dma_semaphore, #tpu.memory_space<semaphore_mem>>)
    %dma_wait3A_134 = arith.constant 0 : i32
    %dma_wait3A_135 = tpu.memref_slice %arg4[%add3A_129, %dma_wait3A_134] : memref<8192x1024xi32, #tpu.memory_space<hbm>> -> memref<32x1024xi32, #tpu.memory_space<hbm>>
    %dma_wait3A_136 = arith.constant 0 : i32
    %dma_wait3A_137 = tpu.memref_slice %arg4[%add3A_129, %dma_wait3A_136] : memref<8192x1024xi32, #tpu.memory_space<hbm>> -> memref<32x1024xi32, #tpu.memory_space<hbm>>
    tpu.wait_dma2 semaphore(%arg10 : memref<!tpu.dma_semaphore, #tpu.memory_space<semaphore_mem>>) src(%arg6 : memref<32x1024xi32, #tpu.memory_space<vmem>>) dst(%dma_wait3A_137 : memref<32x1024xi32, #tpu.memory_space<hbm>>)
    %dma_start3A_138 = arith.constant 6 : i32
    %dma_start3A_139 = arith.constant 0 : i32
    %dma_start3A_140 = tpu.memref_slice %arg5[%dma_start3A_138, %dma_start3A_139] : memref<8x32xi32, #tpu.memory_space<vmem>> -> memref<1x32xi32, #tpu.memory_space<vmem>>
    %dma_start3A_141 = tpu.memref_squeeze %dma_start3A_140 : memref<1x32xi32, #tpu.memory_space<vmem>> -> memref<32xi32, #tpu.memory_space<vmem>>
    %dma_start3A_142 = arith.constant 0 : i32
    %dma_start3A_143 = arith.constant 0 : i32
    %dma_start3A_144 = tpu.memref_slice %arg2[%dma_start3A_142, %dma_start3A_143] : memref<9216x1024xi32, #tpu.memory_space<hbm>> -> memref<9216x1024xi32, #tpu.memory_space<hbm>>
    tpu.enqueue_indirect_dma source(%dma_start3A_144 : memref<9216x1024xi32, #tpu.memory_space<hbm>>) target(%arg6 : memref<32x1024xi32, #tpu.memory_space<vmem>>) offsets(%dma_start3A_141 : memref<32xi32, #tpu.memory_space<vmem>>) semaphore(%arg8 : memref<!tpu.dma_semaphore, #tpu.memory_space<semaphore_mem>>)
    %dma_wait3A_145 = arith.constant 5 : i32
    %dma_wait3A_146 = arith.constant 0 : i32
    %dma_wait3A_147 = tpu.memref_slice %arg5[%dma_wait3A_145, %dma_wait3A_146] : memref<8x32xi32, #tpu.memory_space<vmem>> -> memref<1x32xi32, #tpu.memory_space<vmem>>
    %dma_wait3A_148 = tpu.memref_squeeze %dma_wait3A_147 : memref<1x32xi32, #tpu.memory_space<vmem>> -> memref<32xi32, #tpu.memory_space<vmem>>
    %dma_wait3A_149 = arith.constant 0 : i32
    %dma_wait3A_150 = arith.constant 0 : i32
    %dma_wait3A_151 = tpu.memref_slice %arg2[%dma_wait3A_149, %dma_wait3A_150] : memref<9216x1024xi32, #tpu.memory_space<hbm>> -> memref<9216x1024xi32, #tpu.memory_space<hbm>>
    tpu.wait_indirect_dma semaphore(%arg9 : memref<!tpu.dma_semaphore, #tpu.memory_space<semaphore_mem>>) src(%dma_wait3A_151 : memref<9216x1024xi32, #tpu.memory_space<hbm>>) dst(%arg7 : memref<32x1024xi32, #tpu.memory_space<vmem>>)
    %mul3A_152 = arith.constant 256 : i32
    %mul3A_153 = arith.muli %add3A, %mul3A_152 : i32
    %add3A_154 = arith.constant 160 : i32
    %add3A_155 = arith.addi %mul3A_153, %add3A_154 : i32
    %dma_start3A_156 = arith.constant 0 : i32
    %dma_start3A_157 = tpu.memref_slice %arg4[%add3A_155, %dma_start3A_156] : memref<8192x1024xi32, #tpu.memory_space<hbm>> -> memref<32x1024xi32, #tpu.memory_space<hbm>>
    %dma_start3A_158 = arith.constant 0 : i32
    %dma_start3A_159 = tpu.memref_slice %arg4[%add3A_155, %dma_start3A_158] : memref<8192x1024xi32, #tpu.memory_space<hbm>> -> memref<32x1024xi32, #tpu.memory_space<hbm>>
    tpu.enqueue_dma source(%arg7 : memref<32x1024xi32, #tpu.memory_space<vmem>>) target(%dma_start3A_159 : memref<32x1024xi32, #tpu.memory_space<hbm>>) target_semaphore(%arg11 : memref<!tpu.dma_semaphore, #tpu.memory_space<semaphore_mem>>)
    %dma_wait3A_160 = arith.constant 0 : i32
    %dma_wait3A_161 = tpu.memref_slice %arg4[%add3A_155, %dma_wait3A_160] : memref<8192x1024xi32, #tpu.memory_space<hbm>> -> memref<32x1024xi32, #tpu.memory_space<hbm>>
    %dma_wait3A_162 = arith.constant 0 : i32
    %dma_wait3A_163 = tpu.memref_slice %arg4[%add3A_155, %dma_wait3A_162] : memref<8192x1024xi32, #tpu.memory_space<hbm>> -> memref<32x1024xi32, #tpu.memory_space<hbm>>
    tpu.wait_dma2 semaphore(%arg11 : memref<!tpu.dma_semaphore, #tpu.memory_space<semaphore_mem>>) src(%arg7 : memref<32x1024xi32, #tpu.memory_space<vmem>>) dst(%dma_wait3A_163 : memref<32x1024xi32, #tpu.memory_space<hbm>>)
    %dma_start3A_164 = arith.constant 7 : i32
    %dma_start3A_165 = arith.constant 0 : i32
    %dma_start3A_166 = tpu.memref_slice %arg5[%dma_start3A_164, %dma_start3A_165] : memref<8x32xi32, #tpu.memory_space<vmem>> -> memref<1x32xi32, #tpu.memory_space<vmem>>
    %dma_start3A_167 = tpu.memref_squeeze %dma_start3A_166 : memref<1x32xi32, #tpu.memory_space<vmem>> -> memref<32xi32, #tpu.memory_space<vmem>>
    %dma_start3A_168 = arith.constant 0 : i32
    %dma_start3A_169 = arith.constant 0 : i32
    %dma_start3A_170 = tpu.memref_slice %arg2[%dma_start3A_168, %dma_start3A_169] : memref<9216x1024xi32, #tpu.memory_space<hbm>> -> memref<9216x1024xi32, #tpu.memory_space<hbm>>
    tpu.enqueue_indirect_dma source(%dma_start3A_170 : memref<9216x1024xi32, #tpu.memory_space<hbm>>) target(%arg7 : memref<32x1024xi32, #tpu.memory_space<vmem>>) offsets(%dma_start3A_167 : memref<32xi32, #tpu.memory_space<vmem>>) semaphore(%arg9 : memref<!tpu.dma_semaphore, #tpu.memory_space<semaphore_mem>>)
    %dma_wait3A_171 = arith.constant 6 : i32
    %dma_wait3A_172 = arith.constant 0 : i32
    %dma_wait3A_173 = tpu.memref_slice %arg5[%dma_wait3A_171, %dma_wait3A_172] : memref<8x32xi32, #tpu.memory_space<vmem>> -> memref<1x32xi32, #tpu.memory_space<vmem>>
    %dma_wait3A_174 = tpu.memref_squeeze %dma_wait3A_173 : memref<1x32xi32, #tpu.memory_space<vmem>> -> memref<32xi32, #tpu.memory_space<vmem>>
    %dma_wait3A_175 = arith.constant 0 : i32
    %dma_wait3A_176 = arith.constant 0 : i32
    %dma_wait3A_177 = tpu.memref_slice %arg2[%dma_wait3A_175, %dma_wait3A_176] : memref<9216x1024xi32, #tpu.memory_space<hbm>> -> memref<9216x1024xi32, #tpu.memory_space<hbm>>
    tpu.wait_indirect_dma semaphore(%arg8 : memref<!tpu.dma_semaphore, #tpu.memory_space<semaphore_mem>>) src(%dma_wait3A_177 : memref<9216x1024xi32, #tpu.memory_space<hbm>>) dst(%arg6 : memref<32x1024xi32, #tpu.memory_space<vmem>>)
    %mul3A_178 = arith.constant 256 : i32
    %mul3A_179 = arith.muli %add3A, %mul3A_178 : i32
    %add3A_180 = arith.constant 192 : i32
    %add3A_181 = arith.addi %mul3A_179, %add3A_180 : i32
    %dma_start3A_182 = arith.constant 0 : i32
    %dma_start3A_183 = tpu.memref_slice %arg4[%add3A_181, %dma_start3A_182] : memref<8192x1024xi32, #tpu.memory_space<hbm>> -> memref<32x1024xi32, #tpu.memory_space<hbm>>
    %dma_start3A_184 = arith.constant 0 : i32
    %dma_start3A_185 = tpu.memref_slice %arg4[%add3A_181, %dma_start3A_184] : memref<8192x1024xi32, #tpu.memory_space<hbm>> -> memref<32x1024xi32, #tpu.memory_space<hbm>>
    tpu.enqueue_dma source(%arg6 : memref<32x1024xi32, #tpu.memory_space<vmem>>) target(%dma_start3A_185 : memref<32x1024xi32, #tpu.memory_space<hbm>>) target_semaphore(%arg10 : memref<!tpu.dma_semaphore, #tpu.memory_space<semaphore_mem>>)
    %dma_wait3A_186 = arith.constant 0 : i32
    %dma_wait3A_187 = tpu.memref_slice %arg4[%add3A_181, %dma_wait3A_186] : memref<8192x1024xi32, #tpu.memory_space<hbm>> -> memref<32x1024xi32, #tpu.memory_space<hbm>>
    %dma_wait3A_188 = arith.constant 0 : i32
    %dma_wait3A_189 = tpu.memref_slice %arg4[%add3A_181, %dma_wait3A_188] : memref<8192x1024xi32, #tpu.memory_space<hbm>> -> memref<32x1024xi32, #tpu.memory_space<hbm>>
    tpu.wait_dma2 semaphore(%arg10 : memref<!tpu.dma_semaphore, #tpu.memory_space<semaphore_mem>>) src(%arg6 : memref<32x1024xi32, #tpu.memory_space<vmem>>) dst(%dma_wait3A_189 : memref<32x1024xi32, #tpu.memory_space<hbm>>)
    %dma_wait3A_190 = arith.constant 7 : i32
    %dma_wait3A_191 = arith.constant 0 : i32
    %dma_wait3A_192 = tpu.memref_slice %arg5[%dma_wait3A_190, %dma_wait3A_191] : memref<8x32xi32, #tpu.memory_space<vmem>> -> memref<1x32xi32, #tpu.memory_space<vmem>>
    %dma_wait3A_193 = tpu.memref_squeeze %dma_wait3A_192 : memref<1x32xi32, #tpu.memory_space<vmem>> -> memref<32xi32, #tpu.memory_space<vmem>>
    %dma_wait3A_194 = arith.constant 0 : i32
    %dma_wait3A_195 = arith.constant 0 : i32
    %dma_wait3A_196 = tpu.memref_slice %arg2[%dma_wait3A_194, %dma_wait3A_195] : memref<9216x1024xi32, #tpu.memory_space<hbm>> -> memref<9216x1024xi32, #tpu.memory_space<hbm>>
    tpu.wait_indirect_dma semaphore(%arg9 : memref<!tpu.dma_semaphore, #tpu.memory_space<semaphore_mem>>) src(%dma_wait3A_196 : memref<9216x1024xi32, #tpu.memory_space<hbm>>) dst(%arg7 : memref<32x1024xi32, #tpu.memory_space<vmem>>)
    %mul3A_197 = arith.constant 256 : i32
    %mul3A_198 = arith.muli %add3A, %mul3A_197 : i32
    %add3A_199 = arith.constant 224 : i32
    %add3A_200 = arith.addi %mul3A_198, %add3A_199 : i32
    %dma_start3A_201 = arith.constant 0 : i32
    %dma_start3A_202 = tpu.memref_slice %arg4[%add3A_200, %dma_start3A_201] : memref<8192x1024xi32, #tpu.memory_space<hbm>> -> memref<32x1024xi32, #tpu.memory_space<hbm>>
    %dma_start3A_203 = arith.constant 0 : i32
    %dma_start3A_204 = tpu.memref_slice %arg4[%add3A_200, %dma_start3A_203] : memref<8192x1024xi32, #tpu.memory_space<hbm>> -> memref<32x1024xi32, #tpu.memory_space<hbm>>
    tpu.enqueue_dma source(%arg7 : memref<32x1024xi32, #tpu.memory_space<vmem>>) target(%dma_start3A_204 : memref<32x1024xi32, #tpu.memory_space<hbm>>) target_semaphore(%arg11 : memref<!tpu.dma_semaphore, #tpu.memory_space<semaphore_mem>>)
    %dma_wait3A_205 = arith.constant 0 : i32
    %dma_wait3A_206 = tpu.memref_slice %arg4[%add3A_200, %dma_wait3A_205] : memref<8192x1024xi32, #tpu.memory_space<hbm>> -> memref<32x1024xi32, #tpu.memory_space<hbm>>
    %dma_wait3A_207 = arith.constant 0 : i32
    %dma_wait3A_208 = tpu.memref_slice %arg4[%add3A_200, %dma_wait3A_207] : memref<8192x1024xi32, #tpu.memory_space<hbm>> -> memref<32x1024xi32, #tpu.memory_space<hbm>>
    tpu.wait_dma2 semaphore(%arg11 : memref<!tpu.dma_semaphore, #tpu.memory_space<semaphore_mem>>) src(%arg7 : memref<32x1024xi32, #tpu.memory_space<vmem>>) dst(%dma_wait3A_208 : memref<32x1024xi32, #tpu.memory_space<hbm>>)
    return
  }
}

module attributes {stable_mosaic.version = 14 : i64} {
  func.func @_router_body(%arg0: i32, %arg1: memref<1024x2048xf32, #tpu.memory_space<vmem>>, %arg2: memref<2048x8xf32, #tpu.memory_space<vmem>>, %arg3: memref<1024x2xi32, #tpu.memory_space<vmem>>, %arg4: memref<1024x2xf32, #tpu.memory_space<vmem>>, %arg5: memref<1024x1024xi32, #tpu.memory_space<vmem>>) attributes {dimension_semantics = [#tpu.dimension_semantics<arbitrary>], iteration_bounds = array<i64: 4>, scalar_prefetch = 0 : i64, scratch_operands = 0 : i64, tpu.core_type = #tpu.core_type<tc>, window_params = [{transform_indices = @transform_0, window_bounds = array<i64: 1024, 2048>}, {pipeline_mode = #tpu.pipeline_mode<synchronous>, transform_indices = @transform_1, window_bounds = array<i64: 2048, 8>}, {transform_indices = @transform_2, window_bounds = array<i64: 1024, 2>}, {transform_indices = @transform_3, window_bounds = array<i64: 1024, 2>}, {transform_indices = @transform_4, window_bounds = array<i64: 1024, 1024>}]} {
    %get3A = arith.constant 0 : index
    %get3A_0 = arith.constant 0 : index
    %get3A_1 = vector.load %arg1[%get3A, %get3A_0] : memref<1024x2048xf32, #tpu.memory_space<vmem>>, vector<1024x2048xf32>
    %get3A_2 = arith.constant 0 : index
    %get3A_3 = arith.constant 0 : index
    %get3A_4 = vector.load %arg2[%get3A_2, %get3A_3] : memref<2048x8xf32, #tpu.memory_space<vmem>>, vector<2048x8xf32>
    %dot_general3A = arith.constant dense<0.000000e+00> : vector<1024x8xf32>
    %dot_general3A_5 = tpu.matmul %get3A_1, %get3A_4, %dot_general3A {dimension_numbers = #tpu.dot_dimension_numbers<[1], [0], [0], [1], [0, 0, 1, 1], [], []>, transpose_lhs_hint = false} : vector<1024x2048xf32>, vector<2048x8xf32>, vector<1024x8xf32> -> vector<1024x8xf32>
    %iota3A = tpu.iota {dimensions = array<i32: 1>} : vector<1024x8xi32>
    %reduce_max3A = arith.constant dense<0xFF800000> : vector<1024xf32>
    %reduce_max3A_6 = vector.multi_reduction <maximumf>, %dot_general3A_5, %reduce_max3A [1] : vector<1024x8xf32> to vector<1024xf32>
    %broadcast_in_dim3A = vector.shape_cast %reduce_max3A_6 : vector<1024xf32> to vector<1024x1xf32>
    %eq3A = vector.broadcast %broadcast_in_dim3A : vector<1024x1xf32> to vector<1024x8xf32>
    %eq3A_7 = arith.cmpf oeq, %dot_general3A_5, %eq3A : vector<1024x8xf32>
    %jit3A = arith.constant 8 : i32
    %broadcast_in_dim3A_8 = vector.broadcast %jit3A : i32 to vector<1024x8xi32>
    %select_n3A = arith.select %eq3A_7, %iota3A, %broadcast_in_dim3A_8 : vector<1024x8xi1>, vector<1024x8xi32>
    %reduce_min3A = arith.constant dense<2147483647> : vector<1024xi32>
    %reduce_min3A_9 = vector.multi_reduction <minsi>, %select_n3A, %reduce_min3A [1] : vector<1024x8xi32> to vector<1024xi32>
    %broadcast_in_dim3A_10 = vector.shape_cast %reduce_min3A_9 : vector<1024xi32> to vector<1024x1xi32>
    %eq3A_11 = vector.broadcast %broadcast_in_dim3A_10 : vector<1024x1xi32> to vector<1024x8xi32>
    %eq3A_12 = arith.cmpi eq, %iota3A, %eq3A_11 : vector<1024x8xi32>
    %jit3A_13 = arith.constant 0xFF800000 : f32
    %broadcast_in_dim3A_14 = vector.broadcast %jit3A_13 : f32 to vector<1024x8xf32>
    %select_n3A_15 = arith.select %eq3A_12, %broadcast_in_dim3A_14, %dot_general3A_5 : vector<1024x8xi1>, vector<1024x8xf32>
    %reduce_max3A_16 = arith.constant dense<0xFF800000> : vector<1024xf32>
    %reduce_max3A_17 = vector.multi_reduction <maximumf>, %select_n3A_15, %reduce_max3A_16 [1] : vector<1024x8xf32> to vector<1024xf32>
    %broadcast_in_dim3A_18 = vector.shape_cast %reduce_max3A_17 : vector<1024xf32> to vector<1024x1xf32>
    %eq3A_19 = vector.broadcast %broadcast_in_dim3A_18 : vector<1024x1xf32> to vector<1024x8xf32>
    %eq3A_20 = arith.cmpf oeq, %select_n3A_15, %eq3A_19 : vector<1024x8xf32>
    %jit3A_21 = arith.constant 8 : i32
    %broadcast_in_dim3A_22 = vector.broadcast %jit3A_21 : i32 to vector<1024x8xi32>
    %select_n3A_23 = arith.select %eq3A_20, %iota3A, %broadcast_in_dim3A_22 : vector<1024x8xi1>, vector<1024x8xi32>
    %reduce_min3A_24 = arith.constant dense<2147483647> : vector<1024xi32>
    %reduce_min3A_25 = vector.multi_reduction <minsi>, %select_n3A_23, %reduce_min3A_24 [1] : vector<1024x8xi32> to vector<1024xi32>
    %broadcast_in_dim3A_26 = vector.shape_cast %reduce_min3A_25 : vector<1024xi32> to vector<1024x1xi32>
    %sub3A = arith.subf %broadcast_in_dim3A_18, %broadcast_in_dim3A : vector<1024x1xf32>
    %exp3A = math.exp %sub3A : vector<1024x1xf32>
    %add3A = arith.constant 1.000000e+00 : f32
    %add3A_27 = vector.broadcast %add3A : f32 to vector<1024x1xf32>
    %add3A_28 = arith.addf %add3A_27, %exp3A : vector<1024x1xf32>
    %div3A = arith.constant 1.000000e+00 : f32
    %div3A_29 = vector.broadcast %div3A : f32 to vector<1024x1xf32>
    %div3A_30 = arith.divf %div3A_29, %add3A_28 : vector<1024x1xf32>
    %concatenate3A = tpu.concatenate %broadcast_in_dim3A_10, %broadcast_in_dim3A_26 in 1 : vector<1024x1xi32>, vector<1024x1xi32> -> vector<1024x2xi32>
    %swap3A = arith.constant 0 : index
    %swap3A_31 = arith.constant 0 : index
    %swap3A_32 = vector.load %arg3[%swap3A, %swap3A_31] : memref<1024x2xi32, #tpu.memory_space<vmem>>, vector<1024x2xi32>
    tpu.vector_store %arg3[%swap3A, %swap3A_31], %concatenate3A {strides = array<i32>} : memref<1024x2xi32, #tpu.memory_space<vmem>>, vector<1024x2xi32>,
    %sub3A_33 = arith.constant 1.000000e+00 : f32
    %sub3A_34 = vector.broadcast %sub3A_33 : f32 to vector<1024x1xf32>
    %sub3A_35 = arith.subf %sub3A_34, %div3A_30 : vector<1024x1xf32>
    %concatenate3A_36 = tpu.concatenate %div3A_30, %sub3A_35 in 1 : vector<1024x1xf32>, vector<1024x1xf32> -> vector<1024x2xf32>
    %swap3A_37 = arith.constant 0 : index
    %swap3A_38 = arith.constant 0 : index
    %swap3A_39 = vector.load %arg4[%swap3A_37, %swap3A_38] : memref<1024x2xf32, #tpu.memory_space<vmem>>, vector<1024x2xf32>
    tpu.vector_store %arg4[%swap3A_37, %swap3A_38], %concatenate3A_36 {strides = array<i32>} : memref<1024x2xf32, #tpu.memory_space<vmem>>, vector<1024x2xf32>,
    %slice3A = vector.extract_strided_slice %get3A_1 {offsets = [0, 0], sizes = [1024, 1024], strides = [1, 1]} : vector<1024x2048xf32> to vector<1024x1024xf32>
    %slice3A_40 = vector.extract_strided_slice %get3A_1 {offsets = [0, 1024], sizes = [1024, 1024], strides = [1, 1]} : vector<1024x2048xf32> to vector<1024x1024xf32>
    %bitcast_convert_type3A = tpu.bitcast %slice3A : vector<1024x1024xf32> -> vector<1024x1024xi32>
    %bitcast_convert_type3A_41 = tpu.bitcast %slice3A_40 : vector<1024x1024xf32> -> vector<1024x1024xi32>
    %add3A_42 = arith.constant 32768 : i32
    %add3A_43 = vector.broadcast %add3A_42 : i32 to vector<1024x1024xi32>
    %add3A_44 = arith.addi %bitcast_convert_type3A, %add3A_43 : vector<1024x1024xi32>
    %shift_right_logical3A = arith.constant 16 : i32
    %shift_right_logical3A_45 = vector.broadcast %shift_right_logical3A : i32 to vector<1024x1024xi32>
    %shift_right_logical3A_46 = arith.shrui %add3A_44, %shift_right_logical3A_45 : vector<1024x1024xi32>
    %add3A_47 = arith.constant 32768 : i32
    %add3A_48 = vector.broadcast %add3A_47 : i32 to vector<1024x1024xi32>
    %add3A_49 = arith.addi %bitcast_convert_type3A_41, %add3A_48 : vector<1024x1024xi32>
    %and3A = arith.constant -65536 : i32
    %and3A_50 = vector.broadcast %and3A : i32 to vector<1024x1024xi32>
    %and3A_51 = arith.andi %add3A_49, %and3A_50 : vector<1024x1024xi32>
    %or3A = arith.ori %shift_right_logical3A_46, %and3A_51 : vector<1024x1024xi32>
    %swap3A_52 = arith.constant 0 : index
    %swap3A_53 = arith.constant 0 : index
    %swap3A_54 = vector.load %arg5[%swap3A_52, %swap3A_53] : memref<1024x1024xi32, #tpu.memory_space<vmem>>, vector<1024x1024xi32>
    tpu.vector_store %arg5[%swap3A_52, %swap3A_53], %or3A {strides = array<i32>} : memref<1024x1024xi32, #tpu.memory_space<vmem>>, vector<1024x1024xi32>,
    return
  }
  func.func @transform_0(%arg0: i32) -> (i32, i32) {
    %c0_i32 = arith.constant 0 : i32
    %c0_i32_0 = arith.constant 0 : i32
    return %arg0, %c0_i32 : i32, i32
  }
  func.func @transform_1(%arg0: i32) -> (i32, i32) {
    %c0_i32 = arith.constant 0 : i32
    %c0_i32_0 = arith.constant 0 : i32
    %c0_i32_1 = arith.constant 0 : i32
    return %c0_i32, %c0_i32_0 : i32, i32
  }
  func.func @transform_2(%arg0: i32) -> (i32, i32) {
    %c0_i32 = arith.constant 0 : i32
    %c0_i32_0 = arith.constant 0 : i32
    return %arg0, %c0_i32 : i32, i32
  }
  func.func @transform_3(%arg0: i32) -> (i32, i32) {
    %c0_i32 = arith.constant 0 : i32
    %c0_i32_0 = arith.constant 0 : i32
    return %arg0, %c0_i32 : i32, i32
  }
  func.func @transform_4(%arg0: i32) -> (i32, i32) {
    %c0_i32 = arith.constant 0 : i32
    %c0_i32_0 = arith.constant 0 : i32
    return %arg0, %c0_i32 : i32, i32
  }
}

module attributes {stable_mosaic.version = 14 : i64} {
  func.func @_dispatch_body(%arg0: memref<64x128xi32, #tpu.memory_space<vmem>>, %arg1: memref<64x128xi32, #tpu.memory_space<vmem>>, %arg2: memref<8x128xi32, #tpu.memory_space<vmem>>) attributes {dimension_semantics = [], scalar_prefetch = 0 : i64, scratch_operands = 0 : i64, tpu.core_type = #tpu.core_type<tc>} {
    %get3A = arith.constant 0 : index
    %get3A_0 = arith.constant 0 : index
    %get3A_1 = vector.load %arg0[%get3A, %get3A_0] : memref<64x128xi32, #tpu.memory_space<vmem>>, vector<64x128xi32>
    %iota3A = tpu.iota {dimensions = array<i32: 0>} : vector<128x128xi32>
    %iota3A_2 = tpu.iota {dimensions = array<i32: 1>} : vector<128x128xi32>
    %le3A = arith.cmpi sle, %iota3A, %iota3A_2 : vector<128x128xi32>
    %convert_element_type3A = arith.extui %le3A : vector<128x128xi1> to vector<128x128xi32>
    %convert_element_type3A_3 = arith.sitofp %convert_element_type3A : vector<128x128xi32> to vector<128x128xf32>
    %iota3A_4 = tpu.iota {dimensions = array<i32: 0>} : vector<64x64xi32>
    %iota3A_5 = tpu.iota {dimensions = array<i32: 1>} : vector<64x64xi32>
    %lt3A = arith.cmpi slt, %iota3A_5, %iota3A_4 : vector<64x64xi32>
    %convert_element_type3A_6 = arith.extui %lt3A : vector<64x64xi1> to vector<64x64xi32>
    %convert_element_type3A_7 = arith.sitofp %convert_element_type3A_6 : vector<64x64xi32> to vector<64x64xf32>
    %eq3A = arith.constant 0 : i32
    %eq3A_8 = vector.broadcast %eq3A : i32 to vector<64x128xi32>
    %eq3A_9 = arith.cmpi eq, %get3A_1, %eq3A_8 : vector<64x128xi32>
    %convert_element_type3A_10 = arith.extui %eq3A_9 : vector<64x128xi1> to vector<64x128xi32>
    %convert_element_type3A_11 = arith.sitofp %convert_element_type3A_10 : vector<64x128xi32> to vector<64x128xf32>
    %dot_general3A = arith.constant dense<0.000000e+00> : vector<64x128xf32>
    %dot_general3A_12 = tpu.matmul %convert_element_type3A_11, %convert_element_type3A_3, %dot_general3A {dimension_numbers = #tpu.dot_dimension_numbers<[1], [0], [0], [1], [0, 0, 1, 1], [], []>, transpose_lhs_hint = false} : vector<64x128xf32>, vector<128x128xf32>, vector<64x128xf32> -> vector<64x128xf32>
    %reduce_sum3A = arith.constant dense<0.000000e+00> : vector<64xf32>
    %reduce_sum3A_13 = vector.multi_reduction <add>, %convert_element_type3A_11, %reduce_sum3A [1] : vector<64x128xf32> to vector<64xf32>
    %broadcast_in_dim3A = vector.shape_cast %reduce_sum3A_13 : vector<64xf32> to vector<64x1xf32>
    %dot_general3A_14 = arith.constant dense<0.000000e+00> : vector<64x1xf32>
    %dot_general3A_15 = tpu.matmul %convert_element_type3A_7, %broadcast_in_dim3A, %dot_general3A_14 {dimension_numbers = #tpu.dot_dimension_numbers<[1], [0], [0], [1], [0, 0, 1, 1], [], []>, transpose_lhs_hint = false} : vector<64x64xf32>, vector<64x1xf32>, vector<64x1xf32> -> vector<64x1xf32>
    %add3A = vector.broadcast %dot_general3A_15 : vector<64x1xf32> to vector<64x128xf32>
    %add3A_16 = arith.addf %dot_general3A_12, %add3A : vector<64x128xf32>
    %reduce_sum3A_17 = vector.shape_cast %convert_element_type3A_11 : vector<64x128xf32> to vector<1x64x128xf32>
    %reduce_sum3A_18 = arith.constant dense<0.000000e+00> : vector<1xf32>
    %reduce_sum3A_19 = vector.multi_reduction <add>, %reduce_sum3A_17, %reduce_sum3A_18 [1, 2] : vector<1x64x128xf32> to vector<1xf32>
    %reduce_sum3A_20 = vector.shape_cast %reduce_sum3A_19 : vector<1xf32> to vector<1x1x1xf32>
    %reduce_sum3A_21 = vector.extract %reduce_sum3A_20[0, 0, 0] : f32 from vector<1x1x1xf32>
    %convert_element_type3A_22 = arith.fptosi %reduce_sum3A_21 : f32 to i32
    %eq3A_23 = arith.constant 1 : i32
    %eq3A_24 = vector.broadcast %eq3A_23 : i32 to vector<64x128xi32>
    %eq3A_25 = arith.cmpi eq, %get3A_1, %eq3A_24 : vector<64x128xi32>
    %convert_element_type3A_26 = arith.extui %eq3A_25 : vector<64x128xi1> to vector<64x128xi32>
    %convert_element_type3A_27 = arith.sitofp %convert_element_type3A_26 : vector<64x128xi32> to vector<64x128xf32>
    %dot_general3A_28 = arith.constant dense<0.000000e+00> : vector<64x128xf32>
    %dot_general3A_29 = tpu.matmul %convert_element_type3A_27, %convert_element_type3A_3, %dot_general3A_28 {dimension_numbers = #tpu.dot_dimension_numbers<[1], [0], [0], [1], [0, 0, 1, 1], [], []>, transpose_lhs_hint = false} : vector<64x128xf32>, vector<128x128xf32>, vector<64x128xf32> -> vector<64x128xf32>
    %reduce_sum3A_30 = arith.constant dense<0.000000e+00> : vector<64xf32>
    %reduce_sum3A_31 = vector.multi_reduction <add>, %convert_element_type3A_27, %reduce_sum3A_30 [1] : vector<64x128xf32> to vector<64xf32>
    %broadcast_in_dim3A_32 = vector.shape_cast %reduce_sum3A_31 : vector<64xf32> to vector<64x1xf32>
    %dot_general3A_33 = arith.constant dense<0.000000e+00> : vector<64x1xf32>
    %dot_general3A_34 = tpu.matmul %convert_element_type3A_7, %broadcast_in_dim3A_32, %dot_general3A_33 {dimension_numbers = #tpu.dot_dimension_numbers<[1], [0], [0], [1], [0, 0, 1, 1], [], []>, transpose_lhs_hint = false} : vector<64x64xf32>, vector<64x1xf32>, vector<64x1xf32> -> vector<64x1xf32>
    %add3A_35 = vector.broadcast %dot_general3A_34 : vector<64x1xf32> to vector<64x128xf32>
    %add3A_36 = arith.addf %dot_general3A_29, %add3A_35 : vector<64x128xf32>
    %reduce_sum3A_37 = vector.shape_cast %convert_element_type3A_27 : vector<64x128xf32> to vector<1x64x128xf32>
    %reduce_sum3A_38 = arith.constant dense<0.000000e+00> : vector<1xf32>
    %reduce_sum3A_39 = vector.multi_reduction <add>, %reduce_sum3A_37, %reduce_sum3A_38 [1, 2] : vector<1x64x128xf32> to vector<1xf32>
    %reduce_sum3A_40 = vector.shape_cast %reduce_sum3A_39 : vector<1xf32> to vector<1x1x1xf32>
    %reduce_sum3A_41 = vector.extract %reduce_sum3A_40[0, 0, 0] : f32 from vector<1x1x1xf32>
    %convert_element_type3A_42 = arith.fptosi %reduce_sum3A_41 : f32 to i32
    %eq3A_43 = arith.constant 2 : i32
    %eq3A_44 = vector.broadcast %eq3A_43 : i32 to vector<64x128xi32>
    %eq3A_45 = arith.cmpi eq, %get3A_1, %eq3A_44 : vector<64x128xi32>
    %convert_element_type3A_46 = arith.extui %eq3A_45 : vector<64x128xi1> to vector<64x128xi32>
    %convert_element_type3A_47 = arith.sitofp %convert_element_type3A_46 : vector<64x128xi32> to vector<64x128xf32>
    %dot_general3A_48 = arith.constant dense<0.000000e+00> : vector<64x128xf32>
    %dot_general3A_49 = tpu.matmul %convert_element_type3A_47, %convert_element_type3A_3, %dot_general3A_48 {dimension_numbers = #tpu.dot_dimension_numbers<[1], [0], [0], [1], [0, 0, 1, 1], [], []>, transpose_lhs_hint = false} : vector<64x128xf32>, vector<128x128xf32>, vector<64x128xf32> -> vector<64x128xf32>
    %reduce_sum3A_50 = arith.constant dense<0.000000e+00> : vector<64xf32>
    %reduce_sum3A_51 = vector.multi_reduction <add>, %convert_element_type3A_47, %reduce_sum3A_50 [1] : vector<64x128xf32> to vector<64xf32>
    %broadcast_in_dim3A_52 = vector.shape_cast %reduce_sum3A_51 : vector<64xf32> to vector<64x1xf32>
    %dot_general3A_53 = arith.constant dense<0.000000e+00> : vector<64x1xf32>
    %dot_general3A_54 = tpu.matmul %convert_element_type3A_7, %broadcast_in_dim3A_52, %dot_general3A_53 {dimension_numbers = #tpu.dot_dimension_numbers<[1], [0], [0], [1], [0, 0, 1, 1], [], []>, transpose_lhs_hint = false} : vector<64x64xf32>, vector<64x1xf32>, vector<64x1xf32> -> vector<64x1xf32>
    %add3A_55 = vector.broadcast %dot_general3A_54 : vector<64x1xf32> to vector<64x128xf32>
    %add3A_56 = arith.addf %dot_general3A_49, %add3A_55 : vector<64x128xf32>
    %reduce_sum3A_57 = vector.shape_cast %convert_element_type3A_47 : vector<64x128xf32> to vector<1x64x128xf32>
    %reduce_sum3A_58 = arith.constant dense<0.000000e+00> : vector<1xf32>
    %reduce_sum3A_59 = vector.multi_reduction <add>, %reduce_sum3A_57, %reduce_sum3A_58 [1, 2] : vector<1x64x128xf32> to vector<1xf32>
    %reduce_sum3A_60 = vector.shape_cast %reduce_sum3A_59 : vector<1xf32> to vector<1x1x1xf32>
    %reduce_sum3A_61 = vector.extract %reduce_sum3A_60[0, 0, 0] : f32 from vector<1x1x1xf32>
    %convert_element_type3A_62 = arith.fptosi %reduce_sum3A_61 : f32 to i32
    %eq3A_63 = arith.constant 3 : i32
    %eq3A_64 = vector.broadcast %eq3A_63 : i32 to vector<64x128xi32>
    %eq3A_65 = arith.cmpi eq, %get3A_1, %eq3A_64 : vector<64x128xi32>
    %convert_element_type3A_66 = arith.extui %eq3A_65 : vector<64x128xi1> to vector<64x128xi32>
    %convert_element_type3A_67 = arith.sitofp %convert_element_type3A_66 : vector<64x128xi32> to vector<64x128xf32>
    %dot_general3A_68 = arith.constant dense<0.000000e+00> : vector<64x128xf32>
    %dot_general3A_69 = tpu.matmul %convert_element_type3A_67, %convert_element_type3A_3, %dot_general3A_68 {dimension_numbers = #tpu.dot_dimension_numbers<[1], [0], [0], [1], [0, 0, 1, 1], [], []>, transpose_lhs_hint = false} : vector<64x128xf32>, vector<128x128xf32>, vector<64x128xf32> -> vector<64x128xf32>
    %reduce_sum3A_70 = arith.constant dense<0.000000e+00> : vector<64xf32>
    %reduce_sum3A_71 = vector.multi_reduction <add>, %convert_element_type3A_67, %reduce_sum3A_70 [1] : vector<64x128xf32> to vector<64xf32>
    %broadcast_in_dim3A_72 = vector.shape_cast %reduce_sum3A_71 : vector<64xf32> to vector<64x1xf32>
    %dot_general3A_73 = arith.constant dense<0.000000e+00> : vector<64x1xf32>
    %dot_general3A_74 = tpu.matmul %convert_element_type3A_7, %broadcast_in_dim3A_72, %dot_general3A_73 {dimension_numbers = #tpu.dot_dimension_numbers<[1], [0], [0], [1], [0, 0, 1, 1], [], []>, transpose_lhs_hint = false} : vector<64x64xf32>, vector<64x1xf32>, vector<64x1xf32> -> vector<64x1xf32>
    %add3A_75 = vector.broadcast %dot_general3A_74 : vector<64x1xf32> to vector<64x128xf32>
    %add3A_76 = arith.addf %dot_general3A_69, %add3A_75 : vector<64x128xf32>
    %reduce_sum3A_77 = vector.shape_cast %convert_element_type3A_67 : vector<64x128xf32> to vector<1x64x128xf32>
    %reduce_sum3A_78 = arith.constant dense<0.000000e+00> : vector<1xf32>
    %reduce_sum3A_79 = vector.multi_reduction <add>, %reduce_sum3A_77, %reduce_sum3A_78 [1, 2] : vector<1x64x128xf32> to vector<1xf32>
    %reduce_sum3A_80 = vector.shape_cast %reduce_sum3A_79 : vector<1xf32> to vector<1x1x1xf32>
    %reduce_sum3A_81 = vector.extract %reduce_sum3A_80[0, 0, 0] : f32 from vector<1x1x1xf32>
    %convert_element_type3A_82 = arith.fptosi %reduce_sum3A_81 : f32 to i32
    %eq3A_83 = arith.constant 4 : i32
    %eq3A_84 = vector.broadcast %eq3A_83 : i32 to vector<64x128xi32>
    %eq3A_85 = arith.cmpi eq, %get3A_1, %eq3A_84 : vector<64x128xi32>
    %convert_element_type3A_86 = arith.extui %eq3A_85 : vector<64x128xi1> to vector<64x128xi32>
    %convert_element_type3A_87 = arith.sitofp %convert_element_type3A_86 : vector<64x128xi32> to vector<64x128xf32>
    %dot_general3A_88 = arith.constant dense<0.000000e+00> : vector<64x128xf32>
    %dot_general3A_89 = tpu.matmul %convert_element_type3A_87, %convert_element_type3A_3, %dot_general3A_88 {dimension_numbers = #tpu.dot_dimension_numbers<[1], [0], [0], [1], [0, 0, 1, 1], [], []>, transpose_lhs_hint = false} : vector<64x128xf32>, vector<128x128xf32>, vector<64x128xf32> -> vector<64x128xf32>
    %reduce_sum3A_90 = arith.constant dense<0.000000e+00> : vector<64xf32>
    %reduce_sum3A_91 = vector.multi_reduction <add>, %convert_element_type3A_87, %reduce_sum3A_90 [1] : vector<64x128xf32> to vector<64xf32>
    %broadcast_in_dim3A_92 = vector.shape_cast %reduce_sum3A_91 : vector<64xf32> to vector<64x1xf32>
    %dot_general3A_93 = arith.constant dense<0.000000e+00> : vector<64x1xf32>
    %dot_general3A_94 = tpu.matmul %convert_element_type3A_7, %broadcast_in_dim3A_92, %dot_general3A_93 {dimension_numbers = #tpu.dot_dimension_numbers<[1], [0], [0], [1], [0, 0, 1, 1], [], []>, transpose_lhs_hint = false} : vector<64x64xf32>, vector<64x1xf32>, vector<64x1xf32> -> vector<64x1xf32>
    %add3A_95 = vector.broadcast %dot_general3A_94 : vector<64x1xf32> to vector<64x128xf32>
    %add3A_96 = arith.addf %dot_general3A_89, %add3A_95 : vector<64x128xf32>
    %reduce_sum3A_97 = vector.shape_cast %convert_element_type3A_87 : vector<64x128xf32> to vector<1x64x128xf32>
    %reduce_sum3A_98 = arith.constant dense<0.000000e+00> : vector<1xf32>
    %reduce_sum3A_99 = vector.multi_reduction <add>, %reduce_sum3A_97, %reduce_sum3A_98 [1, 2] : vector<1x64x128xf32> to vector<1xf32>
    %reduce_sum3A_100 = vector.shape_cast %reduce_sum3A_99 : vector<1xf32> to vector<1x1x1xf32>
    %reduce_sum3A_101 = vector.extract %reduce_sum3A_100[0, 0, 0] : f32 from vector<1x1x1xf32>
    %convert_element_type3A_102 = arith.fptosi %reduce_sum3A_101 : f32 to i32
    %eq3A_103 = arith.constant 5 : i32
    %eq3A_104 = vector.broadcast %eq3A_103 : i32 to vector<64x128xi32>
    %eq3A_105 = arith.cmpi eq, %get3A_1, %eq3A_104 : vector<64x128xi32>
    %convert_element_type3A_106 = arith.extui %eq3A_105 : vector<64x128xi1> to vector<64x128xi32>
    %convert_element_type3A_107 = arith.sitofp %convert_element_type3A_106 : vector<64x128xi32> to vector<64x128xf32>
    %dot_general3A_108 = arith.constant dense<0.000000e+00> : vector<64x128xf32>
    %dot_general3A_109 = tpu.matmul %convert_element_type3A_107, %convert_element_type3A_3, %dot_general3A_108 {dimension_numbers = #tpu.dot_dimension_numbers<[1], [0], [0], [1], [0, 0, 1, 1], [], []>, transpose_lhs_hint = false} : vector<64x128xf32>, vector<128x128xf32>, vector<64x128xf32> -> vector<64x128xf32>
    %reduce_sum3A_110 = arith.constant dense<0.000000e+00> : vector<64xf32>
    %reduce_sum3A_111 = vector.multi_reduction <add>, %convert_element_type3A_107, %reduce_sum3A_110 [1] : vector<64x128xf32> to vector<64xf32>
    %broadcast_in_dim3A_112 = vector.shape_cast %reduce_sum3A_111 : vector<64xf32> to vector<64x1xf32>
    %dot_general3A_113 = arith.constant dense<0.000000e+00> : vector<64x1xf32>
    %dot_general3A_114 = tpu.matmul %convert_element_type3A_7, %broadcast_in_dim3A_112, %dot_general3A_113 {dimension_numbers = #tpu.dot_dimension_numbers<[1], [0], [0], [1], [0, 0, 1, 1], [], []>, transpose_lhs_hint = false} : vector<64x64xf32>, vector<64x1xf32>, vector<64x1xf32> -> vector<64x1xf32>
    %add3A_115 = vector.broadcast %dot_general3A_114 : vector<64x1xf32> to vector<64x128xf32>
    %add3A_116 = arith.addf %dot_general3A_109, %add3A_115 : vector<64x128xf32>
    %reduce_sum3A_117 = vector.shape_cast %convert_element_type3A_107 : vector<64x128xf32> to vector<1x64x128xf32>
    %reduce_sum3A_118 = arith.constant dense<0.000000e+00> : vector<1xf32>
    %reduce_sum3A_119 = vector.multi_reduction <add>, %reduce_sum3A_117, %reduce_sum3A_118 [1, 2] : vector<1x64x128xf32> to vector<1xf32>
    %reduce_sum3A_120 = vector.shape_cast %reduce_sum3A_119 : vector<1xf32> to vector<1x1x1xf32>
    %reduce_sum3A_121 = vector.extract %reduce_sum3A_120[0, 0, 0] : f32 from vector<1x1x1xf32>
    %convert_element_type3A_122 = arith.fptosi %reduce_sum3A_121 : f32 to i32
    %eq3A_123 = arith.constant 6 : i32
    %eq3A_124 = vector.broadcast %eq3A_123 : i32 to vector<64x128xi32>
    %eq3A_125 = arith.cmpi eq, %get3A_1, %eq3A_124 : vector<64x128xi32>
    %convert_element_type3A_126 = arith.extui %eq3A_125 : vector<64x128xi1> to vector<64x128xi32>
    %convert_element_type3A_127 = arith.sitofp %convert_element_type3A_126 : vector<64x128xi32> to vector<64x128xf32>
    %dot_general3A_128 = arith.constant dense<0.000000e+00> : vector<64x128xf32>
    %dot_general3A_129 = tpu.matmul %convert_element_type3A_127, %convert_element_type3A_3, %dot_general3A_128 {dimension_numbers = #tpu.dot_dimension_numbers<[1], [0], [0], [1], [0, 0, 1, 1], [], []>, transpose_lhs_hint = false} : vector<64x128xf32>, vector<128x128xf32>, vector<64x128xf32> -> vector<64x128xf32>
    %reduce_sum3A_130 = arith.constant dense<0.000000e+00> : vector<64xf32>
    %reduce_sum3A_131 = vector.multi_reduction <add>, %convert_element_type3A_127, %reduce_sum3A_130 [1] : vector<64x128xf32> to vector<64xf32>
    %broadcast_in_dim3A_132 = vector.shape_cast %reduce_sum3A_131 : vector<64xf32> to vector<64x1xf32>
    %dot_general3A_133 = arith.constant dense<0.000000e+00> : vector<64x1xf32>
    %dot_general3A_134 = tpu.matmul %convert_element_type3A_7, %broadcast_in_dim3A_132, %dot_general3A_133 {dimension_numbers = #tpu.dot_dimension_numbers<[1], [0], [0], [1], [0, 0, 1, 1], [], []>, transpose_lhs_hint = false} : vector<64x64xf32>, vector<64x1xf32>, vector<64x1xf32> -> vector<64x1xf32>
    %add3A_135 = vector.broadcast %dot_general3A_134 : vector<64x1xf32> to vector<64x128xf32>
    %add3A_136 = arith.addf %dot_general3A_129, %add3A_135 : vector<64x128xf32>
    %reduce_sum3A_137 = vector.shape_cast %convert_element_type3A_127 : vector<64x128xf32> to vector<1x64x128xf32>
    %reduce_sum3A_138 = arith.constant dense<0.000000e+00> : vector<1xf32>
    %reduce_sum3A_139 = vector.multi_reduction <add>, %reduce_sum3A_137, %reduce_sum3A_138 [1, 2] : vector<1x64x128xf32> to vector<1xf32>
    %reduce_sum3A_140 = vector.shape_cast %reduce_sum3A_139 : vector<1xf32> to vector<1x1x1xf32>
    %reduce_sum3A_141 = vector.extract %reduce_sum3A_140[0, 0, 0] : f32 from vector<1x1x1xf32>
    %convert_element_type3A_142 = arith.fptosi %reduce_sum3A_141 : f32 to i32
    %eq3A_143 = arith.constant 7 : i32
    %eq3A_144 = vector.broadcast %eq3A_143 : i32 to vector<64x128xi32>
    %eq3A_145 = arith.cmpi eq, %get3A_1, %eq3A_144 : vector<64x128xi32>
    %convert_element_type3A_146 = arith.extui %eq3A_145 : vector<64x128xi1> to vector<64x128xi32>
    %convert_element_type3A_147 = arith.sitofp %convert_element_type3A_146 : vector<64x128xi32> to vector<64x128xf32>
    %dot_general3A_148 = arith.constant dense<0.000000e+00> : vector<64x128xf32>
    %dot_general3A_149 = tpu.matmul %convert_element_type3A_147, %convert_element_type3A_3, %dot_general3A_148 {dimension_numbers = #tpu.dot_dimension_numbers<[1], [0], [0], [1], [0, 0, 1, 1], [], []>, transpose_lhs_hint = false} : vector<64x128xf32>, vector<128x128xf32>, vector<64x128xf32> -> vector<64x128xf32>
    %reduce_sum3A_150 = arith.constant dense<0.000000e+00> : vector<64xf32>
    %reduce_sum3A_151 = vector.multi_reduction <add>, %convert_element_type3A_147, %reduce_sum3A_150 [1] : vector<64x128xf32> to vector<64xf32>
    %broadcast_in_dim3A_152 = vector.shape_cast %reduce_sum3A_151 : vector<64xf32> to vector<64x1xf32>
    %dot_general3A_153 = arith.constant dense<0.000000e+00> : vector<64x1xf32>
    %dot_general3A_154 = tpu.matmul %convert_element_type3A_7, %broadcast_in_dim3A_152, %dot_general3A_153 {dimension_numbers = #tpu.dot_dimension_numbers<[1], [0], [0], [1], [0, 0, 1, 1], [], []>, transpose_lhs_hint = false} : vector<64x64xf32>, vector<64x1xf32>, vector<64x1xf32> -> vector<64x1xf32>
    %add3A_155 = vector.broadcast %dot_general3A_154 : vector<64x1xf32> to vector<64x128xf32>
    %add3A_156 = arith.addf %dot_general3A_149, %add3A_155 : vector<64x128xf32>
    %reduce_sum3A_157 = vector.shape_cast %convert_element_type3A_147 : vector<64x128xf32> to vector<1x64x128xf32>
    %reduce_sum3A_158 = arith.constant dense<0.000000e+00> : vector<1xf32>
    %reduce_sum3A_159 = vector.multi_reduction <add>, %reduce_sum3A_157, %reduce_sum3A_158 [1, 2] : vector<1x64x128xf32> to vector<1xf32>
    %reduce_sum3A_160 = vector.shape_cast %reduce_sum3A_159 : vector<1xf32> to vector<1x1x1xf32>
    %reduce_sum3A_161 = vector.extract %reduce_sum3A_160[0, 0, 0] : f32 from vector<1x1x1xf32>
    %convert_element_type3A_162 = arith.fptosi %reduce_sum3A_161 : f32 to i32
    %broadcast_in_dim3A_163 = arith.constant 0 : i32
    %broadcast_in_dim3A_164 = vector.broadcast %broadcast_in_dim3A_163 : i32 to vector<64x128xi32>
    %convert_element_type3A_165 = arith.fptosi %convert_element_type3A_11 : vector<64x128xf32> to vector<64x128xi32>
    %convert_element_type3A_166 = arith.fptosi %add3A_16 : vector<64x128xf32> to vector<64x128xi32>
    %add3A_167 = arith.constant 0 : i32
    %add3A_168 = vector.broadcast %add3A_167 : i32 to vector<64x128xi32>
    %add3A_169 = arith.addi %add3A_168, %convert_element_type3A_166 : vector<64x128xi32>
    %sub3A = arith.constant 1 : i32
    %sub3A_170 = vector.broadcast %sub3A : i32 to vector<64x128xi32>
    %sub3A_171 = arith.subi %add3A_169, %sub3A_170 : vector<64x128xi32>
    %mul3A = arith.muli %convert_element_type3A_165, %sub3A_171 : vector<64x128xi32>
    %add3A_172 = arith.addi %broadcast_in_dim3A_164, %mul3A : vector<64x128xi32>
    %add3A_173 = arith.constant 128 : i32
    %add3A_174 = arith.addi %convert_element_type3A_22, %add3A_173 : i32
    %sub3A_175 = arith.constant 1 : i32
    %sub3A_176 = arith.subi %add3A_174, %sub3A_175 : i32
    %jit3A = arith.constant 128 : i32
    %div3A = arith.divsi %sub3A_176, %jit3A : i32
    %sign3A = arith.constant 0 : i32
    %sign3A_177 = arith.cmpi sgt, %sub3A_176, %sign3A : i32
    %sign3A_178 = arith.extui %sign3A_177 : i1 to i32
    %sign3A_179 = arith.constant 0 : i32
    %sign3A_180 = arith.cmpi slt, %sub3A_176, %sign3A_179 : i32
    %sign3A_181 = arith.extui %sign3A_180 : i1 to i32
    %sign3A_182 = arith.subi %sign3A_178, %sign3A_181 : i32
    %sign3A_183 = arith.constant 0 : i32
    %sign3A_184 = arith.cmpi sgt, %jit3A, %sign3A_183 : i32
    %sign3A_185 = arith.extui %sign3A_184 : i1 to i32
    %sign3A_186 = arith.constant 0 : i32
    %sign3A_187 = arith.cmpi slt, %jit3A, %sign3A_186 : i32
    %sign3A_188 = arith.extui %sign3A_187 : i1 to i32
    %sign3A_189 = arith.subi %sign3A_185, %sign3A_188 : i32
    %ne3A = arith.cmpi ne, %sign3A_182, %sign3A_189 : i32
    %rem3A = arith.remsi %sub3A_176, %jit3A : i32
    %ne3A_190 = arith.constant 0 : i32
    %ne3A_191 = arith.cmpi ne, %rem3A, %ne3A_190 : i32
    %and3A = arith.andi %ne3A, %ne3A_191 : i1
    %sub3A_192 = arith.constant 1 : i32
    %sub3A_193 = arith.subi %div3A, %sub3A_192 : i32
    %select_n3A = arith.select %and3A, %sub3A_193, %div3A : i32
    %mul3A_194 = arith.constant 128 : i32
    %mul3A_195 = arith.muli %select_n3A, %mul3A_194 : i32
    %add3A_196 = arith.constant 0 : i32
    %add3A_197 = arith.addi %add3A_196, %mul3A_195 : i32
    %convert_element_type3A_198 = arith.fptosi %convert_element_type3A_27 : vector<64x128xf32> to vector<64x128xi32>
    %convert_element_type3A_199 = arith.fptosi %add3A_36 : vector<64x128xf32> to vector<64x128xi32>
    %add3A_200 = vector.broadcast %add3A_197 : i32 to vector<64x128xi32>
    %add3A_201 = arith.addi %add3A_200, %convert_element_type3A_199 : vector<64x128xi32>
    %sub3A_202 = arith.constant 1 : i32
    %sub3A_203 = vector.broadcast %sub3A_202 : i32 to vector<64x128xi32>
    %sub3A_204 = arith.subi %add3A_201, %sub3A_203 : vector<64x128xi32>
    %mul3A_205 = arith.muli %convert_element_type3A_198, %sub3A_204 : vector<64x128xi32>
    %add3A_206 = arith.addi %add3A_172, %mul3A_205 : vector<64x128xi32>
    %add3A_207 = arith.constant 128 : i32
    %add3A_208 = arith.addi %convert_element_type3A_42, %add3A_207 : i32
    %sub3A_209 = arith.constant 1 : i32
    %sub3A_210 = arith.subi %add3A_208, %sub3A_209 : i32
    %jit3A_211 = arith.constant 128 : i32
    %div3A_212 = arith.divsi %sub3A_210, %jit3A_211 : i32
    %sign3A_213 = arith.constant 0 : i32
    %sign3A_214 = arith.cmpi sgt, %sub3A_210, %sign3A_213 : i32
    %sign3A_215 = arith.extui %sign3A_214 : i1 to i32
    %sign3A_216 = arith.constant 0 : i32
    %sign3A_217 = arith.cmpi slt, %sub3A_210, %sign3A_216 : i32
    %sign3A_218 = arith.extui %sign3A_217 : i1 to i32
    %sign3A_219 = arith.subi %sign3A_215, %sign3A_218 : i32
    %sign3A_220 = arith.constant 0 : i32
    %sign3A_221 = arith.cmpi sgt, %jit3A_211, %sign3A_220 : i32
    %sign3A_222 = arith.extui %sign3A_221 : i1 to i32
    %sign3A_223 = arith.constant 0 : i32
    %sign3A_224 = arith.cmpi slt, %jit3A_211, %sign3A_223 : i32
    %sign3A_225 = arith.extui %sign3A_224 : i1 to i32
    %sign3A_226 = arith.subi %sign3A_222, %sign3A_225 : i32
    %ne3A_227 = arith.cmpi ne, %sign3A_219, %sign3A_226 : i32
    %rem3A_228 = arith.remsi %sub3A_210, %jit3A_211 : i32
    %ne3A_229 = arith.constant 0 : i32
    %ne3A_230 = arith.cmpi ne, %rem3A_228, %ne3A_229 : i32
    %and3A_231 = arith.andi %ne3A_227, %ne3A_230 : i1
    %sub3A_232 = arith.constant 1 : i32
    %sub3A_233 = arith.subi %div3A_212, %sub3A_232 : i32
    %select_n3A_234 = arith.select %and3A_231, %sub3A_233, %div3A_212 : i32
    %mul3A_235 = arith.constant 128 : i32
    %mul3A_236 = arith.muli %select_n3A_234, %mul3A_235 : i32
    %add3A_237 = arith.addi %add3A_197, %mul3A_236 : i32
    %convert_element_type3A_238 = arith.fptosi %convert_element_type3A_47 : vector<64x128xf32> to vector<64x128xi32>
    %convert_element_type3A_239 = arith.fptosi %add3A_56 : vector<64x128xf32> to vector<64x128xi32>
    %add3A_240 = vector.broadcast %add3A_237 : i32 to vector<64x128xi32>
    %add3A_241 = arith.addi %add3A_240, %convert_element_type3A_239 : vector<64x128xi32>
    %sub3A_242 = arith.constant 1 : i32
    %sub3A_243 = vector.broadcast %sub3A_242 : i32 to vector<64x128xi32>
    %sub3A_244 = arith.subi %add3A_241, %sub3A_243 : vector<64x128xi32>
    %mul3A_245 = arith.muli %convert_element_type3A_238, %sub3A_244 : vector<64x128xi32>
    %add3A_246 = arith.addi %add3A_206, %mul3A_245 : vector<64x128xi32>
    %add3A_247 = arith.constant 128 : i32
    %add3A_248 = arith.addi %convert_element_type3A_62, %add3A_247 : i32
    %sub3A_249 = arith.constant 1 : i32
    %sub3A_250 = arith.subi %add3A_248, %sub3A_249 : i32
    %jit3A_251 = arith.constant 128 : i32
    %div3A_252 = arith.divsi %sub3A_250, %jit3A_251 : i32
    %sign3A_253 = arith.constant 0 : i32
    %sign3A_254 = arith.cmpi sgt, %sub3A_250, %sign3A_253 : i32
    %sign3A_255 = arith.extui %sign3A_254 : i1 to i32
    %sign3A_256 = arith.constant 0 : i32
    %sign3A_257 = arith.cmpi slt, %sub3A_250, %sign3A_256 : i32
    %sign3A_258 = arith.extui %sign3A_257 : i1 to i32
    %sign3A_259 = arith.subi %sign3A_255, %sign3A_258 : i32
    %sign3A_260 = arith.constant 0 : i32
    %sign3A_261 = arith.cmpi sgt, %jit3A_251, %sign3A_260 : i32
    %sign3A_262 = arith.extui %sign3A_261 : i1 to i32
    %sign3A_263 = arith.constant 0 : i32
    %sign3A_264 = arith.cmpi slt, %jit3A_251, %sign3A_263 : i32
    %sign3A_265 = arith.extui %sign3A_264 : i1 to i32
    %sign3A_266 = arith.subi %sign3A_262, %sign3A_265 : i32
    %ne3A_267 = arith.cmpi ne, %sign3A_259, %sign3A_266 : i32
    %rem3A_268 = arith.remsi %sub3A_250, %jit3A_251 : i32
    %ne3A_269 = arith.constant 0 : i32
    %ne3A_270 = arith.cmpi ne, %rem3A_268, %ne3A_269 : i32
    %and3A_271 = arith.andi %ne3A_267, %ne3A_270 : i1
    %sub3A_272 = arith.constant 1 : i32
    %sub3A_273 = arith.subi %div3A_252, %sub3A_272 : i32
    %select_n3A_274 = arith.select %and3A_271, %sub3A_273, %div3A_252 : i32
    %mul3A_275 = arith.constant 128 : i32
    %mul3A_276 = arith.muli %select_n3A_274, %mul3A_275 : i32
    %add3A_277 = arith.addi %add3A_237, %mul3A_276 : i32
    %convert_element_type3A_278 = arith.fptosi %convert_element_type3A_67 : vector<64x128xf32> to vector<64x128xi32>
    %convert_element_type3A_279 = arith.fptosi %add3A_76 : vector<64x128xf32> to vector<64x128xi32>
    %add3A_280 = vector.broadcast %add3A_277 : i32 to vector<64x128xi32>
    %add3A_281 = arith.addi %add3A_280, %convert_element_type3A_279 : vector<64x128xi32>
    %sub3A_282 = arith.constant 1 : i32
    %sub3A_283 = vector.broadcast %sub3A_282 : i32 to vector<64x128xi32>
    %sub3A_284 = arith.subi %add3A_281, %sub3A_283 : vector<64x128xi32>
    %mul3A_285 = arith.muli %convert_element_type3A_278, %sub3A_284 : vector<64x128xi32>
    %add3A_286 = arith.addi %add3A_246, %mul3A_285 : vector<64x128xi32>
    %add3A_287 = arith.constant 128 : i32
    %add3A_288 = arith.addi %convert_element_type3A_82, %add3A_287 : i32
    %sub3A_289 = arith.constant 1 : i32
    %sub3A_290 = arith.subi %add3A_288, %sub3A_289 : i32
    %jit3A_291 = arith.constant 128 : i32
    %div3A_292 = arith.divsi %sub3A_290, %jit3A_291 : i32
    %sign3A_293 = arith.constant 0 : i32
    %sign3A_294 = arith.cmpi sgt, %sub3A_290, %sign3A_293 : i32
    %sign3A_295 = arith.extui %sign3A_294 : i1 to i32
    %sign3A_296 = arith.constant 0 : i32
    %sign3A_297 = arith.cmpi slt, %sub3A_290, %sign3A_296 : i32
    %sign3A_298 = arith.extui %sign3A_297 : i1 to i32
    %sign3A_299 = arith.subi %sign3A_295, %sign3A_298 : i32
    %sign3A_300 = arith.constant 0 : i32
    %sign3A_301 = arith.cmpi sgt, %jit3A_291, %sign3A_300 : i32
    %sign3A_302 = arith.extui %sign3A_301 : i1 to i32
    %sign3A_303 = arith.constant 0 : i32
    %sign3A_304 = arith.cmpi slt, %jit3A_291, %sign3A_303 : i32
    %sign3A_305 = arith.extui %sign3A_304 : i1 to i32
    %sign3A_306 = arith.subi %sign3A_302, %sign3A_305 : i32
    %ne3A_307 = arith.cmpi ne, %sign3A_299, %sign3A_306 : i32
    %rem3A_308 = arith.remsi %sub3A_290, %jit3A_291 : i32
    %ne3A_309 = arith.constant 0 : i32
    %ne3A_310 = arith.cmpi ne, %rem3A_308, %ne3A_309 : i32
    %and3A_311 = arith.andi %ne3A_307, %ne3A_310 : i1
    %sub3A_312 = arith.constant 1 : i32
    %sub3A_313 = arith.subi %div3A_292, %sub3A_312 : i32
    %select_n3A_314 = arith.select %and3A_311, %sub3A_313, %div3A_292 : i32
    %mul3A_315 = arith.constant 128 : i32
    %mul3A_316 = arith.muli %select_n3A_314, %mul3A_315 : i32
    %add3A_317 = arith.addi %add3A_277, %mul3A_316 : i32
    %convert_element_type3A_318 = arith.fptosi %convert_element_type3A_87 : vector<64x128xf32> to vector<64x128xi32>
    %convert_element_type3A_319 = arith.fptosi %add3A_96 : vector<64x128xf32> to vector<64x128xi32>
    %add3A_320 = vector.broadcast %add3A_317 : i32 to vector<64x128xi32>
    %add3A_321 = arith.addi %add3A_320, %convert_element_type3A_319 : vector<64x128xi32>
    %sub3A_322 = arith.constant 1 : i32
    %sub3A_323 = vector.broadcast %sub3A_322 : i32 to vector<64x128xi32>
    %sub3A_324 = arith.subi %add3A_321, %sub3A_323 : vector<64x128xi32>
    %mul3A_325 = arith.muli %convert_element_type3A_318, %sub3A_324 : vector<64x128xi32>
    %add3A_326 = arith.addi %add3A_286, %mul3A_325 : vector<64x128xi32>
    %add3A_327 = arith.constant 128 : i32
    %add3A_328 = arith.addi %convert_element_type3A_102, %add3A_327 : i32
    %sub3A_329 = arith.constant 1 : i32
    %sub3A_330 = arith.subi %add3A_328, %sub3A_329 : i32
    %jit3A_331 = arith.constant 128 : i32
    %div3A_332 = arith.divsi %sub3A_330, %jit3A_331 : i32
    %sign3A_333 = arith.constant 0 : i32
    %sign3A_334 = arith.cmpi sgt, %sub3A_330, %sign3A_333 : i32
    %sign3A_335 = arith.extui %sign3A_334 : i1 to i32
    %sign3A_336 = arith.constant 0 : i32
    %sign3A_337 = arith.cmpi slt, %sub3A_330, %sign3A_336 : i32
    %sign3A_338 = arith.extui %sign3A_337 : i1 to i32
    %sign3A_339 = arith.subi %sign3A_335, %sign3A_338 : i32
    %sign3A_340 = arith.constant 0 : i32
    %sign3A_341 = arith.cmpi sgt, %jit3A_331, %sign3A_340 : i32
    %sign3A_342 = arith.extui %sign3A_341 : i1 to i32
    %sign3A_343 = arith.constant 0 : i32
    %sign3A_344 = arith.cmpi slt, %jit3A_331, %sign3A_343 : i32
    %sign3A_345 = arith.extui %sign3A_344 : i1 to i32
    %sign3A_346 = arith.subi %sign3A_342, %sign3A_345 : i32
    %ne3A_347 = arith.cmpi ne, %sign3A_339, %sign3A_346 : i32
    %rem3A_348 = arith.remsi %sub3A_330, %jit3A_331 : i32
    %ne3A_349 = arith.constant 0 : i32
    %ne3A_350 = arith.cmpi ne, %rem3A_348, %ne3A_349 : i32
    %and3A_351 = arith.andi %ne3A_347, %ne3A_350 : i1
    %sub3A_352 = arith.constant 1 : i32
    %sub3A_353 = arith.subi %div3A_332, %sub3A_352 : i32
    %select_n3A_354 = arith.select %and3A_351, %sub3A_353, %div3A_332 : i32
    %mul3A_355 = arith.constant 128 : i32
    %mul3A_356 = arith.muli %select_n3A_354, %mul3A_355 : i32
    %add3A_357 = arith.addi %add3A_317, %mul3A_356 : i32
    %convert_element_type3A_358 = arith.fptosi %convert_element_type3A_107 : vector<64x128xf32> to vector<64x128xi32>
    %convert_element_type3A_359 = arith.fptosi %add3A_116 : vector<64x128xf32> to vector<64x128xi32>
    %add3A_360 = vector.broadcast %add3A_357 : i32 to vector<64x128xi32>
    %add3A_361 = arith.addi %add3A_360, %convert_element_type3A_359 : vector<64x128xi32>
    %sub3A_362 = arith.constant 1 : i32
    %sub3A_363 = vector.broadcast %sub3A_362 : i32 to vector<64x128xi32>
    %sub3A_364 = arith.subi %add3A_361, %sub3A_363 : vector<64x128xi32>
    %mul3A_365 = arith.muli %convert_element_type3A_358, %sub3A_364 : vector<64x128xi32>
    %add3A_366 = arith.addi %add3A_326, %mul3A_365 : vector<64x128xi32>
    %add3A_367 = arith.constant 128 : i32
    %add3A_368 = arith.addi %convert_element_type3A_122, %add3A_367 : i32
    %sub3A_369 = arith.constant 1 : i32
    %sub3A_370 = arith.subi %add3A_368, %sub3A_369 : i32
    %jit3A_371 = arith.constant 128 : i32
    %div3A_372 = arith.divsi %sub3A_370, %jit3A_371 : i32
    %sign3A_373 = arith.constant 0 : i32
    %sign3A_374 = arith.cmpi sgt, %sub3A_370, %sign3A_373 : i32
    %sign3A_375 = arith.extui %sign3A_374 : i1 to i32
    %sign3A_376 = arith.constant 0 : i32
    %sign3A_377 = arith.cmpi slt, %sub3A_370, %sign3A_376 : i32
    %sign3A_378 = arith.extui %sign3A_377 : i1 to i32
    %sign3A_379 = arith.subi %sign3A_375, %sign3A_378 : i32
    %sign3A_380 = arith.constant 0 : i32
    %sign3A_381 = arith.cmpi sgt, %jit3A_371, %sign3A_380 : i32
    %sign3A_382 = arith.extui %sign3A_381 : i1 to i32
    %sign3A_383 = arith.constant 0 : i32
    %sign3A_384 = arith.cmpi slt, %jit3A_371, %sign3A_383 : i32
    %sign3A_385 = arith.extui %sign3A_384 : i1 to i32
    %sign3A_386 = arith.subi %sign3A_382, %sign3A_385 : i32
    %ne3A_387 = arith.cmpi ne, %sign3A_379, %sign3A_386 : i32
    %rem3A_388 = arith.remsi %sub3A_370, %jit3A_371 : i32
    %ne3A_389 = arith.constant 0 : i32
    %ne3A_390 = arith.cmpi ne, %rem3A_388, %ne3A_389 : i32
    %and3A_391 = arith.andi %ne3A_387, %ne3A_390 : i1
    %sub3A_392 = arith.constant 1 : i32
    %sub3A_393 = arith.subi %div3A_372, %sub3A_392 : i32
    %select_n3A_394 = arith.select %and3A_391, %sub3A_393, %div3A_372 : i32
    %mul3A_395 = arith.constant 128 : i32
    %mul3A_396 = arith.muli %select_n3A_394, %mul3A_395 : i32
    %add3A_397 = arith.addi %add3A_357, %mul3A_396 : i32
    %convert_element_type3A_398 = arith.fptosi %convert_element_type3A_127 : vector<64x128xf32> to vector<64x128xi32>
    %convert_element_type3A_399 = arith.fptosi %add3A_136 : vector<64x128xf32> to vector<64x128xi32>
    %add3A_400 = vector.broadcast %add3A_397 : i32 to vector<64x128xi32>
    %add3A_401 = arith.addi %add3A_400, %convert_element_type3A_399 : vector<64x128xi32>
    %sub3A_402 = arith.constant 1 : i32
    %sub3A_403 = vector.broadcast %sub3A_402 : i32 to vector<64x128xi32>
    %sub3A_404 = arith.subi %add3A_401, %sub3A_403 : vector<64x128xi32>
    %mul3A_405 = arith.muli %convert_element_type3A_398, %sub3A_404 : vector<64x128xi32>
    %add3A_406 = arith.addi %add3A_366, %mul3A_405 : vector<64x128xi32>
    %add3A_407 = arith.constant 128 : i32
    %add3A_408 = arith.addi %convert_element_type3A_142, %add3A_407 : i32
    %sub3A_409 = arith.constant 1 : i32
    %sub3A_410 = arith.subi %add3A_408, %sub3A_409 : i32
    %jit3A_411 = arith.constant 128 : i32
    %div3A_412 = arith.divsi %sub3A_410, %jit3A_411 : i32
    %sign3A_413 = arith.constant 0 : i32
    %sign3A_414 = arith.cmpi sgt, %sub3A_410, %sign3A_413 : i32
    %sign3A_415 = arith.extui %sign3A_414 : i1 to i32
    %sign3A_416 = arith.constant 0 : i32
    %sign3A_417 = arith.cmpi slt, %sub3A_410, %sign3A_416 : i32
    %sign3A_418 = arith.extui %sign3A_417 : i1 to i32
    %sign3A_419 = arith.subi %sign3A_415, %sign3A_418 : i32
    %sign3A_420 = arith.constant 0 : i32
    %sign3A_421 = arith.cmpi sgt, %jit3A_411, %sign3A_420 : i32
    %sign3A_422 = arith.extui %sign3A_421 : i1 to i32
    %sign3A_423 = arith.constant 0 : i32
    %sign3A_424 = arith.cmpi slt, %jit3A_411, %sign3A_423 : i32
    %sign3A_425 = arith.extui %sign3A_424 : i1 to i32
    %sign3A_426 = arith.subi %sign3A_422, %sign3A_425 : i32
    %ne3A_427 = arith.cmpi ne, %sign3A_419, %sign3A_426 : i32
    %rem3A_428 = arith.remsi %sub3A_410, %jit3A_411 : i32
    %ne3A_429 = arith.constant 0 : i32
    %ne3A_430 = arith.cmpi ne, %rem3A_428, %ne3A_429 : i32
    %and3A_431 = arith.andi %ne3A_427, %ne3A_430 : i1
    %sub3A_432 = arith.constant 1 : i32
    %sub3A_433 = arith.subi %div3A_412, %sub3A_432 : i32
    %select_n3A_434 = arith.select %and3A_431, %sub3A_433, %div3A_412 : i32
    %mul3A_435 = arith.constant 128 : i32
    %mul3A_436 = arith.muli %select_n3A_434, %mul3A_435 : i32
    %add3A_437 = arith.addi %add3A_397, %mul3A_436 : i32
    %convert_element_type3A_438 = arith.fptosi %convert_element_type3A_147 : vector<64x128xf32> to vector<64x128xi32>
    %convert_element_type3A_439 = arith.fptosi %add3A_156 : vector<64x128xf32> to vector<64x128xi32>
    %add3A_440 = vector.broadcast %add3A_437 : i32 to vector<64x128xi32>
    %add3A_441 = arith.addi %add3A_440, %convert_element_type3A_439 : vector<64x128xi32>
    %sub3A_442 = arith.constant 1 : i32
    %sub3A_443 = vector.broadcast %sub3A_442 : i32 to vector<64x128xi32>
    %sub3A_444 = arith.subi %add3A_441, %sub3A_443 : vector<64x128xi32>
    %mul3A_445 = arith.muli %convert_element_type3A_438, %sub3A_444 : vector<64x128xi32>
    %add3A_446 = arith.addi %add3A_406, %mul3A_445 : vector<64x128xi32>
    %add3A_447 = arith.constant 128 : i32
    %add3A_448 = arith.addi %convert_element_type3A_162, %add3A_447 : i32
    %sub3A_449 = arith.constant 1 : i32
    %sub3A_450 = arith.subi %add3A_448, %sub3A_449 : i32
    %jit3A_451 = arith.constant 128 : i32
    %div3A_452 = arith.divsi %sub3A_450, %jit3A_451 : i32
    %sign3A_453 = arith.constant 0 : i32
    %sign3A_454 = arith.cmpi sgt, %sub3A_450, %sign3A_453 : i32
    %sign3A_455 = arith.extui %sign3A_454 : i1 to i32
    %sign3A_456 = arith.constant 0 : i32
    %sign3A_457 = arith.cmpi slt, %sub3A_450, %sign3A_456 : i32
    %sign3A_458 = arith.extui %sign3A_457 : i1 to i32
    %sign3A_459 = arith.subi %sign3A_455, %sign3A_458 : i32
    %sign3A_460 = arith.constant 0 : i32
    %sign3A_461 = arith.cmpi sgt, %jit3A_451, %sign3A_460 : i32
    %sign3A_462 = arith.extui %sign3A_461 : i1 to i32
    %sign3A_463 = arith.constant 0 : i32
    %sign3A_464 = arith.cmpi slt, %jit3A_451, %sign3A_463 : i32
    %sign3A_465 = arith.extui %sign3A_464 : i1 to i32
    %sign3A_466 = arith.subi %sign3A_462, %sign3A_465 : i32
    %ne3A_467 = arith.cmpi ne, %sign3A_459, %sign3A_466 : i32
    %rem3A_468 = arith.remsi %sub3A_450, %jit3A_451 : i32
    %ne3A_469 = arith.constant 0 : i32
    %ne3A_470 = arith.cmpi ne, %rem3A_468, %ne3A_469 : i32
    %and3A_471 = arith.andi %ne3A_467, %ne3A_470 : i1
    %sub3A_472 = arith.constant 1 : i32
    %sub3A_473 = arith.subi %div3A_452, %sub3A_472 : i32
    %select_n3A_474 = arith.select %and3A_471, %sub3A_473, %div3A_452 : i32
    %mul3A_475 = arith.constant 128 : i32
    %mul3A_476 = arith.muli %select_n3A_474, %mul3A_475 : i32
    %add3A_477 = arith.addi %add3A_437, %mul3A_476 : i32
    %jit3A_478 = arith.constant 128 : i32
    %div3A_479 = arith.divsi %add3A_477, %jit3A_478 : i32
    %sign3A_480 = arith.constant 0 : i32
    %sign3A_481 = arith.cmpi sgt, %add3A_477, %sign3A_480 : i32
    %sign3A_482 = arith.extui %sign3A_481 : i1 to i32
    %sign3A_483 = arith.constant 0 : i32
    %sign3A_484 = arith.cmpi slt, %add3A_477, %sign3A_483 : i32
    %sign3A_485 = arith.extui %sign3A_484 : i1 to i32
    %sign3A_486 = arith.subi %sign3A_482, %sign3A_485 : i32
    %sign3A_487 = arith.constant 0 : i32
    %sign3A_488 = arith.cmpi sgt, %jit3A_478, %sign3A_487 : i32
    %sign3A_489 = arith.extui %sign3A_488 : i1 to i32
    %sign3A_490 = arith.constant 0 : i32
    %sign3A_491 = arith.cmpi slt, %jit3A_478, %sign3A_490 : i32
    %sign3A_492 = arith.extui %sign3A_491 : i1 to i32
    %sign3A_493 = arith.subi %sign3A_489, %sign3A_492 : i32
    %ne3A_494 = arith.cmpi ne, %sign3A_486, %sign3A_493 : i32
    %rem3A_495 = arith.remsi %add3A_477, %jit3A_478 : i32
    %ne3A_496 = arith.constant 0 : i32
    %ne3A_497 = arith.cmpi ne, %rem3A_495, %ne3A_496 : i32
    %and3A_498 = arith.andi %ne3A_494, %ne3A_497 : i1
    %sub3A_499 = arith.constant 1 : i32
    %sub3A_500 = arith.subi %div3A_479, %sub3A_499 : i32
    %select_n3A_501 = arith.select %and3A_498, %sub3A_500, %div3A_479 : i32
    %iota3A_502 = tpu.iota {dimensions = array<i32: 1>} : vector<8x128xi32>
    %mul3A_503 = arith.constant 128 : i32
    %mul3A_504 = vector.broadcast %mul3A_503 : i32 to vector<8x128xi32>
    %mul3A_505 = arith.muli %iota3A_502, %mul3A_504 : vector<8x128xi32>
    %broadcast_in_dim3A_506 = arith.constant 0 : i32
    %broadcast_in_dim3A_507 = vector.broadcast %broadcast_in_dim3A_506 : i32 to vector<8x128xi32>
    %ge3A = vector.broadcast %add3A_197 : i32 to vector<8x128xi32>
    %ge3A_508 = arith.cmpi sge, %mul3A_505, %ge3A : vector<8x128xi32>
    %convert_element_type3A_509 = arith.extui %ge3A_508 : vector<8x128xi1> to vector<8x128xi32>
    %add3A_510 = arith.addi %broadcast_in_dim3A_507, %convert_element_type3A_509 : vector<8x128xi32>
    %ge3A_511 = vector.broadcast %add3A_237 : i32 to vector<8x128xi32>
    %ge3A_512 = arith.cmpi sge, %mul3A_505, %ge3A_511 : vector<8x128xi32>
    %convert_element_type3A_513 = arith.extui %ge3A_512 : vector<8x128xi1> to vector<8x128xi32>
    %add3A_514 = arith.addi %add3A_510, %convert_element_type3A_513 : vector<8x128xi32>
    %ge3A_515 = vector.broadcast %add3A_277 : i32 to vector<8x128xi32>
    %ge3A_516 = arith.cmpi sge, %mul3A_505, %ge3A_515 : vector<8x128xi32>
    %convert_element_type3A_517 = arith.extui %ge3A_516 : vector<8x128xi1> to vector<8x128xi32>
    %add3A_518 = arith.addi %add3A_514, %convert_element_type3A_517 : vector<8x128xi32>
    %ge3A_519 = vector.broadcast %add3A_317 : i32 to vector<8x128xi32>
    %ge3A_520 = arith.cmpi sge, %mul3A_505, %ge3A_519 : vector<8x128xi32>
    %convert_element_type3A_521 = arith.extui %ge3A_520 : vector<8x128xi1> to vector<8x128xi32>
    %add3A_522 = arith.addi %add3A_518, %convert_element_type3A_521 : vector<8x128xi32>
    %ge3A_523 = vector.broadcast %add3A_357 : i32 to vector<8x128xi32>
    %ge3A_524 = arith.cmpi sge, %mul3A_505, %ge3A_523 : vector<8x128xi32>
    %convert_element_type3A_525 = arith.extui %ge3A_524 : vector<8x128xi1> to vector<8x128xi32>
    %add3A_526 = arith.addi %add3A_522, %convert_element_type3A_525 : vector<8x128xi32>
    %ge3A_527 = vector.broadcast %add3A_397 : i32 to vector<8x128xi32>
    %ge3A_528 = arith.cmpi sge, %mul3A_505, %ge3A_527 : vector<8x128xi32>
    %convert_element_type3A_529 = arith.extui %ge3A_528 : vector<8x128xi1> to vector<8x128xi32>
    %add3A_530 = arith.addi %add3A_526, %convert_element_type3A_529 : vector<8x128xi32>
    %ge3A_531 = vector.broadcast %add3A_437 : i32 to vector<8x128xi32>
    %ge3A_532 = arith.cmpi sge, %mul3A_505, %ge3A_531 : vector<8x128xi32>
    %convert_element_type3A_533 = arith.extui %ge3A_532 : vector<8x128xi1> to vector<8x128xi32>
    %add3A_534 = arith.addi %add3A_530, %convert_element_type3A_533 : vector<8x128xi32>
    %ge3A_535 = vector.broadcast %add3A_477 : i32 to vector<8x128xi32>
    %ge3A_536 = arith.cmpi sge, %mul3A_505, %ge3A_535 : vector<8x128xi32>
    %convert_element_type3A_537 = arith.extui %ge3A_536 : vector<8x128xi1> to vector<8x128xi32>
    %add3A_538 = arith.addi %add3A_534, %convert_element_type3A_537 : vector<8x128xi32>
    %min3A = arith.constant 7 : i32
    %min3A_539 = vector.broadcast %min3A : i32 to vector<8x128xi32>
    %min3A_540 = arith.minsi %add3A_538, %min3A_539 : vector<8x128xi32>
    %iota3A_541 = tpu.iota {dimensions = array<i32: 0>} : vector<8x128xi32>
    %swap3A = arith.constant 0 : index
    %swap3A_542 = arith.constant 0 : index
    %swap3A_543 = vector.load %arg1[%swap3A, %swap3A_542] : memref<64x128xi32, #tpu.memory_space<vmem>>, vector<64x128xi32>
    tpu.vector_store %arg1[%swap3A, %swap3A_542], %add3A_446 {strides = array<i32>} : memref<64x128xi32, #tpu.memory_space<vmem>>, vector<64x128xi32>,
    %eq3A_544 = arith.constant 1 : i32
    %eq3A_545 = vector.broadcast %eq3A_544 : i32 to vector<8x128xi32>
    %eq3A_546 = arith.cmpi eq, %iota3A_541, %eq3A_545 : vector<8x128xi32>
    %broadcast_in_dim3A_547 = vector.broadcast %select_n3A_501 : i32 to vector<8x128xi32>
    %select_n3A_548 = arith.select %eq3A_546, %broadcast_in_dim3A_547, %min3A_540 : vector<8x128xi1>, vector<8x128xi32>
    %swap3A_549 = arith.constant 0 : index
    %swap3A_550 = arith.constant 0 : index
    %swap3A_551 = vector.load %arg2[%swap3A_549, %swap3A_550] : memref<8x128xi32, #tpu.memory_space<vmem>>, vector<8x128xi32>
    tpu.vector_store %arg2[%swap3A_549, %swap3A_550], %select_n3A_548 {strides = array<i32>} : memref<8x128xi32, #tpu.memory_space<vmem>>, vector<8x128xi32>,
    return
  }
}

module attributes {stable_mosaic.version = 14 : i64} {
  func.func @_m1_body(%arg0: i32, %arg1: memref<73xi32, #tpu.memory_space<smem>>, %arg2: memref<128x1024xi32, #tpu.memory_space<vmem>>, %arg3: memref<1x2048x2816xf32, #tpu.memory_space<vmem>>, %arg4: memref<128x1408xbf16, #tpu.memory_space<vmem>>, %arg5: memref<2048x2816xbf16, #tpu.memory_space<vmem>>) attributes {dimension_semantics = [#tpu.dimension_semantics<arbitrary>], iteration_bounds = array<i64: 72>, scalar_prefetch = 1 : i64, scratch_operands = 1 : i64, tpu.core_type = #tpu.core_type<tc>, window_params = [{transform_indices = @transform_0, window_bounds = array<i64: 128, 1024>}, {pipeline_mode = #tpu.pipeline_mode<double_buffered>, transform_indices = @transform_1, window_bounds = array<i64: 1, 2048, 2816>}, {transform_indices = @transform_2, window_bounds = array<i64: 128, 1408>}]} {
    %sub3A = arith.constant 1 : i32
    %sub3A_0 = arith.subi %arg0, %sub3A : i32
    %max3A = arith.constant 0 : i32
    %max3A_1 = arith.maxsi %sub3A_0, %max3A : i32
    %get3A = arith.index_cast %max3A_1 : i32 to index
    %get3A_2 = memref.load %arg1[%get3A] : memref<73xi32, #tpu.memory_space<smem>>
    %eq3A = arith.constant 0 : i32
    %eq3A_3 = arith.cmpi eq, %arg0, %eq3A : i32
    %get3A_4 = arith.index_cast %arg0 : i32 to index
    %get3A_5 = memref.load %arg1[%get3A_4] : memref<73xi32, #tpu.memory_space<smem>>
    %ne3A = arith.cmpi ne, %get3A_5, %get3A_2 : i32
    %or3A = arith.ori %eq3A_3, %ne3A : i1
    %convert_element_type3A = arith.extui %or3A : i1 to i32
    %cond3A = arith.constant 0 : i32
    %cond3A_6 = arith.cmpi ne, %convert_element_type3A, %cond3A : i32
    scf.if %cond3A_6 {
      %get3A_12 = arith.constant 0 : index
      %get3A_13 = arith.constant 0 : index
      %get3A_14 = arith.constant 0 : index
      %get3A_15 = vector.load %arg3[%get3A_12, %get3A_13, %get3A_14] : memref<1x2048x2816xf32, #tpu.memory_space<vmem>>, vector<1x2048x2816xf32>
      %get3A_16 = vector.shape_cast %get3A_15 : vector<1x2048x2816xf32> to vector<2048x2816xf32>
      %convert_element_type3A_17 = arith.truncf %get3A_16 : vector<2048x2816xf32> to vector<2048x2816xbf16>
      %swap3A = arith.constant 0 : index
      %swap3A_18 = arith.constant 0 : index
      %swap3A_19 = vector.load %arg5[%swap3A, %swap3A_18] : memref<2048x2816xbf16, #tpu.memory_space<vmem>>, vector<2048x2816xbf16>
      tpu.vector_store %arg5[%swap3A, %swap3A_18], %convert_element_type3A_17 {strides = array<i32>} : memref<2048x2816xbf16, #tpu.memory_space<vmem>>, vector<2048x2816xbf16>,
    } else {
    }
    %get3A_7 = arith.constant 72 : index
    %get3A_8 = memref.load %arg1[%get3A_7] : memref<73xi32, #tpu.memory_space<smem>>
    %lt3A = arith.cmpi slt, %arg0, %get3A_8 : i32
    %convert_element_type3A_9 = arith.extui %lt3A : i1 to i32
    %cond3A_10 = arith.constant 0 : i32
    %cond3A_11 = arith.cmpi ne, %convert_element_type3A_9, %cond3A_10 : i32
    scf.if %cond3A_11 {
      %get3A_12 = arith.constant 0 : index
      %get3A_13 = arith.constant 0 : index
      %get3A_14 = vector.load %arg2[%get3A_12, %get3A_13] : memref<128x1024xi32, #tpu.memory_space<vmem>>, vector<128x1024xi32>
      %shift_left3A = arith.constant 16 : i32
      %shift_left3A_15 = vector.broadcast %shift_left3A : i32 to vector<128x1024xi32>
      %shift_left3A_16 = arith.shli %get3A_14, %shift_left3A_15 : vector<128x1024xi32>
      %bitcast_convert_type3A = tpu.bitcast %shift_left3A_16 : vector<128x1024xi32> -> vector<128x1024xf32>
      %and3A = arith.constant -65536 : i32
      %and3A_17 = vector.broadcast %and3A : i32 to vector<128x1024xi32>
      %and3A_18 = arith.andi %get3A_14, %and3A_17 : vector<128x1024xi32>
      %bitcast_convert_type3A_19 = tpu.bitcast %and3A_18 : vector<128x1024xi32> -> vector<128x1024xf32>
      %convert_element_type3A_20 = arith.truncf %bitcast_convert_type3A : vector<128x1024xf32> to vector<128x1024xbf16>
      %get3A_21 = arith.constant 0 : index
      %get3A_22 = arith.constant 0 : index
      %get3A_23 = vector.load %arg5[%get3A_21, %get3A_22] : memref<2048x2816xbf16, #tpu.memory_space<vmem>>, vector<1024x2816xbf16>
      %dot_general3A = arith.constant dense<0.000000e+00> : vector<128x2816xf32>
      %dot_general3A_24 = tpu.matmul %convert_element_type3A_20, %get3A_23, %dot_general3A {dimension_numbers = #tpu.dot_dimension_numbers<[1], [0], [0], [1], [0, 0, 1, 1], [], []>, transpose_lhs_hint = false} : vector<128x1024xbf16>, vector<1024x2816xbf16>, vector<128x2816xf32> -> vector<128x2816xf32>
      %convert_element_type3A_25 = arith.truncf %bitcast_convert_type3A_19 : vector<128x1024xf32> to vector<128x1024xbf16>
      %get3A_26 = arith.constant 1024 : index
      %get3A_27 = arith.constant 0 : index
      %get3A_28 = vector.load %arg5[%get3A_26, %get3A_27] : memref<2048x2816xbf16, #tpu.memory_space<vmem>>, vector<1024x2816xbf16>
      %dot_general3A_29 = arith.constant dense<0.000000e+00> : vector<128x2816xf32>
      %dot_general3A_30 = tpu.matmul %convert_element_type3A_25, %get3A_28, %dot_general3A_29 {dimension_numbers = #tpu.dot_dimension_numbers<[1], [0], [0], [1], [0, 0, 1, 1], [], []>, transpose_lhs_hint = false} : vector<128x1024xbf16>, vector<1024x2816xbf16>, vector<128x2816xf32> -> vector<128x2816xf32>
      %add3A = arith.addf %dot_general3A_24, %dot_general3A_30 : vector<128x2816xf32>
      %slice3A = vector.extract_strided_slice %add3A {offsets = [0, 0], sizes = [128, 1408], strides = [1, 1]} : vector<128x2816xf32> to vector<128x1408xf32>
      %slice3A_31 = vector.extract_strided_slice %add3A {offsets = [0, 1408], sizes = [128, 1408], strides = [1, 1]} : vector<128x2816xf32> to vector<128x1408xf32>
      %neg3A = arith.constant 0.000000e+00 : f32
      %neg3A_32 = vector.broadcast %neg3A : f32 to vector<128x1408xf32>
      %neg3A_33 = arith.subf %neg3A_32, %slice3A : vector<128x1408xf32>
      %exp3A = math.exp %neg3A_33 : vector<128x1408xf32>
      %add3A_34 = arith.constant 1.000000e+00 : f32
      %add3A_35 = vector.broadcast %add3A_34 : f32 to vector<128x1408xf32>
      %add3A_36 = arith.addf %add3A_35, %exp3A : vector<128x1408xf32>
      %div3A = arith.divf %slice3A, %add3A_36 : vector<128x1408xf32>
      %mul3A = arith.mulf %div3A, %slice3A_31 : vector<128x1408xf32>
      %convert_element_type3A_37 = arith.truncf %mul3A : vector<128x1408xf32> to vector<128x1408xbf16>
      %swap3A = arith.constant 0 : index
      %swap3A_38 = arith.constant 0 : index
      %swap3A_39 = vector.load %arg4[%swap3A, %swap3A_38] : memref<128x1408xbf16, #tpu.memory_space<vmem>>, vector<128x1408xbf16>
      tpu.vector_store %arg4[%swap3A, %swap3A_38], %convert_element_type3A_37 {strides = array<i32>} : memref<128x1408xbf16, #tpu.memory_space<vmem>>, vector<128x1408xbf16>,
    } else {
    }
    return
  }
  func.func @transform_0(%arg0: i32, %arg1: memref<73xi32, #tpu.memory_space<smem>>) -> (i32, i32) {
    %c0_i32 = arith.constant 0 : i32
    %c0_i32_0 = arith.constant 0 : i32
    return %arg0, %c0_i32 : i32, i32
  }
  func.func @transform_1(%arg0: i32, %arg1: memref<73xi32, #tpu.memory_space<smem>>) -> (i32, i32, i32) {
    %get3A = arith.index_cast %arg0 : i32 to index
    %get3A_0 = memref.load %arg1[%get3A] : memref<73xi32, #tpu.memory_space<smem>>
    %c0_i32 = arith.constant 0 : i32
    %c0_i32_1 = arith.constant 0 : i32
    %c0_i32_2 = arith.constant 0 : i32
    return %get3A_0, %c0_i32, %c0_i32_1 : i32, i32, i32
  }
  func.func @transform_2(%arg0: i32, %arg1: memref<73xi32, #tpu.memory_space<smem>>) -> (i32, i32) {
    %c0_i32 = arith.constant 0 : i32
    %c0_i32_0 = arith.constant 0 : i32
    return %arg0, %c0_i32 : i32, i32
  }
}

module attributes {stable_mosaic.version = 14 : i64} {
  func.func @_m2_body(%arg0: i32, %arg1: memref<73xi32, #tpu.memory_space<smem>>, %arg2: memref<128x1408xbf16, #tpu.memory_space<vmem>>, %arg3: memref<1x1408x2048xf32, #tpu.memory_space<vmem>>, %arg4: memref<128x1024xi32, #tpu.memory_space<vmem>>, %arg5: memref<1408x2048xbf16, #tpu.memory_space<vmem>>) attributes {dimension_semantics = [#tpu.dimension_semantics<arbitrary>], iteration_bounds = array<i64: 72>, scalar_prefetch = 1 : i64, scratch_operands = 1 : i64, tpu.core_type = #tpu.core_type<tc>, window_params = [{transform_indices = @transform_0, window_bounds = array<i64: 128, 1408>}, {pipeline_mode = #tpu.pipeline_mode<double_buffered>, transform_indices = @transform_1, window_bounds = array<i64: 1, 1408, 2048>}, {transform_indices = @transform_2, window_bounds = array<i64: 128, 1024>}]} {
    %sub3A = arith.constant 1 : i32
    %sub3A_0 = arith.subi %arg0, %sub3A : i32
    %max3A = arith.constant 0 : i32
    %max3A_1 = arith.maxsi %sub3A_0, %max3A : i32
    %get3A = arith.index_cast %max3A_1 : i32 to index
    %get3A_2 = memref.load %arg1[%get3A] : memref<73xi32, #tpu.memory_space<smem>>
    %eq3A = arith.constant 0 : i32
    %eq3A_3 = arith.cmpi eq, %arg0, %eq3A : i32
    %get3A_4 = arith.index_cast %arg0 : i32 to index
    %get3A_5 = memref.load %arg1[%get3A_4] : memref<73xi32, #tpu.memory_space<smem>>
    %ne3A = arith.cmpi ne, %get3A_5, %get3A_2 : i32
    %or3A = arith.ori %eq3A_3, %ne3A : i1
    %convert_element_type3A = arith.extui %or3A : i1 to i32
    %cond3A = arith.constant 0 : i32
    %cond3A_6 = arith.cmpi ne, %convert_element_type3A, %cond3A : i32
    scf.if %cond3A_6 {
      %get3A_12 = arith.constant 0 : index
      %get3A_13 = arith.constant 0 : index
      %get3A_14 = arith.constant 0 : index
      %get3A_15 = vector.load %arg3[%get3A_12, %get3A_13, %get3A_14] : memref<1x1408x2048xf32, #tpu.memory_space<vmem>>, vector<1x1408x2048xf32>
      %get3A_16 = vector.shape_cast %get3A_15 : vector<1x1408x2048xf32> to vector<1408x2048xf32>
      %convert_element_type3A_17 = arith.truncf %get3A_16 : vector<1408x2048xf32> to vector<1408x2048xbf16>
      %swap3A = arith.constant 0 : index
      %swap3A_18 = arith.constant 0 : index
      %swap3A_19 = vector.load %arg5[%swap3A, %swap3A_18] : memref<1408x2048xbf16, #tpu.memory_space<vmem>>, vector<1408x2048xbf16>
      tpu.vector_store %arg5[%swap3A, %swap3A_18], %convert_element_type3A_17 {strides = array<i32>} : memref<1408x2048xbf16, #tpu.memory_space<vmem>>, vector<1408x2048xbf16>,
    } else {
    }
    %get3A_7 = arith.constant 72 : index
    %get3A_8 = memref.load %arg1[%get3A_7] : memref<73xi32, #tpu.memory_space<smem>>
    %lt3A = arith.cmpi slt, %arg0, %get3A_8 : i32
    %convert_element_type3A_9 = arith.extui %lt3A : i1 to i32
    %cond3A_10 = arith.constant 0 : i32
    %cond3A_11 = arith.cmpi ne, %convert_element_type3A_9, %cond3A_10 : i32
    scf.if %cond3A_11 {
      %get3A_12 = arith.constant 0 : index
      %get3A_13 = arith.constant 0 : index
      %get3A_14 = vector.load %arg2[%get3A_12, %get3A_13] : memref<128x1408xbf16, #tpu.memory_space<vmem>>, vector<128x1408xbf16>
      %get3A_15 = arith.constant 0 : index
      %get3A_16 = arith.constant 0 : index
      %get3A_17 = vector.load %arg5[%get3A_15, %get3A_16] : memref<1408x2048xbf16, #tpu.memory_space<vmem>>, vector<1408x2048xbf16>
      %dot_general3A = arith.constant dense<0.000000e+00> : vector<128x2048xf32>
      %dot_general3A_18 = tpu.matmul %get3A_14, %get3A_17, %dot_general3A {dimension_numbers = #tpu.dot_dimension_numbers<[1], [0], [0], [1], [0, 0, 1, 1], [], []>, transpose_lhs_hint = false} : vector<128x1408xbf16>, vector<1408x2048xbf16>, vector<128x2048xf32> -> vector<128x2048xf32>
      %slice3A = vector.extract_strided_slice %dot_general3A_18 {offsets = [0, 0], sizes = [128, 1024], strides = [1, 1]} : vector<128x2048xf32> to vector<128x1024xf32>
      %slice3A_19 = vector.extract_strided_slice %dot_general3A_18 {offsets = [0, 1024], sizes = [128, 1024], strides = [1, 1]} : vector<128x2048xf32> to vector<128x1024xf32>
      %bitcast_convert_type3A = tpu.bitcast %slice3A : vector<128x1024xf32> -> vector<128x1024xi32>
      %bitcast_convert_type3A_20 = tpu.bitcast %slice3A_19 : vector<128x1024xf32> -> vector<128x1024xi32>
      %add3A = arith.constant 32768 : i32
      %add3A_21 = vector.broadcast %add3A : i32 to vector<128x1024xi32>
      %add3A_22 = arith.addi %bitcast_convert_type3A, %add3A_21 : vector<128x1024xi32>
      %shift_right_logical3A = arith.constant 16 : i32
      %shift_right_logical3A_23 = vector.broadcast %shift_right_logical3A : i32 to vector<128x1024xi32>
      %shift_right_logical3A_24 = arith.shrui %add3A_22, %shift_right_logical3A_23 : vector<128x1024xi32>
      %add3A_25 = arith.constant 32768 : i32
      %add3A_26 = vector.broadcast %add3A_25 : i32 to vector<128x1024xi32>
      %add3A_27 = arith.addi %bitcast_convert_type3A_20, %add3A_26 : vector<128x1024xi32>
      %and3A = arith.constant -65536 : i32
      %and3A_28 = vector.broadcast %and3A : i32 to vector<128x1024xi32>
      %and3A_29 = arith.andi %add3A_27, %and3A_28 : vector<128x1024xi32>
      %or3A_30 = arith.ori %shift_right_logical3A_24, %and3A_29 : vector<128x1024xi32>
      %swap3A = arith.constant 0 : index
      %swap3A_31 = arith.constant 0 : index
      %swap3A_32 = vector.load %arg4[%swap3A, %swap3A_31] : memref<128x1024xi32, #tpu.memory_space<vmem>>, vector<128x1024xi32>
      tpu.vector_store %arg4[%swap3A, %swap3A_31], %or3A_30 {strides = array<i32>} : memref<128x1024xi32, #tpu.memory_space<vmem>>, vector<128x1024xi32>,
    } else {
    }
    return
  }
  func.func @transform_0(%arg0: i32, %arg1: memref<73xi32, #tpu.memory_space<smem>>) -> (i32, i32) {
    %c0_i32 = arith.constant 0 : i32
    %c0_i32_0 = arith.constant 0 : i32
    return %arg0, %c0_i32 : i32, i32
  }
  func.func @transform_1(%arg0: i32, %arg1: memref<73xi32, #tpu.memory_space<smem>>) -> (i32, i32, i32) {
    %get3A = arith.index_cast %arg0 : i32 to index
    %get3A_0 = memref.load %arg1[%get3A] : memref<73xi32, #tpu.memory_space<smem>>
    %c0_i32 = arith.constant 0 : i32
    %c0_i32_1 = arith.constant 0 : i32
    %c0_i32_2 = arith.constant 0 : i32
    return %get3A_0, %c0_i32, %c0_i32_1 : i32, i32, i32
  }
  func.func @transform_2(%arg0: i32, %arg1: memref<73xi32, #tpu.memory_space<smem>>) -> (i32, i32) {
    %c0_i32 = arith.constant 0 : i32
    %c0_i32_0 = arith.constant 0 : i32
    return %arg0, %c0_i32 : i32, i32
  }
}

module attributes {stable_mosaic.version = 14 : i64} {
  func.func @_combine_body(%arg0: i32, %arg1: memref<512x2x1024xi32, #tpu.memory_space<vmem>>, %arg2: memref<512x2xf32, #tpu.memory_space<vmem>>, %arg3: memref<512x2048xf32, #tpu.memory_space<vmem>>) attributes {dimension_semantics = [#tpu.dimension_semantics<arbitrary>], iteration_bounds = array<i64: 8>, scalar_prefetch = 0 : i64, scratch_operands = 0 : i64, tpu.core_type = #tpu.core_type<tc>, window_params = [{transform_indices = @transform_0, window_bounds = array<i64: 512, 2, 1024>}, {transform_indices = @transform_1, window_bounds = array<i64: 512, 2>}, {transform_indices = @transform_2, window_bounds = array<i64: 512, 2048>}]} {
    %get3A = arith.constant 0 : index
    %get3A_0 = arith.constant 0 : index
    %get3A_1 = arith.constant 0 : index
    %get3A_2 = vector.load %arg1[%get3A, %get3A_0, %get3A_1] : memref<512x2x1024xi32, #tpu.memory_space<vmem>>, vector<512x2x1024xi32>
    %shift_left3A = arith.constant 16 : i32
    %shift_left3A_3 = vector.broadcast %shift_left3A : i32 to vector<512x2x1024xi32>
    %shift_left3A_4 = arith.shli %get3A_2, %shift_left3A_3 : vector<512x2x1024xi32>
    %bitcast_convert_type3A = tpu.bitcast %shift_left3A_4 : vector<512x2x1024xi32> -> vector<512x2x1024xf32>
    %and3A = arith.constant -65536 : i32
    %and3A_5 = vector.broadcast %and3A : i32 to vector<512x2x1024xi32>
    %and3A_6 = arith.andi %get3A_2, %and3A_5 : vector<512x2x1024xi32>
    %bitcast_convert_type3A_7 = tpu.bitcast %and3A_6 : vector<512x2x1024xi32> -> vector<512x2x1024xf32>
    %get3A_8 = arith.constant 0 : index
    %get3A_9 = arith.constant 0 : index
    %get3A_10 = vector.load %arg2[%get3A_8, %get3A_9] : memref<512x2xf32, #tpu.memory_space<vmem>>, vector<512x2xf32>
    %broadcast_in_dim3A = vector.shape_cast %get3A_10 : vector<512x2xf32> to vector<512x2x1xf32>
    %mul3A = vector.broadcast %broadcast_in_dim3A : vector<512x2x1xf32> to vector<512x2x1024xf32>
    %mul3A_11 = arith.mulf %bitcast_convert_type3A, %mul3A : vector<512x2x1024xf32>
    %mul3A_12 = vector.broadcast %broadcast_in_dim3A : vector<512x2x1xf32> to vector<512x2x1024xf32>
    %mul3A_13 = arith.mulf %bitcast_convert_type3A_7, %mul3A_12 : vector<512x2x1024xf32>
    %slice3A = vector.extract_strided_slice %mul3A_11 {offsets = [0, 0, 0], sizes = [512, 1, 1024], strides = [1, 1, 1]} : vector<512x2x1024xf32> to vector<512x1x1024xf32>
    %squeeze3A = vector.shape_cast %slice3A : vector<512x1x1024xf32> to vector<512x1024xf32>
    %slice3A_14 = vector.extract_strided_slice %mul3A_11 {offsets = [0, 1, 0], sizes = [512, 1, 1024], strides = [1, 1, 1]} : vector<512x2x1024xf32> to vector<512x1x1024xf32>
    %squeeze3A_15 = vector.shape_cast %slice3A_14 : vector<512x1x1024xf32> to vector<512x1024xf32>
    %add3A = arith.addf %squeeze3A, %squeeze3A_15 : vector<512x1024xf32>
    %slice3A_16 = vector.extract_strided_slice %mul3A_13 {offsets = [0, 0, 0], sizes = [512, 1, 1024], strides = [1, 1, 1]} : vector<512x2x1024xf32> to vector<512x1x1024xf32>
    %squeeze3A_17 = vector.shape_cast %slice3A_16 : vector<512x1x1024xf32> to vector<512x1024xf32>
    %slice3A_18 = vector.extract_strided_slice %mul3A_13 {offsets = [0, 1, 0], sizes = [512, 1, 1024], strides = [1, 1, 1]} : vector<512x2x1024xf32> to vector<512x1x1024xf32>
    %squeeze3A_19 = vector.shape_cast %slice3A_18 : vector<512x1x1024xf32> to vector<512x1024xf32>
    %add3A_20 = arith.addf %squeeze3A_17, %squeeze3A_19 : vector<512x1024xf32>
    %concatenate3A = tpu.concatenate %add3A, %add3A_20 in 1 : vector<512x1024xf32>, vector<512x1024xf32> -> vector<512x2048xf32>
    %swap3A = arith.constant 0 : index
    %swap3A_21 = arith.constant 0 : index
    %swap3A_22 = vector.load %arg3[%swap3A, %swap3A_21] : memref<512x2048xf32, #tpu.memory_space<vmem>>, vector<512x2048xf32>
    tpu.vector_store %arg3[%swap3A, %swap3A_21], %concatenate3A {strides = array<i32>} : memref<512x2048xf32, #tpu.memory_space<vmem>>, vector<512x2048xf32>,
    return
  }
  func.func @transform_0(%arg0: i32) -> (i32, i32, i32) {
    %c0_i32 = arith.constant 0 : i32
    %c0_i32_0 = arith.constant 0 : i32
    %c0_i32_1 = arith.constant 0 : i32
    return %arg0, %c0_i32, %c0_i32_0 : i32, i32, i32
  }
  func.func @transform_1(%arg0: i32) -> (i32, i32) {
    %c0_i32 = arith.constant 0 : i32
    %c0_i32_0 = arith.constant 0 : i32
    return %arg0, %c0_i32 : i32, i32
  }
  func.func @transform_2(%arg0: i32) -> (i32, i32) {
    %c0_i32 = arith.constant 0 : i32
    %c0_i32_0 = arith.constant 0 : i32
    return %arg0, %c0_i32 : i32, i32
  }
}

</mosaic_0001>

<sc_bundles>
// kernel: kernel.12.cloned.1.call-start
scs
__scs_entry_jumppad:
0x0: {  	(pc) =	sbr.rel $0x88, $3  }
0x1: {  	(tag) =	ssettag $0x0;
	lr =	simm.s32 $0x1  }
0x2: {  	[smem:$0x3F9D] =	sst lr;
	_ =	strace $0xD0000000  }
0x3: {  	_ = 	snop  }
0x4: {  	_ = 	snop  }
0x5: {  	_ = 	snop  }
0x6: {  	_ = 	snop  }
0x7: {  	_ = 	snop  }
__scs_overlays_trampoline_lowered:
0x8: {  	[smem:$0x3FAC] =	sst s0  }
0x9: {  	[smem:$0x3FAD] =	sst s1  }
0xa: {  	[smem:$0x3FAE] =	sst s2  }
0xb: {  	[smem:$0x3FAF] =	sst s3  }
0xc: {  	[smem:$0x3FB0] =	sst s4  }
0xd: {  	[smem:$0x3FB1] =	sst s5  }
0xe: {  	[smem:$0x3FB2] =	sst s6  }
0xf: {  	[smem:$0x3FB3] =	sst s7  }
0x10: {  	[smem:$0x3FB4] =	sst s8  }
0x11: {  	[smem:$0x3FB5] =	sst s9;
	s0 =	simm.s32 @!p0 $0x0  }
0x12: {  	s1 =	sld [smem:$0x3F9B];
	s0 =	simm.s32 @p0 $0x1  }
0x13: {  	[smem:$0x3FB6] =	sst s0;
	s0 =	simm.s32 @!p1 $0x0  }
0x14: {  	s2 =	sld [smem:$0x3F9A];
	s0 =	simm.s32 @p1 $0x1  }
0x15: {  	[smem:$0x3FB7] =	sst s0;
	s0 =	simm.s32 @!p2 $0x0  }
0x16: {  	s3 =	sld [smem:$0x3FDB];
	s0 =	simm.s32 @p2 $0x1  }
0x17: {  	s4 =	simm.s32 $0x1BF5;
	[smem:$0x3FB9] =	sst s0  }
0x18: {  	s0 =	sld [smem:$0x3F9C];
	_ =	swait.ge [sflag:s4], $0x0  }
0x19: {  	s7 =	sld [smem:$0x3F9D]  }
0x1a: {  	s8 =	sadd.s32 $0xFFFFE003, lr  }
0x1b: {  	s9 =	sadd.s32 $0xFFFFFEF7, lr;
	s5 =	simm.s32 $0xFFFFFFFF;
	p2 =	slt.u32 s8, $0xFFFFF086  }
0x1c: {  	p1 =	slt.u32 s9, $0xF7A;
	s5 =	simm.s32 @!p2 $0x0  }
0x1d: {  	s5 =	simm.s32 @p1 $0x1;
	p0 =	seq.s32 s7, s2  }
0x1e: {  	s7 =	smul.u32 @!p0 $0xF7A, s2;
	p2 =	seq.s32 @!p0 s5, $0x0  }
0x1f: {  	s9 =	smul.u32 $0xF7A, s1;
	s8 =	simm.s32 @!p0 $0x1BF5;
	p2 =	por !p2, p0  }
0x20: {  	[sflag:s8] =	ssyncset.s32 @!p0 $0xFFFFF086;
	s6 =	sadd.s32 @!p0 s3, s7;
	s7 =	simm.s32 @!p0 $0x108  }
0x21: {  	s3 =	sadd.s32 s3, s9;
	s6 =	sadd.s32 @!p0 $0x88, s6;
	s7 =	simm.s32 @p2 $0x1082  }
0x22: {  	[simem:s7], [sflag:s8] =	dma.local @!p0 [hbm:s6], $0xF7A  }
0x23: {  	s9 =	sor.u32 $0xD0000000, s2;
	s6 =	simm.s32 $0x108;
	_ =	swait.ge @!p0 [sflag:s8], $0x0  }
0x24: {  	s3 =	sadd.s32 $0x88, s3;
	s6 =	simm.s32 @!p1 $0x1082;
	[sflag:s4] =	ssyncset.s32 $0xFFFFF086  }
0x25: {  	[simem:s6], [sflag:s4] =	dma.local [hbm:s3], $0xF7A  }
0x26: {  	[smem:$0x3F9D] =	sst s1;
	(tag) =	ssettag s2;
	_ =	strace s9  }
0x27: {  	s1 =	sld [smem:$0x3FAD]  }
0x28: {  	s2 =	sld [smem:$0x3FAE]  }
0x29: {  	s4 =	sld [smem:$0x3FB0]  }
0x2a: {  	p0 =	seq.s32 s5, $0x0;
	s5 =	sld [smem:$0x3FB1]  }
0x2b: {  	s6 =	sld [smem:$0x3FB2]  }
0x2c: {  	s7 =	sld [smem:$0x3FB3]  }
0x2d: {  	s3 =	simm.s32 $0x108;
	s8 =	sld [smem:$0x3FB4]  }
0x2e: {  	s3 =	simm.s32 @!p0 $0x1082;
	s9 =	sld [smem:$0x3FB5]  }
0x2f: {  	lr =	sadd.s32 s0, s3;
	s0 =	sld [smem:$0x3FAC]  }
0x30: {  	s3 =	sld [smem:$0x3FAF]  }
0x31: {  	[smem:$0x3FB8] =	sst s10  }
0x32: {  	s10 =	sld [smem:$0x3FB6];
	_ =	sdelay $0x3  }
0x33: {  	p0 =	seq.s32 s10, $0x1;
	s10 =	sld [smem:$0x3FB8];
	_ =	sdelay $0x3  }
0x34: {  	[smem:$0x3FB8] =	sst s10  }
0x35: {  	s10 =	sld [smem:$0x3FB7];
	_ =	sdelay $0x3  }
0x36: {  	p1 =	seq.s32 s10, $0x1;
	s10 =	sld [smem:$0x3FB8];
	_ =	sdelay $0x3  }
0x37: {  	[smem:$0x3FB8] =	sst s10  }
0x38: {  	s10 =	sld [smem:$0x3FB9]  }
0x39: {  	_ = 	snop;
	(pc) =	sbr.ind lr, $3  }
0x3a: {  	_ = 	snop  }
0x3b: {  	_ = 	snop  }
0x3c: {  	p2 =	seq.s32 s10, $0x1;
	s10 =	sld [smem:$0x3FB8]  }
0x3d: {  	_ =	shalt  }
0x3e: {  	_ =	shalt  }
0x3f: {  	_ =	shalt  }
0x40: {  	_ =	shalt  }
0x41: {  	_ =	shalt  }
0x42: {  	_ =	shalt  }
0x43: {  	_ =	shalt  }
0x44: {  	_ =	shalt  }
0x45: {  	_ =	shalt  }
0x46: {  	_ =	shalt  }
0x47: {  	_ =	shalt  }
0x48: {  	_ =	shalt  }
0x49: {  	_ =	shalt  }
0x4a: {  	_ =	shalt  }
0x4b: {  	_ =	shalt  }
0x4c: {  	_ =	shalt  }
0x4d: {  	_ =	shalt  }
0x4e: {  	_ =	shalt  }
0x4f: {  	_ =	shalt  }
0x50: {  	_ =	shalt  }
0x51: {  	_ =	shalt  }
0x52: {  	_ =	shalt  }
0x53: {  	_ =	shalt  }
0x54: {  	_ =	shalt  }
0x55: {  	_ =	shalt  }
0x56: {  	_ =	shalt  }
0x57: {  	_ =	shalt  }
0x58: {  	_ =	shalt  }
0x59: {  	_ =	shalt  }
0x5a: {  	_ =	shalt  }
0x5b: {  	_ =	shalt  }
0x5c: {  	_ =	shalt  }
0x5d: {  	_ =	shalt  }
0x5e: {  	_ =	shalt  }
0x5f: {  	_ =	shalt  }
0x60: {  	_ =	shalt  }
0x61: {  	_ =	shalt  }
0x62: {  	_ =	shalt  }
0x63: {  	_ =	shalt  }
0x64: {  	_ =	shalt  }
0x65: {  	_ =	shalt  }
0x66: {  	_ =	shalt  }
0x67: {  	_ =	shalt  }
0x68: {  	_ =	shalt  }
0x69: {  	_ =	shalt  }
0x6a: {  	_ =	shalt  }
0x6b: {  	_ =	shalt  }
0x6c: {  	_ =	shalt  }
0x6d: {  	_ =	shalt  }
0x6e: {  	_ =	shalt  }
0x6f: {  	_ =	shalt  }
0x70: {  	_ =	shalt  }
0x71: {  	_ =	shalt  }
0x72: {  	_ =	shalt  }
0x73: {  	_ =	shalt  }
0x74: {  	_ =	shalt  }
0x75: {  	_ =	shalt  }
0x76: {  	_ =	shalt  }
0x77: {  	_ =	shalt  }
0x78: {  	_ =	shalt  }
0x79: {  	_ =	shalt  }
0x7a: {  	_ =	shalt  }
0x7b: {  	_ =	shalt  }
0x7c: {  	_ =	shalt  }
0x7d: {  	_ =	shalt  }
0x7e: {  	_ =	shalt  }
0x7f: {  	_ =	shalt  }
0x80: {  	_ =	shalt  }
0x81: {  	_ =	shalt  }
0x82: {  	_ =	shalt  }
0x83: {  	_ =	shalt  }
0x84: {  	_ =	shalt  }
0x85: {  	_ =	shalt  }
0x86: {  	_ =	shalt  }
0x87: {  	_ =	shalt  }
.Lfunc_end0:
.L_simem_size_0:
called_computation.1_lowered:
.L_overlay_start_0:
0x88: {  	s2 =	sld [smem:$0x3FD9]  }
0x89: {  	s3 =	sld [smem:$0x3FFE];
	_ =	sdelay $0x1  }
0x8a: {  	s1 =	srdreg.scid  }
0x8b: {  	s0 =	sand.u32 $0x1, s1  }
0x8c: {  	s17 =	sshll.u32 s0, $0xA;
	s2 =	sadd.s32 s3, s2  }
0x8d: {  	s2 =	sadd.s32 s2, s17  }
0x8e: {  	[smem:$0x3FC4] =	sst s2  }
0x8f: {  	_ = 	snop  }
0x90: {  	s2 =	sld [smem:$0x3FD0];
	(tm) =	ssettm $0x1  }
0x91: {  	s18 =	sld [smem:$0x3FFB];
	_ =	sdelay $0x3  }
0x92: {  	_ =	strace s18  }
0x93: {  	s3 =	sld [smem:$0x3FFC];
	_ =	sdelay $0x3  }
0x94: {  	_ =	strace s3  }
0x95: {  	s3 =	sld [smem:$0x3FFD];
	_ =	sdelay $0x3  }
0x96: {  	_ =	strace s3  }
0x97: {  	_ =	strace $0x8FFFFFFF  }
0x98: {  	s19 =	sld [smem:$0x3FDB];
	_ =	sdelay $0x1  }
0x99: {  	s4 =	simm.s32 $_scs_section_size  }
0x9a: {  	s5 =	simm.s32 $_size__tile_overlayer_lowered;
	s6 =	simm.s32 $_tile_overlayer_lowered  }
0x9b: {  	s22 =	simm.s32 $0x1BFF;
	s21 =	sshll.u32 s6, $0x1;
	s3 =	sadd.s32 s4, s19  }
0x9c: {  	s7 =	simm.s32 $0x0;
	s20 =	sshll.u32 s5, $0x1;
	s5 =	sadd.s32 s21, s3  }
0x9d: {  	[timem:s7], [sflag:s22] =	dma.local [hbm:s5], s20  }
0x9e: {  	_ =	swait.ge [sflag:s22], s20  }
0x9f: {  	s4 =	ssub.s32 $0x0, s20;
	[sflag:s22] =	ssyncset.done $0x0  }
0xa0: {  	[sflag:s22] =	ssyncadd.s32 s4;
	_ =	sdelay $0x1  }
0xa1: {  	s23 =	simm.s32 $0x1B8B  }
0xa2: {  	_ =	swait.ge [sflag:s23], $0x1  }
0xa3: {  	[sflag:s23] =	ssyncset.done $0x0  }
0xa4: {  	s25 =	simm.s32 $0x1B8E;
	s24 =	sld [smem:$0x3FFE];
	[sflag:s23] =	ssyncadd.s32 $0xFFFFFFFF  }
0xa5: {  	s26 =	simm.s32 $execute0_lowered;
	[smem:$0x3FD2] =	sst s25  }
0xa6: {  	s5 =	sshll.u32 s26, $0x1;
	_ =	strace $0x80000049;
	[dreg:$0x1] =	wrdreg $0xFFFFFFFF  }
0xa7: {  	s28 =	simm.s32 $_size_execute0_lowered;
	s3 =	sadd.s32 s3, s5;
	[dreg:$0x0] =	wrdreg $0x0  }
0xa8: {  	s5 =	sshll.u32 s28, $0x1;
	[dreg:$0x2] =	wrdreg s3  }
0xa9: {  	[dreg:$0x3] =	wrdreg s5  }
0xaa: {  	[dreg:$0x4] =	wrdreg $0xC0  }
0xab: {  	_ =	task [dreg:s7], $0x5FFFF  }
0xac: {  	[dreg:$0x1] =	wrdreg $0xFFFFFFFF  }
0xad: {  	[dreg:$0x0] =	wrdreg $0x60  }
0xae: {  	[dreg:$0x2] =	wrdreg s24  }
0xaf: {  	[dreg:$0x3] =	wrdreg s2  }
0xb0: {  	[dreg:$0x4] =	wrdreg $0x9  }
0xb1: {  	_ =	task.clear_ibuf [dreg:s7], $0x5FFFF;
	_ =	strace $0x90000049  }
0xb2: {  	s29 =	simm.s32 $0x9;
	_ =	strace $0x8000004B  }
0xb3: {  	_ =	swait.ge [sflag:s29], $0x1  }
0xb4: {  	[sflag:s29] =	ssyncadd.s32 $0xFFFFFFFF  }
0xb5: {  	_ =	strace $0x9000004B  }
0xb6: {  	_ =	sfence  }
0xb7: {  	s30 =	sld [smem:$0x0];
	_ =	sdelay $0x2  }
0xb8: {  	s31 =	sshll.u32 s1, $0xD;
	s1 =	sshrl.u32 s1, $0x2  }
0xb9: {  	s3 =	sand.u32 $0x4000, s31;
	s1 =	sadd.s32 s1, s30  }
0xba: {  	s0 =	sor.u32 s3, s0;
	s1 =	sshll.u32 s1, $0x11  }
0xbb: {  	s0 =	sor.u32 s1, s0  }
0xbc: {  	s0 =	sadd.s32 $0x8F2B, s0  }
0xbd: {  	[sflag:s0] =	ssyncadd.remote.s32 $0x1  }
0xbe: {  	_ =	sfence.sel $0xFFFF  }
0xbf: {  	[dreg:$0x0] =	wrdreg $0xFFFFFFFF;
	(pc) =	sbr.abs _section_cstart, $3  }
0xc0: {  	[dreg:$0x1] =	wrdreg $0xFFFFFFFF  }
0xc1: {  	_ =	task.clear_ibuf [dreg:s7], $0x2FFFF;
	_ =	strace $0x9FFFFFFF  }
0xc2: {  	(tm) =	ssettm $0x7FFFFFFF  }
0xc3: {  	_ =	shalt  }
tec
execute0_lowered:
.L_overlay_start_1:
0x0: {  	(tag) =	ssettag $0x1  }
0x1: {  	s0 =	srdreg.scid;
	s1 =	rddreg [dreg:$0x0]  }
0x2: {  	s2 =	stileid.u32;
	s3 =	rddreg [dreg:$0x1];
	s10 =	simm.s32 $0x400  }
0x3: {  	s18 =	simm.s32 $0x1;
	s19 =	simm.s32 $0x3;
	s28 =	simm.s32 $0x2400  }
0x4: {  	s29 =	simm.s32 $0x2C00;
	s30 =	simm.s32 $0x3400;
	s31 =	simm.s32 $0x3C00  }
0x5: {  	s16 =	simm.s32 $0x4C00;
	s9 =	simm.s32 $0x5C00;
	s11 =	simm.s32 $0x6400  }
0x6: {  	s12 =	simm.s32 $0x6C00;
	s0 =	sand.u32 $0x1, s0;
	s2 =	sshll.u32 s2, $0x1  }
0x7: {  	s13 =	simm.s32 $0x7400;
	s14 =	simm.s32 $0x7C00;
	s4 =	sor.u32 s0, s2  }
0x8: {  	s2 =	simm.s32 $0x0;
	s5 =	sshll.u32 s4, $0x7;
	s4 =	sshll.u32 s4, $0xF  }
0x9: {  	[smem:$0x7FF] =	sst s2;
	s5 =	sadd.s32 s5, s1;
	s8 =	sadd.s32 s3, s4  }
0xa: {  	_ =	strace $0x8000004A;
	s5 =	sadd.s32 $0x12200, s5;
	[dreg:$0xb] =	wrdreg s8  }
0xb: {  	s6 =	sadd.s32 $0x13400, s1;
	s3 =	sadd.s32 $0x1000, s8;
	[dreg:$0x3] =	wrdreg s5  }
0xc: {  	s7 =	sadd.s32 $0x13500, s1;
	s20 =	sadd.s32 $0x2000, s8;
	[dreg:$0x4] =	wrdreg s3  }
0xd: {  	s0 =	ssub.s32 $0x2, s0;
	s22 =	sadd.s32 $0x3000, s8;
	[dreg:$0x5] =	wrdreg s20  }
0xe: {  	s21 =	sshrl.u32 s0, $0x1;
	s23 =	sadd.s32 $0x4000, s8;
	[dreg:$0x6] =	wrdreg s22  }
0xf: {  	s4 =	sadd.s32 $0x13200, s1;
	s24 =	sadd.s32 $0x5000, s8;
	[dreg:$0x7] =	wrdreg s23  }
0x10: {  	s0 =	ssub.s32 s0, s21;
	s25 =	sadd.s32 $0x6000, s8;
	[dreg:$0x8] =	wrdreg s24  }
0x11: {  	s21 =	simm.s32 $0x4;
	s26 =	sadd.s32 $0x7000, s8;
	[dreg:$0x9] =	wrdreg s25  }
0x12: {  	v2 =	vlaneseq.u32;
	s8 =	smax.u32 s0, $0x1;
	s5 =	sadd.s32 $0x13300, s1;
	[dreg:$0xa] =	wrdreg s26  }
0x13: {  	vm0 =	vmmov $0xffff;
	v1 =	vshrl.u32 v2, $0x3;
	s26 =	simm.s32 $0x8400;
	s20 =	simm.s32 $0x2;
	s23 =	simm.s32 $0xC00  }
0x14: {  	v0 =	vand.u32 $0x7, v2;
	v2 =	vor.u32 $0x8, v2;
	v1 =	vmul.u32 $0x8, v1;
	s24 =	simm.s32 $0x1400;
	s25 =	simm.s32 $0x1C00;
	s3 =	simm.s32 $0x5400  }
.LBB2_1:
0x15: {  	s22 =	rddreg [dreg:$0x3];
	s15 =	simm.s32 $0x5  }
0x16: {  	[tilespmem:s2], [sflag:$0x5] =	stream.linear.gather [hbm4b:s22+s2], $0x400, $0x38;
	[tilespmem:$0x10400] =	vst v63  }
0x17: {  	_ =	swait.ge [sflag:s15], $0x400  }
0x18: {  	[sflag:s15] =	ssyncset.done $0x0  }
0x19: {  	[sflag:s15] =	ssyncadd.s32 $0xFFFFFC00  }
0x1a: {  	v3 =	vld [tilespmem:$0x0];
	_ =	sdelay $0x4  }
0x1b: {  	v4 =	vshll.u32 v3, $0x3  }
0x1c: {  	v3 =	vand.u32 $0x7, v3;
	v4 =	vand.u32 $0xFFFFFFC0, v4  }
0x1d: {  	v3 =	vor.u32 v3, v4  }
0x1e: {  	v4 =	vperm.xlane v3, v0;
	_ =	sdelay $0x1  }
0x1f: {  	v4 =	vadd.s32 v1, v4;
	_ =	sdelay $0x4  }
0x20: {  	[tilespmem:s10], [sflag:$0x1] =	stream.indirect_vreg.gather [hbm4b:s4+s2], $0x80, v4, vm0, $0xb8;
	[tilespmem:$0x10400] =	vst v63  }
0x21: {  	v3 =	vperm.xlane v3, v2  }
0x22: {  	[tilespmem:s23], [sflag:$0x1] =	stream.indirect_vreg.gather [hbm4b:s5+s2], $0x80, v4, vm0, $0xb8;
	[tilespmem:$0x10400] =	vst v63  }
0x23: {  	v3 =	vadd.s32 v1, v3  }
0x24: {  	[tilespmem:s24], [sflag:$0x1] =	stream.indirect_vreg.gather [hbm4b:s6+s2], $0x80, v4, vm0, $0xb8;
	[tilespmem:$0x10400] =	vst v63  }
0x25: {  	_ = 	snop  }
0x26: {  	[tilespmem:s25], [sflag:$0x1] =	stream.indirect_vreg.gather [hbm4b:s7+s2], $0x80, v4, vm0, $0xb8;
	[tilespmem:$0x10400] =	vst v63  }
0x27: {  	_ = 	snop  }
0x28: {  	[tilespmem:s28], [sflag:$0x1] =	stream.indirect_vreg.gather [hbm4b:s4+s2], $0x80, v3, vm0, $0xb8;
	[tilespmem:$0x10400] =	vst v63  }
0x29: {  	_ = 	snop  }
0x2a: {  	[tilespmem:s29], [sflag:$0x1] =	stream.indirect_vreg.gather [hbm4b:s5+s2], $0x80, v3, vm0, $0xb8;
	[tilespmem:$0x10400] =	vst v63  }
0x2b: {  	_ = 	snop  }
0x2c: {  	[tilespmem:s30], [sflag:$0x1] =	stream.indirect_vreg.gather [hbm4b:s6+s2], $0x80, v3, vm0, $0xb8;
	[tilespmem:$0x10400] =	vst v63  }
0x2d: {  	_ = 	snop  }
0x2e: {  	[tilespmem:s31], [sflag:$0x1] =	stream.indirect_vreg.gather [hbm4b:s7+s2], $0x80, v3, vm0, $0xb8;
	[tilespmem:$0x10400] =	vst v63  }
0x2f: {  	v3 =	vld [tilespmem:$0x10];
	_ =	sdelay $0x4  }
0x30: {  	v49 =	vshll.u32 v3, $0x3  }
0x31: {  	v3 =	vand.u32 $0x7, v3;
	v4 =	vand.u32 $0xFFFFFFC0, v49  }
0x32: {  	v3 =	vor.u32 v3, v4  }
0x33: {  	v4 =	vperm.xlane v3, v0;
	_ =	sdelay $0x1  }
0x34: {  	v4 =	vadd.s32 v1, v4;
	_ =	sdelay $0x3  }
0x35: {  	s1 =	simm.s32 $0x4400  }
0x36: {  	[tilespmem:s1], [sflag:$0x1] =	stream.indirect_vreg.gather [hbm4b:s4+s2], $0x80, v4, vm0, $0xb8;
	[tilespmem:$0x10400] =	vst v63  }
0x37: {  	v3 =	vperm.xlane v3, v2  }
0x38: {  	[tilespmem:s16], [sflag:$0x1] =	stream.indirect_vreg.gather [hbm4b:s5+s2], $0x80, v4, vm0, $0xb8;
	[tilespmem:$0x10400] =	vst v63  }
0x39: {  	v3 =	vadd.s32 v1, v3  }
0x3a: {  	[tilespmem:s3], [sflag:$0x1] =	stream.indirect_vreg.gather [hbm4b:s6+s2], $0x80, v4, vm0, $0xb8;
	[tilespmem:$0x10400] =	vst v63  }
0x3b: {  	_ = 	snop  }
0x3c: {  	[tilespmem:s9], [sflag:$0x1] =	stream.indirect_vreg.gather [hbm4b:s7+s2], $0x80, v4, vm0, $0xb8;
	[tilespmem:$0x10400] =	vst v63  }
0x3d: {  	_ = 	snop  }
0x3e: {  	[tilespmem:s11], [sflag:$0x1] =	stream.indirect_vreg.gather [hbm4b:s4+s2], $0x80, v3, vm0, $0xb8;
	[tilespmem:$0x10400] =	vst v63  }
0x3f: {  	_ = 	snop  }
0x40: {  	[tilespmem:s12], [sflag:$0x1] =	stream.indirect_vreg.gather [hbm4b:s5+s2], $0x80, v3, vm0, $0xb8;
	[tilespmem:$0x10400] =	vst v63  }
0x41: {  	_ = 	snop  }
0x42: {  	[tilespmem:s13], [sflag:$0x1] =	stream.indirect_vreg.gather [hbm4b:s6+s2], $0x80, v3, vm0, $0xb8;
	[tilespmem:$0x10400] =	vst v63  }
0x43: {  	_ = 	snop  }
0x44: {  	[tilespmem:s14], [sflag:$0x1] =	stream.indirect_vreg.gather [hbm4b:s7+s2], $0x80, v3, vm0, $0xb8;
	[tilespmem:$0x10400] =	vst v63  }
0x45: {  	v3 =	vld [tilespmem:$0x80];
	_ =	sdelay $0x4  }
0x46: {  	v50 =	vshll.u32 v3, $0x3  }
0x47: {  	v3 =	vand.u32 $0x7, v3;
	v4 =	vand.u32 $0xFFFFFFC0, v50  }
0x48: {  	v3 =	vor.u32 v3, v4  }
0x49: {  	v4 =	vperm.xlane v3, v0;
	_ =	sdelay $0x1  }
0x4a: {  	v4 =	vadd.s32 v1, v4;
	_ =	sdelay $0x4  }
0x4b: {  	[tilespmem:s26], [sflag:$0x2] =	stream.indirect_vreg.gather [hbm4b:s4+s2], $0x80, v4, vm0, $0xb8;
	[tilespmem:$0x10400] =	vst v63  }
0x4c: {  	s15 =	simm.s32 $0x8C00;
	v3 =	vperm.xlane v3, v2  }
0x4d: {  	[tilespmem:s15], [sflag:$0x2] =	stream.indirect_vreg.gather [hbm4b:s5+s2], $0x80, v4, vm0, $0xb8;
	[tilespmem:$0x10400] =	vst v63  }
0x4e: {  	s17 =	simm.s32 $0x9400;
	v3 =	vadd.s32 v1, v3  }
0x4f: {  	[tilespmem:s17], [sflag:$0x2] =	stream.indirect_vreg.gather [hbm4b:s6+s2], $0x80, v4, vm0, $0xb8;
	[tilespmem:$0x10400] =	vst v63  }
0x50: {  	s22 =	simm.s32 $0x9C00  }
0x51: {  	[tilespmem:s22], [sflag:$0x2] =	stream.indirect_vreg.gather [hbm4b:s7+s2], $0x80, v4, vm0, $0xb8;
	[tilespmem:$0x10400] =	vst v63  }
0x52: {  	s17 =	simm.s32 $0xA400  }
0x53: {  	[tilespmem:s17], [sflag:$0x2] =	stream.indirect_vreg.gather [hbm4b:s4+s2], $0x80, v3, vm0, $0xb8;
	[tilespmem:$0x10400] =	vst v63  }
0x54: {  	s15 =	simm.s32 $0xAC00  }
0x55: {  	[tilespmem:s15], [sflag:$0x2] =	stream.indirect_vreg.gather [hbm4b:s5+s2], $0x80, v3, vm0, $0xb8;
	[tilespmem:$0x10400] =	vst v63  }
0x56: {  	s17 =	simm.s32 $0xB400  }
0x57: {  	[tilespmem:s17], [sflag:$0x2] =	stream.indirect_vreg.gather [hbm4b:s6+s2], $0x80, v3, vm0, $0xb8;
	[tilespmem:$0x10400] =	vst v63  }
0x58: {  	s15 =	simm.s32 $0xBC00  }
0x59: {  	[tilespmem:s15], [sflag:$0x2] =	stream.indirect_vreg.gather [hbm4b:s7+s2], $0x80, v3, vm0, $0xb8;
	[tilespmem:$0x10400] =	vst v63  }
0x5a: {  	v3 =	vld [tilespmem:$0x90];
	_ =	sdelay $0x4  }
0x5b: {  	v51 =	vshll.u32 v3, $0x3  }
0x5c: {  	v3 =	vand.u32 $0x7, v3;
	v4 =	vand.u32 $0xFFFFFFC0, v51  }
0x5d: {  	v3 =	vor.u32 v3, v4  }
0x5e: {  	v4 =	vperm.xlane v3, v0;
	_ =	sdelay $0x1  }
0x5f: {  	v4 =	vadd.s32 v1, v4;
	_ =	sdelay $0x3  }
0x60: {  	s17 =	simm.s32 $0xC400  }
0x61: {  	[tilespmem:s17], [sflag:$0x2] =	stream.indirect_vreg.gather [hbm4b:s4+s2], $0x80, v4, vm0, $0xb8;
	[tilespmem:$0x10400] =	vst v63  }
0x62: {  	s22 =	simm.s32 $0xCC00;
	v3 =	vperm.xlane v3, v2  }
0x63: {  	[tilespmem:s22], [sflag:$0x2] =	stream.indirect_vreg.gather [hbm4b:s5+s2], $0x80, v4, vm0, $0xb8;
	[tilespmem:$0x10400] =	vst v63  }
0x64: {  	v3 =	vadd.s32 v1, v3;
	s22 =	simm.s32 $0xD400  }
0x65: {  	[tilespmem:s22], [sflag:$0x2] =	stream.indirect_vreg.gather [hbm4b:s6+s2], $0x80, v4, vm0, $0xb8;
	[tilespmem:$0x10400] =	vst v63  }
0x66: {  	s22 =	simm.s32 $0xDC00  }
0x67: {  	[tilespmem:s22], [sflag:$0x2] =	stream.indirect_vreg.gather [hbm4b:s7+s2], $0x80, v4, vm0, $0xb8;
	[tilespmem:$0x10400] =	vst v63  }
0x68: {  	s22 =	simm.s32 $0xE400  }
0x69: {  	[tilespmem:s22], [sflag:$0x2] =	stream.indirect_vreg.gather [hbm4b:s4+s2], $0x80, v3, vm0, $0xb8;
	[tilespmem:$0x10400] =	vst v63  }
0x6a: {  	s22 =	simm.s32 $0xEC00  }
0x6b: {  	[tilespmem:s22], [sflag:$0x2] =	stream.indirect_vreg.gather [hbm4b:s5+s2], $0x80, v3, vm0, $0xb8;
	[tilespmem:$0x10400] =	vst v63  }
0x6c: {  	s22 =	simm.s32 $0xF400  }
0x6d: {  	[tilespmem:s22], [sflag:$0x2] =	stream.indirect_vreg.gather [hbm4b:s6+s2], $0x80, v3, vm0, $0xb8;
	[tilespmem:$0x10400] =	vst v63  }
0x6e: {  	s22 =	simm.s32 $0xFC00  }
0x6f: {  	[tilespmem:s22], [sflag:$0x2] =	stream.indirect_vreg.gather [hbm4b:s7+s2], $0x80, v3, vm0, $0xb8;
	[tilespmem:$0x10400] =	vst v63  }
0x70: {  	_ =	swait.ge [sflag:s18], $0x8000  }
0x71: {  	[sflag:s18] =	ssyncset.done $0x0  }
0x72: {  	s22 =	rddreg [dreg:$0xb];
	[sflag:s18] =	ssyncadd.s32 $0xFFFF8000  }
0x73: {  	[hbm4b:s22+s2] =	stream.linear.scatter [tilespmem:s10], [sflag:$0x3], $0x8000, $0x38;
	[tilespmem:$0x10400] =	vst v63  }
0x74: {  	_ =	swait.ge [sflag:s19], $0x8000  }
0x75: {  	[sflag:s19] =	ssyncset.done $0x0  }
0x76: {  	[sflag:s19] =	ssyncadd.s32 $0xFFFF8000  }
0x77: {  	v3 =	vld [tilespmem:$0x100];
	_ =	sdelay $0x4  }
0x78: {  	v52 =	vshll.u32 v3, $0x3  }
0x79: {  	v3 =	vand.u32 $0x7, v3;
	v4 =	vand.u32 $0xFFFFFFC0, v52  }
0x7a: {  	v3 =	vor.u32 v3, v4  }
0x7b: {  	v4 =	vperm.xlane v3, v0;
	_ =	sdelay $0x1  }
0x7c: {  	v4 =	vadd.s32 v1, v4;
	_ =	sdelay $0x4  }
0x7d: {  	[tilespmem:s10], [sflag:$0x1] =	stream.indirect_vreg.gather [hbm4b:s4+s2], $0x80, v4, vm0, $0xb8;
	[tilespmem:$0x10400] =	vst v63  }
0x7e: {  	v3 =	vperm.xlane v3, v2  }
0x7f: {  	[tilespmem:s23], [sflag:$0x1] =	stream.indirect_vreg.gather [hbm4b:s5+s2], $0x80, v4, vm0, $0xb8;
	[tilespmem:$0x10400] =	vst v63  }
0x80: {  	v3 =	vadd.s32 v1, v3  }
0x81: {  	[tilespmem:s24], [sflag:$0x1] =	stream.indirect_vreg.gather [hbm4b:s6+s2], $0x80, v4, vm0, $0xb8;
	[tilespmem:$0x10400] =	vst v63  }
0x82: {  	_ = 	snop  }
0x83: {  	[tilespmem:s25], [sflag:$0x1] =	stream.indirect_vreg.gather [hbm4b:s7+s2], $0x80, v4, vm0, $0xb8;
	[tilespmem:$0x10400] =	vst v63  }
0x84: {  	_ = 	snop  }
0x85: {  	[tilespmem:s28], [sflag:$0x1] =	stream.indirect_vreg.gather [hbm4b:s4+s2], $0x80, v3, vm0, $0xb8;
	[tilespmem:$0x10400] =	vst v63  }
0x86: {  	_ = 	snop  }
0x87: {  	[tilespmem:s29], [sflag:$0x1] =	stream.indirect_vreg.gather [hbm4b:s5+s2], $0x80, v3, vm0, $0xb8;
	[tilespmem:$0x10400] =	vst v63  }
0x88: {  	_ = 	snop  }
0x89: {  	[tilespmem:s30], [sflag:$0x1] =	stream.indirect_vreg.gather [hbm4b:s6+s2], $0x80, v3, vm0, $0xb8;
	[tilespmem:$0x10400] =	vst v63  }
0x8a: {  	_ = 	snop  }
0x8b: {  	[tilespmem:s31], [sflag:$0x1] =	stream.indirect_vreg.gather [hbm4b:s7+s2], $0x80, v3, vm0, $0xb8;
	[tilespmem:$0x10400] =	vst v63  }
0x8c: {  	v3 =	vld [tilespmem:$0x110];
	_ =	sdelay $0x4  }
0x8d: {  	v53 =	vshll.u32 v3, $0x3  }
0x8e: {  	v3 =	vand.u32 $0x7, v3;
	v4 =	vand.u32 $0xFFFFFFC0, v53  }
0x8f: {  	v3 =	vor.u32 v3, v4  }
0x90: {  	v4 =	vperm.xlane v3, v0;
	_ =	sdelay $0x1  }
0x91: {  	v4 =	vadd.s32 v1, v4;
	_ =	sdelay $0x4  }
0x92: {  	[tilespmem:s1], [sflag:$0x1] =	stream.indirect_vreg.gather [hbm4b:s4+s2], $0x80, v4, vm0, $0xb8;
	[tilespmem:$0x10400] =	vst v63  }
0x93: {  	v3 =	vperm.xlane v3, v2  }
0x94: {  	[tilespmem:s16], [sflag:$0x1] =	stream.indirect_vreg.gather [hbm4b:s5+s2], $0x80, v4, vm0, $0xb8;
	[tilespmem:$0x10400] =	vst v63  }
0x95: {  	v3 =	vadd.s32 v1, v3  }
0x96: {  	[tilespmem:s3], [sflag:$0x1] =	stream.indirect_vreg.gather [hbm4b:s6+s2], $0x80, v4, vm0, $0xb8;
	[tilespmem:$0x10400] =	vst v63  }
0x97: {  	_ = 	snop  }
0x98: {  	[tilespmem:s9], [sflag:$0x1] =	stream.indirect_vreg.gather [hbm4b:s7+s2], $0x80, v4, vm0, $0xb8;
	[tilespmem:$0x10400] =	vst v63  }
0x99: {  	_ = 	snop  }
0x9a: {  	[tilespmem:s11], [sflag:$0x1] =	stream.indirect_vreg.gather [hbm4b:s4+s2], $0x80, v3, vm0, $0xb8;
	[tilespmem:$0x10400] =	vst v63  }
0x9b: {  	_ = 	snop  }
0x9c: {  	[tilespmem:s12], [sflag:$0x1] =	stream.indirect_vreg.gather [hbm4b:s5+s2], $0x80, v3, vm0, $0xb8;
	[tilespmem:$0x10400] =	vst v63  }
0x9d: {  	_ = 	snop  }
0x9e: {  	[tilespmem:s13], [sflag:$0x1] =	stream.indirect_vreg.gather [hbm4b:s6+s2], $0x80, v3, vm0, $0xb8;
	[tilespmem:$0x10400] =	vst v63  }
0x9f: {  	_ = 	snop  }
0xa0: {  	[tilespmem:s14], [sflag:$0x1] =	stream.indirect_vreg.gather [hbm4b:s7+s2], $0x80, v3, vm0, $0xb8;
	[tilespmem:$0x10400] =	vst v63  }
0xa1: {  	_ =	swait.ge [sflag:s20], $0x8000  }
0xa2: {  	[sflag:s20] =	ssyncset.done $0x0  }
0xa3: {  	s22 =	rddreg [dreg:$0x4];
	[sflag:s20] =	ssyncadd.s32 $0xFFFF8000  }
0xa4: {  	[hbm4b:s22+s2] =	stream.linear.scatter [tilespmem:s26], [sflag:$0x4], $0x8000, $0x38;
	[tilespmem:$0x10400] =	vst v63  }
0xa5: {  	_ =	swait.ge [sflag:s21], $0x8000  }
0xa6: {  	[sflag:s21] =	ssyncset.done $0x0  }
0xa7: {  	[sflag:s21] =	ssyncadd.s32 $0xFFFF8000  }
0xa8: {  	v3 =	vld [tilespmem:$0x180];
	_ =	sdelay $0x4  }
0xa9: {  	v54 =	vshll.u32 v3, $0x3  }
0xaa: {  	v3 =	vand.u32 $0x7, v3;
	v4 =	vand.u32 $0xFFFFFFC0, v54  }
0xab: {  	v3 =	vor.u32 v3, v4  }
0xac: {  	v4 =	vperm.xlane v3, v0;
	_ =	sdelay $0x1  }
0xad: {  	v4 =	vadd.s32 v1, v4;
	_ =	sdelay $0x4  }
0xae: {  	[tilespmem:s26], [sflag:$0x2] =	stream.indirect_vreg.gather [hbm4b:s4+s2], $0x80, v4, vm0, $0xb8;
	[tilespmem:$0x10400] =	vst v63  }
0xaf: {  	s0 =	simm.s32 $0x8C00;
	v3 =	vperm.xlane v3, v2  }
0xb0: {  	[tilespmem:s0], [sflag:$0x2] =	stream.indirect_vreg.gather [hbm4b:s5+s2], $0x80, v4, vm0, $0xb8;
	[tilespmem:$0x10400] =	vst v63  }
0xb1: {  	v3 =	vadd.s32 v1, v3;
	s0 =	simm.s32 $0x9400  }
0xb2: {  	[tilespmem:s0], [sflag:$0x2] =	stream.indirect_vreg.gather [hbm4b:s6+s2], $0x80, v4, vm0, $0xb8;
	[tilespmem:$0x10400] =	vst v63  }
0xb3: {  	s22 =	simm.s32 $0x9C00  }
0xb4: {  	[tilespmem:s22], [sflag:$0x2] =	stream.indirect_vreg.gather [hbm4b:s7+s2], $0x80, v4, vm0, $0xb8;
	[tilespmem:$0x10400] =	vst v63  }
0xb5: {  	s22 =	simm.s32 $0xA400  }
0xb6: {  	[tilespmem:s22], [sflag:$0x2] =	stream.indirect_vreg.gather [hbm4b:s4+s2], $0x80, v3, vm0, $0xb8;
	[tilespmem:$0x10400] =	vst v63  }
0xb7: {  	s22 =	simm.s32 $0xAC00  }
0xb8: {  	[tilespmem:s22], [sflag:$0x2] =	stream.indirect_vreg.gather [hbm4b:s5+s2], $0x80, v3, vm0, $0xb8;
	[tilespmem:$0x10400] =	vst v63  }
0xb9: {  	s22 =	simm.s32 $0xB400  }
0xba: {  	[tilespmem:s22], [sflag:$0x2] =	stream.indirect_vreg.gather [hbm4b:s6+s2], $0x80, v3, vm0, $0xb8;
	[tilespmem:$0x10400] =	vst v63  }
0xbb: {  	s15 =	simm.s32 $0xBC00  }
0xbc: {  	[tilespmem:s15], [sflag:$0x2] =	stream.indirect_vreg.gather [hbm4b:s7+s2], $0x80, v3, vm0, $0xb8;
	[tilespmem:$0x10400] =	vst v63  }
0xbd: {  	v3 =	vld [tilespmem:$0x190];
	_ =	sdelay $0x4  }
0xbe: {  	v55 =	vshll.u32 v3, $0x3  }
0xbf: {  	v3 =	vand.u32 $0x7, v3;
	v4 =	vand.u32 $0xFFFFFFC0, v55  }
0xc0: {  	v3 =	vor.u32 v3, v4  }
0xc1: {  	v4 =	vperm.xlane v3, v0;
	_ =	sdelay $0x1  }
0xc2: {  	v4 =	vadd.s32 v1, v4;
	_ =	sdelay $0x3  }
0xc3: {  	s17 =	simm.s32 $0xC400  }
0xc4: {  	[tilespmem:s17], [sflag:$0x2] =	stream.indirect_vreg.gather [hbm4b:s4+s2], $0x80, v4, vm0, $0xb8;
	[tilespmem:$0x10400] =	vst v63  }
0xc5: {  	s22 =	simm.s32 $0xCC00;
	v3 =	vperm.xlane v3, v2  }
0xc6: {  	[tilespmem:s22], [sflag:$0x2] =	stream.indirect_vreg.gather [hbm4b:s5+s2], $0x80, v4, vm0, $0xb8;
	[tilespmem:$0x10400] =	vst v63  }
0xc7: {  	v3 =	vadd.s32 v1, v3;
	s17 =	simm.s32 $0xD400  }
0xc8: {  	[tilespmem:s17], [sflag:$0x2] =	stream.indirect_vreg.gather [hbm4b:s6+s2], $0x80, v4, vm0, $0xb8;
	[tilespmem:$0x10400] =	vst v63  }
0xc9: {  	s22 =	simm.s32 $0xDC00  }
0xca: {  	[tilespmem:s22], [sflag:$0x2] =	stream.indirect_vreg.gather [hbm4b:s7+s2], $0x80, v4, vm0, $0xb8;
	[tilespmem:$0x10400] =	vst v63  }
0xcb: {  	s17 =	simm.s32 $0xE400  }
0xcc: {  	[tilespmem:s17], [sflag:$0x2] =	stream.indirect_vreg.gather [hbm4b:s4+s2], $0x80, v3, vm0, $0xb8;
	[tilespmem:$0x10400] =	vst v63  }
0xcd: {  	s22 =	simm.s32 $0xEC00  }
0xce: {  	[tilespmem:s22], [sflag:$0x2] =	stream.indirect_vreg.gather [hbm4b:s5+s2], $0x80, v3, vm0, $0xb8;
	[tilespmem:$0x10400] =	vst v63  }
0xcf: {  	s17 =	simm.s32 $0xF400  }
0xd0: {  	[tilespmem:s17], [sflag:$0x2] =	stream.indirect_vreg.gather [hbm4b:s6+s2], $0x80, v3, vm0, $0xb8;
	[tilespmem:$0x10400] =	vst v63  }
0xd1: {  	s22 =	simm.s32 $0xFC00  }
0xd2: {  	[tilespmem:s22], [sflag:$0x2] =	stream.indirect_vreg.gather [hbm4b:s7+s2], $0x80, v3, vm0, $0xb8;
	[tilespmem:$0x10400] =	vst v63  }
0xd3: {  	_ =	swait.ge [sflag:s18], $0x8000  }
0xd4: {  	[sflag:s18] =	ssyncset.done $0x0  }
0xd5: {  	s17 =	rddreg [dreg:$0x5];
	[sflag:s18] =	ssyncadd.s32 $0xFFFF8000  }
0xd6: {  	[hbm4b:s17+s2] =	stream.linear.scatter [tilespmem:s10], [sflag:$0x3], $0x8000, $0x38;
	[tilespmem:$0x10400] =	vst v63  }
0xd7: {  	_ =	swait.ge [sflag:s19], $0x8000  }
0xd8: {  	[sflag:s19] =	ssyncset.done $0x0  }
0xd9: {  	[sflag:s19] =	ssyncadd.s32 $0xFFFF8000  }
0xda: {  	v3 =	vld [tilespmem:$0x200];
	_ =	sdelay $0x4  }
0xdb: {  	v56 =	vshll.u32 v3, $0x3  }
0xdc: {  	v3 =	vand.u32 $0x7, v3;
	v4 =	vand.u32 $0xFFFFFFC0, v56  }
0xdd: {  	v3 =	vor.u32 v3, v4  }
0xde: {  	v4 =	vperm.xlane v3, v0;
	_ =	sdelay $0x1  }
0xdf: {  	v4 =	vadd.s32 v1, v4;
	_ =	sdelay $0x4  }
0xe0: {  	[tilespmem:s10], [sflag:$0x1] =	stream.indirect_vreg.gather [hbm4b:s4+s2], $0x80, v4, vm0, $0xb8;
	[tilespmem:$0x10400] =	vst v63  }
0xe1: {  	v3 =	vperm.xlane v3, v2  }
0xe2: {  	[tilespmem:s23], [sflag:$0x1] =	stream.indirect_vreg.gather [hbm4b:s5+s2], $0x80, v4, vm0, $0xb8;
	[tilespmem:$0x10400] =	vst v63  }
0xe3: {  	v3 =	vadd.s32 v1, v3  }
0xe4: {  	[tilespmem:s24], [sflag:$0x1] =	stream.indirect_vreg.gather [hbm4b:s6+s2], $0x80, v4, vm0, $0xb8;
	[tilespmem:$0x10400] =	vst v63  }
0xe5: {  	_ = 	snop  }
0xe6: {  	[tilespmem:s25], [sflag:$0x1] =	stream.indirect_vreg.gather [hbm4b:s7+s2], $0x80, v4, vm0, $0xb8;
	[tilespmem:$0x10400] =	vst v63  }
0xe7: {  	_ = 	snop  }
0xe8: {  	[tilespmem:s28], [sflag:$0x1] =	stream.indirect_vreg.gather [hbm4b:s4+s2], $0x80, v3, vm0, $0xb8;
	[tilespmem:$0x10400] =	vst v63  }
0xe9: {  	_ = 	snop  }
0xea: {  	[tilespmem:s29], [sflag:$0x1] =	stream.indirect_vreg.gather [hbm4b:s5+s2], $0x80, v3, vm0, $0xb8;
	[tilespmem:$0x10400] =	vst v63  }
0xeb: {  	_ = 	snop  }
0xec: {  	[tilespmem:s30], [sflag:$0x1] =	stream.indirect_vreg.gather [hbm4b:s6+s2], $0x80, v3, vm0, $0xb8;
	[tilespmem:$0x10400] =	vst v63  }
0xed: {  	_ = 	snop  }
0xee: {  	[tilespmem:s31], [sflag:$0x1] =	stream.indirect_vreg.gather [hbm4b:s7+s2], $0x80, v3, vm0, $0xb8;
	[tilespmem:$0x10400] =	vst v63  }
0xef: {  	v3 =	vld [tilespmem:$0x210];
	_ =	sdelay $0x4  }
0xf0: {  	v57 =	vshll.u32 v3, $0x3  }
0xf1: {  	v3 =	vand.u32 $0x7, v3;
	v4 =	vand.u32 $0xFFFFFFC0, v57  }
0xf2: {  	v3 =	vor.u32 v3, v4  }
0xf3: {  	v4 =	vperm.xlane v3, v0;
	_ =	sdelay $0x1  }
0xf4: {  	v4 =	vadd.s32 v1, v4;
	_ =	sdelay $0x4  }
0xf5: {  	[tilespmem:s1], [sflag:$0x1] =	stream.indirect_vreg.gather [hbm4b:s4+s2], $0x80, v4, vm0, $0xb8;
	[tilespmem:$0x10400] =	vst v63  }
0xf6: {  	v3 =	vperm.xlane v3, v2  }
0xf7: {  	[tilespmem:s16], [sflag:$0x1] =	stream.indirect_vreg.gather [hbm4b:s5+s2], $0x80, v4, vm0, $0xb8;
	[tilespmem:$0x10400] =	vst v63  }
0xf8: {  	v3 =	vadd.s32 v1, v3  }
0xf9: {  	[tilespmem:s3], [sflag:$0x1] =	stream.indirect_vreg.gather [hbm4b:s6+s2], $0x80, v4, vm0, $0xb8;
	[tilespmem:$0x10400] =	vst v63  }
0xfa: {  	_ = 	snop  }
0xfb: {  	[tilespmem:s9], [sflag:$0x1] =	stream.indirect_vreg.gather [hbm4b:s7+s2], $0x80, v4, vm0, $0xb8;
	[tilespmem:$0x10400] =	vst v63  }
0xfc: {  	_ = 	snop  }
0xfd: {  	[tilespmem:s11], [sflag:$0x1] =	stream.indirect_vreg.gather [hbm4b:s4+s2], $0x80, v3, vm0, $0xb8;
	[tilespmem:$0x10400] =	vst v63  }
0xfe: {  	_ = 	snop  }
0xff: {  	[tilespmem:s12], [sflag:$0x1] =	stream.indirect_vreg.gather [hbm4b:s5+s2], $0x80, v3, vm0, $0xb8;
	[tilespmem:$0x10400] =	vst v63  }
0x100: {  	_ = 	snop  }
0x101: {  	[tilespmem:s13], [sflag:$0x1] =	stream.indirect_vreg.gather [hbm4b:s6+s2], $0x80, v3, vm0, $0xb8;
	[tilespmem:$0x10400] =	vst v63  }
0x102: {  	_ = 	snop  }
0x103: {  	[tilespmem:s14], [sflag:$0x1] =	stream.indirect_vreg.gather [hbm4b:s7+s2], $0x80, v3, vm0, $0xb8;
	[tilespmem:$0x10400] =	vst v63  }
0x104: {  	_ =	swait.ge [sflag:s20], $0x8000  }
0x105: {  	[sflag:s20] =	ssyncset.done $0x0  }
0x106: {  	s15 =	rddreg [dreg:$0x6];
	[sflag:s20] =	ssyncadd.s32 $0xFFFF8000  }
0x107: {  	[hbm4b:s15+s2] =	stream.linear.scatter [tilespmem:s26], [sflag:$0x4], $0x8000, $0x38;
	[tilespmem:$0x10400] =	vst v63  }
0x108: {  	_ =	swait.ge [sflag:s21], $0x8000  }
0x109: {  	[sflag:s21] =	ssyncset.done $0x0  }
0x10a: {  	[sflag:s21] =	ssyncadd.s32 $0xFFFF8000  }
0x10b: {  	v3 =	vld [tilespmem:$0x280];
	_ =	sdelay $0x4  }
0x10c: {  	v58 =	vshll.u32 v3, $0x3  }
0x10d: {  	v3 =	vand.u32 $0x7, v3;
	v4 =	vand.u32 $0xFFFFFFC0, v58  }
0x10e: {  	v3 =	vor.u32 v3, v4  }
0x10f: {  	v4 =	vperm.xlane v3, v0;
	_ =	sdelay $0x1  }
0x110: {  	v4 =	vadd.s32 v1, v4;
	_ =	sdelay $0x4  }
0x111: {  	[tilespmem:s26], [sflag:$0x2] =	stream.indirect_vreg.gather [hbm4b:s4+s2], $0x80, v4, vm0, $0xb8;
	[tilespmem:$0x10400] =	vst v63  }
0x112: {  	s17 =	simm.s32 $0x8C00;
	v3 =	vperm.xlane v3, v2  }
0x113: {  	[tilespmem:s17], [sflag:$0x2] =	stream.indirect_vreg.gather [hbm4b:s5+s2], $0x80, v4, vm0, $0xb8;
	[tilespmem:$0x10400] =	vst v63  }
0x114: {  	v3 =	vadd.s32 v1, v3  }
0x115: {  	[tilespmem:s0], [sflag:$0x2] =	stream.indirect_vreg.gather [hbm4b:s6+s2], $0x80, v4, vm0, $0xb8;
	[tilespmem:$0x10400] =	vst v63  }
0x116: {  	s22 =	simm.s32 $0x9C00  }
0x117: {  	[tilespmem:s22], [sflag:$0x2] =	stream.indirect_vreg.gather [hbm4b:s7+s2], $0x80, v4, vm0, $0xb8;
	[tilespmem:$0x10400] =	vst v63  }
0x118: {  	s17 =	simm.s32 $0xA400  }
0x119: {  	[tilespmem:s17], [sflag:$0x2] =	stream.indirect_vreg.gather [hbm4b:s4+s2], $0x80, v3, vm0, $0xb8;
	[tilespmem:$0x10400] =	vst v63  }
0x11a: {  	s22 =	simm.s32 $0xAC00  }
0x11b: {  	[tilespmem:s22], [sflag:$0x2] =	stream.indirect_vreg.gather [hbm4b:s5+s2], $0x80, v3, vm0, $0xb8;
	[tilespmem:$0x10400] =	vst v63  }
0x11c: {  	s22 =	simm.s32 $0xB400  }
0x11d: {  	[tilespmem:s22], [sflag:$0x2] =	stream.indirect_vreg.gather [hbm4b:s6+s2], $0x80, v3, vm0, $0xb8;
	[tilespmem:$0x10400] =	vst v63  }
0x11e: {  	s22 =	simm.s32 $0xBC00  }
0x11f: {  	[tilespmem:s22], [sflag:$0x2] =	stream.indirect_vreg.gather [hbm4b:s7+s2], $0x80, v3, vm0, $0xb8;
	[tilespmem:$0x10400] =	vst v63  }
0x120: {  	v3 =	vld [tilespmem:$0x290];
	_ =	sdelay $0x4  }
0x121: {  	v59 =	vshll.u32 v3, $0x3  }
0x122: {  	v3 =	vand.u32 $0x7, v3;
	v4 =	vand.u32 $0xFFFFFFC0, v59  }
0x123: {  	v3 =	vor.u32 v3, v4  }
0x124: {  	v4 =	vperm.xlane v3, v0;
	_ =	sdelay $0x1  }
0x125: {  	v4 =	vadd.s32 v1, v4;
	_ =	sdelay $0x3  }
0x126: {  	s22 =	simm.s32 $0xC400  }
0x127: {  	[tilespmem:s22], [sflag:$0x2] =	stream.indirect_vreg.gather [hbm4b:s4+s2], $0x80, v4, vm0, $0xb8;
	[tilespmem:$0x10400] =	vst v63  }
0x128: {  	v3 =	vperm.xlane v3, v2;
	s22 =	simm.s32 $0xCC00  }
0x129: {  	[tilespmem:s22], [sflag:$0x2] =	stream.indirect_vreg.gather [hbm4b:s5+s2], $0x80, v4, vm0, $0xb8;
	[tilespmem:$0x10400] =	vst v63  }
0x12a: {  	v3 =	vadd.s32 v1, v3;
	s22 =	simm.s32 $0xD400  }
0x12b: {  	[tilespmem:s22], [sflag:$0x2] =	stream.indirect_vreg.gather [hbm4b:s6+s2], $0x80, v4, vm0, $0xb8;
	[tilespmem:$0x10400] =	vst v63  }
0x12c: {  	s22 =	simm.s32 $0xDC00  }
0x12d: {  	[tilespmem:s22], [sflag:$0x2] =	stream.indirect_vreg.gather [hbm4b:s7+s2], $0x80, v4, vm0, $0xb8;
	[tilespmem:$0x10400] =	vst v63  }
0x12e: {  	s22 =	simm.s32 $0xE400  }
0x12f: {  	[tilespmem:s22], [sflag:$0x2] =	stream.indirect_vreg.gather [hbm4b:s4+s2], $0x80, v3, vm0, $0xb8;
	[tilespmem:$0x10400] =	vst v63  }
0x130: {  	s22 =	simm.s32 $0xEC00  }
0x131: {  	[tilespmem:s22], [sflag:$0x2] =	stream.indirect_vreg.gather [hbm4b:s5+s2], $0x80, v3, vm0, $0xb8;
	[tilespmem:$0x10400] =	vst v63  }
0x132: {  	s22 =	simm.s32 $0xF400  }
0x133: {  	[tilespmem:s22], [sflag:$0x2] =	stream.indirect_vreg.gather [hbm4b:s6+s2], $0x80, v3, vm0, $0xb8;
	[tilespmem:$0x10400] =	vst v63  }
0x134: {  	s22 =	simm.s32 $0xFC00  }
0x135: {  	[tilespmem:s22], [sflag:$0x2] =	stream.indirect_vreg.gather [hbm4b:s7+s2], $0x80, v3, vm0, $0xb8;
	[tilespmem:$0x10400] =	vst v63  }
0x136: {  	_ =	swait.ge [sflag:s18], $0x8000  }
0x137: {  	[sflag:s18] =	ssyncset.done $0x0  }
0x138: {  	s22 =	rddreg [dreg:$0x7];
	[sflag:s18] =	ssyncadd.s32 $0xFFFF8000  }
0x139: {  	[hbm4b:s22+s2] =	stream.linear.scatter [tilespmem:s10], [sflag:$0x3], $0x8000, $0x38;
	[tilespmem:$0x10400] =	vst v63  }
0x13a: {  	_ =	swait.ge [sflag:s19], $0x8000  }
0x13b: {  	[sflag:s19] =	ssyncset.done $0x0  }
0x13c: {  	[sflag:s19] =	ssyncadd.s32 $0xFFFF8000  }
0x13d: {  	v3 =	vld [tilespmem:$0x300];
	_ =	sdelay $0x4  }
0x13e: {  	v60 =	vshll.u32 v3, $0x3  }
0x13f: {  	v3 =	vand.u32 $0x7, v3;
	v4 =	vand.u32 $0xFFFFFFC0, v60  }
0x140: {  	v3 =	vor.u32 v3, v4  }
0x141: {  	v4 =	vperm.xlane v3, v0;
	_ =	sdelay $0x1  }
0x142: {  	v4 =	vadd.s32 v1, v4;
	_ =	sdelay $0x4  }
0x143: {  	[tilespmem:s10], [sflag:$0x1] =	stream.indirect_vreg.gather [hbm4b:s4+s2], $0x80, v4, vm0, $0xb8;
	[tilespmem:$0x10400] =	vst v63  }
0x144: {  	v3 =	vperm.xlane v3, v2  }
0x145: {  	[tilespmem:s23], [sflag:$0x1] =	stream.indirect_vreg.gather [hbm4b:s5+s2], $0x80, v4, vm0, $0xb8;
	[tilespmem:$0x10400] =	vst v63  }
0x146: {  	v3 =	vadd.s32 v1, v3  }
0x147: {  	[tilespmem:s24], [sflag:$0x1] =	stream.indirect_vreg.gather [hbm4b:s6+s2], $0x80, v4, vm0, $0xb8;
	[tilespmem:$0x10400] =	vst v63  }
0x148: {  	_ = 	snop  }
0x149: {  	[tilespmem:s25], [sflag:$0x1] =	stream.indirect_vreg.gather [hbm4b:s7+s2], $0x80, v4, vm0, $0xb8;
	[tilespmem:$0x10400] =	vst v63  }
0x14a: {  	_ = 	snop  }
0x14b: {  	[tilespmem:s28], [sflag:$0x1] =	stream.indirect_vreg.gather [hbm4b:s4+s2], $0x80, v3, vm0, $0xb8;
	[tilespmem:$0x10400] =	vst v63  }
0x14c: {  	_ = 	snop  }
0x14d: {  	[tilespmem:s29], [sflag:$0x1] =	stream.indirect_vreg.gather [hbm4b:s5+s2], $0x80, v3, vm0, $0xb8;
	[tilespmem:$0x10400] =	vst v63  }
0x14e: {  	_ = 	snop  }
0x14f: {  	[tilespmem:s30], [sflag:$0x1] =	stream.indirect_vreg.gather [hbm4b:s6+s2], $0x80, v3, vm0, $0xb8;
	[tilespmem:$0x10400] =	vst v63  }
0x150: {  	_ = 	snop  }
0x151: {  	[tilespmem:s31], [sflag:$0x1] =	stream.indirect_vreg.gather [hbm4b:s7+s2], $0x80, v3, vm0, $0xb8;
	[tilespmem:$0x10400] =	vst v63  }
0x152: {  	v3 =	vld [tilespmem:$0x310];
	_ =	sdelay $0x4  }
0x153: {  	v61 =	vshll.u32 v3, $0x3  }
0x154: {  	v3 =	vand.u32 $0x7, v3;
	v4 =	vand.u32 $0xFFFFFFC0, v61  }
0x155: {  	v3 =	vor.u32 v3, v4  }
0x156: {  	v4 =	vperm.xlane v3, v0;
	_ =	sdelay $0x1  }
0x157: {  	v4 =	vadd.s32 v1, v4;
	_ =	sdelay $0x4  }
0x158: {  	[tilespmem:s1], [sflag:$0x1] =	stream.indirect_vreg.gather [hbm4b:s4+s2], $0x80, v4, vm0, $0xb8;
	[tilespmem:$0x10400] =	vst v63  }
0x159: {  	v3 =	vperm.xlane v3, v2  }
0x15a: {  	[tilespmem:s16], [sflag:$0x1] =	stream.indirect_vreg.gather [hbm4b:s5+s2], $0x80, v4, vm0, $0xb8;
	[tilespmem:$0x10400] =	vst v63  }
0x15b: {  	v3 =	vadd.s32 v1, v3  }
0x15c: {  	[tilespmem:s3], [sflag:$0x1] =	stream.indirect_vreg.gather [hbm4b:s6+s2], $0x80, v4, vm0, $0xb8;
	[tilespmem:$0x10400] =	vst v63  }
0x15d: {  	_ = 	snop  }
0x15e: {  	[tilespmem:s9], [sflag:$0x1] =	stream.indirect_vreg.gather [hbm4b:s7+s2], $0x80, v4, vm0, $0xb8;
	[tilespmem:$0x10400] =	vst v63  }
0x15f: {  	_ = 	snop  }
0x160: {  	[tilespmem:s11], [sflag:$0x1] =	stream.indirect_vreg.gather [hbm4b:s4+s2], $0x80, v3, vm0, $0xb8;
	[tilespmem:$0x10400] =	vst v63  }
0x161: {  	_ = 	snop  }
0x162: {  	[tilespmem:s12], [sflag:$0x1] =	stream.indirect_vreg.gather [hbm4b:s5+s2], $0x80, v3, vm0, $0xb8;
	[tilespmem:$0x10400] =	vst v63  }
0x163: {  	_ = 	snop  }
0x164: {  	[tilespmem:s13], [sflag:$0x1] =	stream.indirect_vreg.gather [hbm4b:s6+s2], $0x80, v3, vm0, $0xb8;
	[tilespmem:$0x10400] =	vst v63  }
0x165: {  	_ = 	snop  }
0x166: {  	[tilespmem:s14], [sflag:$0x1] =	stream.indirect_vreg.gather [hbm4b:s7+s2], $0x80, v3, vm0, $0xb8;
	[tilespmem:$0x10400] =	vst v63  }
0x167: {  	_ =	swait.ge [sflag:s20], $0x8000  }
0x168: {  	[sflag:s20] =	ssyncset.done $0x0  }
0x169: {  	s1 =	rddreg [dreg:$0x8];
	[sflag:s20] =	ssyncadd.s32 $0xFFFF8000  }
0x16a: {  	[hbm4b:s1+s2] =	stream.linear.scatter [tilespmem:s26], [sflag:$0x4], $0x8000, $0x38;
	[tilespmem:$0x10400] =	vst v63  }
0x16b: {  	_ =	swait.ge [sflag:s21], $0x8000  }
0x16c: {  	[sflag:s21] =	ssyncset.done $0x0  }
0x16d: {  	[sflag:s21] =	ssyncadd.s32 $0xFFFF8000  }
0x16e: {  	v3 =	vld [tilespmem:$0x380];
	_ =	sdelay $0x4  }
0x16f: {  	v62 =	vshll.u32 v3, $0x3  }
0x170: {  	v3 =	vand.u32 $0x7, v3;
	v4 =	vand.u32 $0xFFFFFFC0, v62  }
0x171: {  	v3 =	vor.u32 v3, v4  }
0x172: {  	v4 =	vperm.xlane v3, v0;
	_ =	sdelay $0x1  }
0x173: {  	v4 =	vadd.s32 v1, v4;
	_ =	sdelay $0x4  }
0x174: {  	[tilespmem:s26], [sflag:$0x2] =	stream.indirect_vreg.gather [hbm4b:s4+s2], $0x80, v4, vm0, $0xb8;
	[tilespmem:$0x10400] =	vst v63  }
0x175: {  	s22 =	simm.s32 $0x8C00;
	v3 =	vperm.xlane v3, v2  }
0x176: {  	[tilespmem:s22], [sflag:$0x2] =	stream.indirect_vreg.gather [hbm4b:s5+s2], $0x80, v4, vm0, $0xb8;
	[tilespmem:$0x10400] =	vst v63  }
0x177: {  	s0 =	simm.s32 $0x9400;
	v3 =	vadd.s32 v1, v3  }
0x178: {  	[tilespmem:s0], [sflag:$0x2] =	stream.indirect_vreg.gather [hbm4b:s6+s2], $0x80, v4, vm0, $0xb8;
	[tilespmem:$0x10400] =	vst v63  }
0x179: {  	s1 =	simm.s32 $0x9C00  }
0x17a: {  	[tilespmem:s1], [sflag:$0x2] =	stream.indirect_vreg.gather [hbm4b:s7+s2], $0x80, v4, vm0, $0xb8;
	[tilespmem:$0x10400] =	vst v63  }
0x17b: {  	s15 =	simm.s32 $0xA400  }
0x17c: {  	[tilespmem:s15], [sflag:$0x2] =	stream.indirect_vreg.gather [hbm4b:s4+s2], $0x80, v3, vm0, $0xb8;
	[tilespmem:$0x10400] =	vst v63  }
0x17d: {  	s17 =	simm.s32 $0xAC00  }
0x17e: {  	[tilespmem:s17], [sflag:$0x2] =	stream.indirect_vreg.gather [hbm4b:s5+s2], $0x80, v3, vm0, $0xb8;
	[tilespmem:$0x10400] =	vst v63  }
0x17f: {  	s22 =	simm.s32 $0xB400  }
0x180: {  	[tilespmem:s22], [sflag:$0x2] =	stream.indirect_vreg.gather [hbm4b:s6+s2], $0x80, v3, vm0, $0xb8;
	[tilespmem:$0x10400] =	vst v63  }
0x181: {  	s1 =	simm.s32 $0xBC00  }
0x182: {  	[tilespmem:s1], [sflag:$0x2] =	stream.indirect_vreg.gather [hbm4b:s7+s2], $0x80, v3, vm0, $0xb8;
	[tilespmem:$0x10400] =	vst v63  }
0x183: {  	v3 =	vld [tilespmem:$0x390];
	_ =	sdelay $0x4  }
0x184: {  	v63 =	vshll.u32 v3, $0x3  }
0x185: {  	v3 =	vand.u32 $0x7, v3;
	v4 =	vand.u32 $0xFFFFFFC0, v63  }
0x186: {  	v3 =	vor.u32 v3, v4  }
0x187: {  	v4 =	vperm.xlane v3, v0;
	_ =	sdelay $0x1  }
0x188: {  	v4 =	vadd.s32 v1, v4;
	_ =	sdelay $0x3  }
0x189: {  	s15 =	simm.s32 $0xC400  }
0x18a: {  	[tilespmem:s15], [sflag:$0x2] =	stream.indirect_vreg.gather [hbm4b:s4+s2], $0x80, v4, vm0, $0xb8;
	[tilespmem:$0x10400] =	vst v63  }
0x18b: {  	s17 =	simm.s32 $0xCC00;
	v3 =	vperm.xlane v3, v2  }
0x18c: {  	[tilespmem:s17], [sflag:$0x2] =	stream.indirect_vreg.gather [hbm4b:s5+s2], $0x80, v4, vm0, $0xb8;
	[tilespmem:$0x10400] =	vst v63  }
0x18d: {  	s22 =	simm.s32 $0xD400;
	v3 =	vadd.s32 v1, v3  }
0x18e: {  	[tilespmem:s22], [sflag:$0x2] =	stream.indirect_vreg.gather [hbm4b:s6+s2], $0x80, v4, vm0, $0xb8;
	[tilespmem:$0x10400] =	vst v63  }
0x18f: {  	s1 =	simm.s32 $0xDC00  }
0x190: {  	[tilespmem:s1], [sflag:$0x2] =	stream.indirect_vreg.gather [hbm4b:s7+s2], $0x80, v4, vm0, $0xb8;
	[tilespmem:$0x10400] =	vst v63  }
0x191: {  	s15 =	simm.s32 $0xE400  }
0x192: {  	[tilespmem:s15], [sflag:$0x2] =	stream.indirect_vreg.gather [hbm4b:s4+s2], $0x80, v3, vm0, $0xb8;
	[tilespmem:$0x10400] =	vst v63  }
0x193: {  	s17 =	simm.s32 $0xEC00  }
0x194: {  	[tilespmem:s17], [sflag:$0x2] =	stream.indirect_vreg.gather [hbm4b:s5+s2], $0x80, v3, vm0, $0xb8;
	[tilespmem:$0x10400] =	vst v63  }
0x195: {  	s22 =	simm.s32 $0xF400  }
0x196: {  	[tilespmem:s22], [sflag:$0x2] =	stream.indirect_vreg.gather [hbm4b:s6+s2], $0x80, v3, vm0, $0xb8;
	[tilespmem:$0x10400] =	vst v63  }
0x197: {  	s1 =	simm.s32 $0xFC00  }
0x198: {  	[tilespmem:s1], [sflag:$0x2] =	stream.indirect_vreg.gather [hbm4b:s7+s2], $0x80, v3, vm0, $0xb8;
	[tilespmem:$0x10400] =	vst v63  }
0x199: {  	_ =	swait.ge [sflag:s18], $0x8000  }
0x19a: {  	[sflag:s18] =	ssyncset.done $0x0  }
0x19b: {  	s15 =	rddreg [dreg:$0x9];
	[sflag:s18] =	ssyncadd.s32 $0xFFFF8000  }
0x19c: {  	[hbm4b:s15+s2] =	stream.linear.scatter [tilespmem:s10], [sflag:$0x3], $0x8000, $0x38;
	[tilespmem:$0x10400] =	vst v63  }
0x19d: {  	_ =	swait.ge [sflag:s19], $0x8000  }
0x19e: {  	[sflag:s19] =	ssyncset.done $0x0  }
0x19f: {  	[sflag:s19] =	ssyncadd.s32 $0xFFFF8000  }
0x1a0: {  	_ =	swait.ge [sflag:s20], $0x8000  }
0x1a1: {  	p0 =	sne.s32 s8, $0x1;
	[sflag:s20] =	ssyncset.done $0x0  }
.Ltmp0:
0x1a2: {  	s17 =	rddreg [dreg:$0xa];
	[sflag:s20] =	ssyncadd.s32 $0xFFFF8000;
	(pc) =	sbr.rel @p0 .LBB2_1-.Ltmp0, $4  }
0x1a3: {  	[hbm4b:s17+s2] =	stream.linear.scatter [tilespmem:s26], [sflag:$0x4], $0x8000, $0x38;
	[tilespmem:$0x10400] =	vst v63  }
0x1a4: {  	_ =	swait.ge [sflag:s21], $0x8000  }
0x1a5: {  	[sflag:s21] =	ssyncset.done $0x0  }
0x1a6: {  	s8 =	sadd.s32 $0xFFFFFFFF, s8;
	[sflag:s21] =	ssyncadd.s32 $0xFFFF8000  }
0x1a7: {  	_ =	sfence.sel $0x180000  }
0x1a8: {  	[bflag:$0x0] =	sbarrier.arrive $0xFFFF  }
0x1a9: {  	_ =	strace $0x9000004A  }
0x1aa: {  	s0 =	stileid.u32;
	[bflag:$0x2] =	sbarrier.arrive $0xFFFF  }
0x1ab: {  	p0 =	sne.s32 s0, $0x0;
	s0 =	rddreg [dreg:$0x2]  }
0x1ac: {  	s0 =	sadd.s32 @!p0 $0x100000, s0  }
0x1ad: {  	[sflag:s0] =	ssyncadd.tile.s32 @!p0 $0x1;
	_ =	shalt  }
.Lfunc_end2:
_tile_overlayer_lowered:
.L_overlay_start_2:
0x1ae: {  	(tag) =	ssettag $0x2  }
0x1af: {  	s0 =	rddreg [dreg:$0x0];
	s2 =	stileid.u32  }
0x1b0: {  	s1 =	rddreg [dreg:$0x1];
	p0 =	sne.s32 s2, $0x0  }
0x1b1: {  	s3 =	rddreg [dreg:$0x2];
	[bflag:$0x3] =	sbarrier.arrive $0xFFFF;
	s2 =	simm.s32 @!p0 $0x1C05  }
0x1b2: {  	[timem:s3], [sflag:s2] =	dma.local @!p0 [hbm:s0], s1  }
0x1b3: {  	s0 =	simm.s32 @!p0 $0x5  }
0x1b4: {  	_ =	swait.ge @!p0 [sflag:s0], s1  }
0x1b5: {  	s1 =	ssub.s32 @!p0 $0x0, s1;
	[sflag:s0] =	ssyncset.done @!p0 $0x0  }
0x1b6: {  	[sflag:s0] =	ssyncadd.s32 @!p0 s1  }
0x1b7: {  	[bflag:$0x3] =	sbarrier.arrive $0xFFFF  }
0x1b8: {  	_ =	shalt  }

// kernel: kernel.9.cloned.1.call-start
scs
__scs_entry_jumppad:
0x0: {  	(pc) =	sbr.rel $0x88, $3  }
0x1: {  	(tag) =	ssettag $0x0;
	lr =	simm.s32 $0x1  }
0x2: {  	[smem:$0x3F9D] =	sst lr;
	_ =	strace $0xD0000000  }
0x3: {  	_ = 	snop  }
0x4: {  	_ = 	snop  }
0x5: {  	_ = 	snop  }
0x6: {  	_ = 	snop  }
0x7: {  	_ = 	snop  }
__scs_overlays_trampoline_lowered:
0x8: {  	[smem:$0x3FAC] =	sst s0  }
0x9: {  	[smem:$0x3FAD] =	sst s1  }
0xa: {  	[smem:$0x3FAE] =	sst s2  }
0xb: {  	[smem:$0x3FAF] =	sst s3  }
0xc: {  	[smem:$0x3FB0] =	sst s4  }
0xd: {  	[smem:$0x3FB1] =	sst s5  }
0xe: {  	[smem:$0x3FB2] =	sst s6  }
0xf: {  	[smem:$0x3FB3] =	sst s7  }
0x10: {  	[smem:$0x3FB4] =	sst s8  }
0x11: {  	[smem:$0x3FB5] =	sst s9;
	s0 =	simm.s32 @!p0 $0x0  }
0x12: {  	s1 =	sld [smem:$0x3F9B];
	s0 =	simm.s32 @p0 $0x1  }
0x13: {  	[smem:$0x3FB6] =	sst s0;
	s0 =	simm.s32 @!p1 $0x0  }
0x14: {  	s2 =	sld [smem:$0x3F9A];
	s0 =	simm.s32 @p1 $0x1  }
0x15: {  	[smem:$0x3FB7] =	sst s0;
	s0 =	simm.s32 @!p2 $0x0  }
0x16: {  	s3 =	sld [smem:$0x3FDB];
	s0 =	simm.s32 @p2 $0x1  }
0x17: {  	s4 =	simm.s32 $0x1BF5;
	[smem:$0x3FB9] =	sst s0  }
0x18: {  	s0 =	sld [smem:$0x3F9C];
	_ =	swait.ge [sflag:s4], $0x0  }
0x19: {  	s7 =	sld [smem:$0x3F9D]  }
0x1a: {  	s8 =	sadd.s32 $0xFFFFE003, lr  }
0x1b: {  	s9 =	sadd.s32 $0xFFFFFEF7, lr;
	s5 =	simm.s32 $0xFFFFFFFF;
	p2 =	slt.u32 s8, $0xFFFFF086  }
0x1c: {  	p1 =	slt.u32 s9, $0xF7A;
	s5 =	simm.s32 @!p2 $0x0  }
0x1d: {  	s5 =	simm.s32 @p1 $0x1;
	p0 =	seq.s32 s7, s2  }
0x1e: {  	s7 =	smul.u32 @!p0 $0xF7A, s2;
	p2 =	seq.s32 @!p0 s5, $0x0  }
0x1f: {  	s9 =	smul.u32 $0xF7A, s1;
	s8 =	simm.s32 @!p0 $0x1BF5;
	p2 =	por !p2, p0  }
0x20: {  	[sflag:s8] =	ssyncset.s32 @!p0 $0xFFFFF086;
	s6 =	sadd.s32 @!p0 s3, s7;
	s7 =	simm.s32 @!p0 $0x108  }
0x21: {  	s3 =	sadd.s32 s3, s9;
	s6 =	sadd.s32 @!p0 $0x88, s6;
	s7 =	simm.s32 @p2 $0x1082  }
0x22: {  	[simem:s7], [sflag:s8] =	dma.local @!p0 [hbm:s6], $0xF7A  }
0x23: {  	s9 =	sor.u32 $0xD0000000, s2;
	s6 =	simm.s32 $0x108;
	_ =	swait.ge @!p0 [sflag:s8], $0x0  }
0x24: {  	s3 =	sadd.s32 $0x88, s3;
	s6 =	simm.s32 @!p1 $0x1082;
	[sflag:s4] =	ssyncset.s32 $0xFFFFF086  }
0x25: {  	[simem:s6], [sflag:s4] =	dma.local [hbm:s3], $0xF7A  }
0x26: {  	[smem:$0x3F9D] =	sst s1;
	(tag) =	ssettag s2;
	_ =	strace s9  }
0x27: {  	s1 =	sld [smem:$0x3FAD]  }
0x28: {  	s2 =	sld [smem:$0x3FAE]  }
0x29: {  	s4 =	sld [smem:$0x3FB0]  }
0x2a: {  	p0 =	seq.s32 s5, $0x0;
	s5 =	sld [smem:$0x3FB1]  }
0x2b: {  	s6 =	sld [smem:$0x3FB2]  }
0x2c: {  	s7 =	sld [smem:$0x3FB3]  }
0x2d: {  	s3 =	simm.s32 $0x108;
	s8 =	sld [smem:$0x3FB4]  }
0x2e: {  	s3 =	simm.s32 @!p0 $0x1082;
	s9 =	sld [smem:$0x3FB5]  }
0x2f: {  	lr =	sadd.s32 s0, s3;
	s0 =	sld [smem:$0x3FAC]  }
0x30: {  	s3 =	sld [smem:$0x3FAF]  }
0x31: {  	[smem:$0x3FB8] =	sst s10  }
0x32: {  	s10 =	sld [smem:$0x3FB6];
	_ =	sdelay $0x3  }
0x33: {  	p0 =	seq.s32 s10, $0x1;
	s10 =	sld [smem:$0x3FB8];
	_ =	sdelay $0x3  }
0x34: {  	[smem:$0x3FB8] =	sst s10  }
0x35: {  	s10 =	sld [smem:$0x3FB7];
	_ =	sdelay $0x3  }
0x36: {  	p1 =	seq.s32 s10, $0x1;
	s10 =	sld [smem:$0x3FB8];
	_ =	sdelay $0x3  }
0x37: {  	[smem:$0x3FB8] =	sst s10  }
0x38: {  	s10 =	sld [smem:$0x3FB9]  }
0x39: {  	_ = 	snop;
	(pc) =	sbr.ind lr, $3  }
0x3a: {  	_ = 	snop  }
0x3b: {  	_ = 	snop  }
0x3c: {  	p2 =	seq.s32 s10, $0x1;
	s10 =	sld [smem:$0x3FB8]  }
0x3d: {  	_ =	shalt  }
0x3e: {  	_ =	shalt  }
0x3f: {  	_ =	shalt  }
0x40: {  	_ =	shalt  }
0x41: {  	_ =	shalt  }
0x42: {  	_ =	shalt  }
0x43: {  	_ =	shalt  }
0x44: {  	_ =	shalt  }
0x45: {  	_ =	shalt  }
0x46: {  	_ =	shalt  }
0x47: {  	_ =	shalt  }
0x48: {  	_ =	shalt  }
0x49: {  	_ =	shalt  }
0x4a: {  	_ =	shalt  }
0x4b: {  	_ =	shalt  }
0x4c: {  	_ =	shalt  }
0x4d: {  	_ =	shalt  }
0x4e: {  	_ =	shalt  }
0x4f: {  	_ =	shalt  }
0x50: {  	_ =	shalt  }
0x51: {  	_ =	shalt  }
0x52: {  	_ =	shalt  }
0x53: {  	_ =	shalt  }
0x54: {  	_ =	shalt  }
0x55: {  	_ =	shalt  }
0x56: {  	_ =	shalt  }
0x57: {  	_ =	shalt  }
0x58: {  	_ =	shalt  }
0x59: {  	_ =	shalt  }
0x5a: {  	_ =	shalt  }
0x5b: {  	_ =	shalt  }
0x5c: {  	_ =	shalt  }
0x5d: {  	_ =	shalt  }
0x5e: {  	_ =	shalt  }
0x5f: {  	_ =	shalt  }
0x60: {  	_ =	shalt  }
0x61: {  	_ =	shalt  }
0x62: {  	_ =	shalt  }
0x63: {  	_ =	shalt  }
0x64: {  	_ =	shalt  }
0x65: {  	_ =	shalt  }
0x66: {  	_ =	shalt  }
0x67: {  	_ =	shalt  }
0x68: {  	_ =	shalt  }
0x69: {  	_ =	shalt  }
0x6a: {  	_ =	shalt  }
0x6b: {  	_ =	shalt  }
0x6c: {  	_ =	shalt  }
0x6d: {  	_ =	shalt  }
0x6e: {  	_ =	shalt  }
0x6f: {  	_ =	shalt  }
0x70: {  	_ =	shalt  }
0x71: {  	_ =	shalt  }
0x72: {  	_ =	shalt  }
0x73: {  	_ =	shalt  }
0x74: {  	_ =	shalt  }
0x75: {  	_ =	shalt  }
0x76: {  	_ =	shalt  }
0x77: {  	_ =	shalt  }
0x78: {  	_ =	shalt  }
0x79: {  	_ =	shalt  }
0x7a: {  	_ =	shalt  }
0x7b: {  	_ =	shalt  }
0x7c: {  	_ =	shalt  }
0x7d: {  	_ =	shalt  }
0x7e: {  	_ =	shalt  }
0x7f: {  	_ =	shalt  }
0x80: {  	_ =	shalt  }
0x81: {  	_ =	shalt  }
0x82: {  	_ =	shalt  }
0x83: {  	_ =	shalt  }
0x84: {  	_ =	shalt  }
0x85: {  	_ =	shalt  }
0x86: {  	_ =	shalt  }
0x87: {  	_ =	shalt  }
.Lfunc_end0:
.L_simem_size_0:
called_computation_lowered:
.L_overlay_start_0:
0x88: {  	s2 =	sld [smem:$0x3FD9]  }
0x89: {  	s3 =	sld [smem:$0x3FFE];
	_ =	sdelay $0x1  }
0x8a: {  	s1 =	srdreg.scid  }
0x8b: {  	s0 =	sand.u32 $0x1, s1  }
0x8c: {  	s17 =	sshll.u32 s0, $0xA;
	s2 =	sadd.s32 s3, s2  }
0x8d: {  	s2 =	sadd.s32 s2, s17  }
0x8e: {  	[smem:$0x3FC4] =	sst s2  }
0x8f: {  	_ = 	snop  }
0x90: {  	s2 =	sld [smem:$0x3FD0];
	(tm) =	ssettm $0x1  }
0x91: {  	s18 =	sld [smem:$0x3FFB];
	_ =	sdelay $0x3  }
0x92: {  	_ =	strace s18  }
0x93: {  	s3 =	sld [smem:$0x3FFC];
	_ =	sdelay $0x3  }
0x94: {  	_ =	strace s3  }
0x95: {  	s3 =	sld [smem:$0x3FFD];
	_ =	sdelay $0x3  }
0x96: {  	_ =	strace s3  }
0x97: {  	_ =	strace $0x8FFFFFFF  }
0x98: {  	s19 =	sld [smem:$0x3FDB];
	_ =	sdelay $0x1  }
0x99: {  	s4 =	simm.s32 $_scs_section_size  }
0x9a: {  	s5 =	simm.s32 $_size__tile_overlayer_lowered;
	s6 =	simm.s32 $_tile_overlayer_lowered  }
0x9b: {  	s22 =	simm.s32 $0x1BFF;
	s21 =	sshll.u32 s6, $0x1;
	s3 =	sadd.s32 s4, s19  }
0x9c: {  	s7 =	simm.s32 $0x0;
	s20 =	sshll.u32 s5, $0x1;
	s5 =	sadd.s32 s21, s3  }
0x9d: {  	[timem:s7], [sflag:s22] =	dma.local [hbm:s5], s20  }
0x9e: {  	_ =	swait.ge [sflag:s22], s20  }
0x9f: {  	s4 =	ssub.s32 $0x0, s20;
	[sflag:s22] =	ssyncset.done $0x0  }
0xa0: {  	[sflag:s22] =	ssyncadd.s32 s4;
	_ =	sdelay $0x1  }
0xa1: {  	s23 =	simm.s32 $0x1B8B  }
0xa2: {  	_ =	swait.ge [sflag:s23], $0x1  }
0xa3: {  	[sflag:s23] =	ssyncset.done $0x0  }
0xa4: {  	s25 =	simm.s32 $0x1B8E;
	s24 =	sld [smem:$0x3FFE];
	[sflag:s23] =	ssyncadd.s32 $0xFFFFFFFF  }
0xa5: {  	s26 =	simm.s32 $execute0_lowered;
	[smem:$0x3FD2] =	sst s25  }
0xa6: {  	s5 =	sshll.u32 s26, $0x1;
	_ =	strace $0x80000046;
	[dreg:$0x1] =	wrdreg $0xFFFFFFFF  }
0xa7: {  	s28 =	simm.s32 $_size_execute0_lowered;
	s3 =	sadd.s32 s3, s5;
	[dreg:$0x0] =	wrdreg $0x0  }
0xa8: {  	s5 =	sshll.u32 s28, $0x1;
	[dreg:$0x2] =	wrdreg s3  }
0xa9: {  	[dreg:$0x3] =	wrdreg s5  }
0xaa: {  	[dreg:$0x4] =	wrdreg $0xC0  }
0xab: {  	_ =	task [dreg:s7], $0x5FFFF  }
0xac: {  	[dreg:$0x1] =	wrdreg $0xFFFFFFFF  }
0xad: {  	[dreg:$0x0] =	wrdreg $0x60  }
0xae: {  	[dreg:$0x2] =	wrdreg s2  }
0xaf: {  	[dreg:$0x3] =	wrdreg s24  }
0xb0: {  	[dreg:$0x4] =	wrdreg $0x9  }
0xb1: {  	_ =	task.clear_ibuf [dreg:s7], $0x5FFFF;
	_ =	strace $0x90000046  }
0xb2: {  	s29 =	simm.s32 $0x9;
	_ =	strace $0x80000048  }
0xb3: {  	_ =	swait.ge [sflag:s29], $0x1  }
0xb4: {  	[sflag:s29] =	ssyncadd.s32 $0xFFFFFFFF  }
0xb5: {  	_ =	strace $0x90000048  }
0xb6: {  	_ =	sfence  }
0xb7: {  	s30 =	sld [smem:$0x0];
	_ =	sdelay $0x2  }
0xb8: {  	s31 =	sshll.u32 s1, $0xD;
	s1 =	sshrl.u32 s1, $0x2  }
0xb9: {  	s3 =	sand.u32 $0x4000, s31;
	s1 =	sadd.s32 s1, s30  }
0xba: {  	s0 =	sor.u32 s3, s0;
	s1 =	sshll.u32 s1, $0x11  }
0xbb: {  	s0 =	sor.u32 s1, s0  }
0xbc: {  	s0 =	sadd.s32 $0x8F2B, s0  }
0xbd: {  	[sflag:s0] =	ssyncadd.remote.s32 $0x1  }
0xbe: {  	_ =	sfence.sel $0xFFFF  }
0xbf: {  	[dreg:$0x0] =	wrdreg $0xFFFFFFFF;
	(pc) =	sbr.abs _section_cstart, $3  }
0xc0: {  	[dreg:$0x1] =	wrdreg $0xFFFFFFFF  }
0xc1: {  	_ =	task.clear_ibuf [dreg:s7], $0x2FFFF;
	_ =	strace $0x9FFFFFFF  }
0xc2: {  	(tm) =	ssettm $0x7FFFFFFF  }
0xc3: {  	_ =	shalt  }
tec
execute0_lowered:
.L_overlay_start_1:
0x0: {  	(tag) =	ssettag $0x1  }
0x1: {  	s26 =	rddreg [dreg:$0x0]  }
0x2: {  	s0 =	rddreg [dreg:$0x1]  }
0x3: {  	s1 =	srdreg.scid;
	s4 =	stileid.u32  }
0x4: {  	s3 =	simm.s32 $0x0;
	s31 =	simm.s32 $0x400;
	s28 =	simm.s32 $0x2  }
0x5: {  	s25 =	simm.s32 $0x4;
	s1 =	sand.u32 $0x1, s1;
	s4 =	sshll.u32 s4, $0x8  }
0x6: {  	[smem:$0x7FF] =	sst s3;
	s8 =	sadd.s32 $0x13300, s0;
	s9 =	sadd.s32 $0x13400, s0  }
0x7: {  	s10 =	sadd.s32 $0x13500, s0;
	s5 =	sshll.u32 s1, $0x7;
	_ =	strace $0x80000047  }
0x8: {  	s1 =	ssub.s32 $0x2, s1;
	[dreg:$0x5] =	wrdreg s31;
	s4 =	sor.u32 s5, s4  }
0x9: {  	s7 =	sshrl.u32 s1, $0x1;
	s5 =	sadd.s32 s4, s0;
	s4 =	sadd.s32 $0x13200, s0  }
0xa: {  	v2 =	vlaneseq.u32;
	s1 =	ssub.s32 s1, s7;
	s7 =	sadd.s32 $0x300, s26;
	s6 =	sadd.s32 $0x1200, s5  }
0xb: {  	vm0 =	vmmov $0xffff;
	v1 =	vshrl.u32 v2, $0x3;
	s5 =	sadd.s32 $0x12200, s5;
	s1 =	smax.u32 s1, $0x1;
	[dreg:$0x3] =	wrdreg s6  }
0xc: {  	v0 =	vand.u32 $0x7, v2;
	v2 =	vor.u32 $0x8, v2;
	v1 =	vmul.u32 $0x8, v1;
	[dreg:$0x4] =	wrdreg s5;
	s5 =	sadd.s32 $0x100, s26;
	s6 =	sadd.s32 $0x200, s26  }
.LBB2_1:
0xd: {  	[dreg:$0x6] =	wrdreg s1  }
0xe: {  	s29 =	rddreg [dreg:$0x3];
	s31 =	simm.s32 $0x5  }
0xf: {  	[tilespmem:s3], [sflag:$0x5] =	stream.linear.gather [hbm4b:s29+s3], $0x400, $0x38;
	[tilespmem:$0x10800] =	vst v63  }
0x10: {  	_ =	swait.ge [sflag:s31], $0x400  }
0x11: {  	s12 =	rddreg [dreg:$0x4];
	[sflag:s31] =	ssyncset.done $0x0  }
0x12: {  	s30 =	rddreg [dreg:$0x5];
	[sflag:s31] =	ssyncadd.s32 $0xFFFFFC00  }
0x13: {  	[tilespmem:s30], [sflag:$0x5] =	stream.linear.gather [hbm4b:s12+s3], $0x400, $0x38;
	[tilespmem:$0x10800] =	vst v63  }
0x14: {  	_ =	swait.ge [sflag:s31], $0x400  }
0x15: {  	[sflag:s31] =	ssyncset.done $0x0  }
0x16: {  	[sflag:s31] =	ssyncadd.s32 $0xFFFFFC00  }
0x17: {  	v3 =	vld [tilespmem:$0x0];
	_ =	sdelay $0x4  }
0x18: {  	v4 =	vshll.u32 v3, $0x3  }
0x19: {  	v3 =	vand.u32 $0x7, v3;
	v4 =	vand.u32 $0xFFFFFFC0, v4  }
0x1a: {  	v3 =	vor.u32 v3, v4  }
0x1b: {  	v4 =	vperm.xlane v3, v0;
	_ =	sdelay $0x1  }
0x1c: {  	v4 =	vadd.s32 v1, v4;
	_ =	sdelay $0x3  }
0x1d: {  	s0 =	simm.s32 $0x800  }
0x1e: {  	[tilespmem:s0], [sflag:$0x1] =	stream.indirect_vreg.gather [hbm4b:s26+s3], $0x80, v4, vm0, $0xb8;
	[tilespmem:$0x10800] =	vst v63  }
0x1f: {  	s13 =	simm.s32 $0x1000;
	v3 =	vperm.xlane v3, v2  }
0x20: {  	[tilespmem:s13], [sflag:$0x1] =	stream.indirect_vreg.gather [hbm4b:s5+s3], $0x80, v4, vm0, $0xb8;
	[tilespmem:$0x10800] =	vst v63  }
0x21: {  	s31 =	simm.s32 $0x1800;
	v3 =	vadd.s32 v1, v3  }
0x22: {  	[tilespmem:s31], [sflag:$0x1] =	stream.indirect_vreg.gather [hbm4b:s6+s3], $0x80, v4, vm0, $0xb8;
	[tilespmem:$0x10800] =	vst v63  }
0x23: {  	s14 =	simm.s32 $0x2000  }
0x24: {  	[tilespmem:s14], [sflag:$0x1] =	stream.indirect_vreg.gather [hbm4b:s7+s3], $0x80, v4, vm0, $0xb8;
	[tilespmem:$0x10800] =	vst v63  }
0x25: {  	s15 =	simm.s32 $0x2800  }
0x26: {  	[tilespmem:s15], [sflag:$0x1] =	stream.indirect_vreg.gather [hbm4b:s26+s3], $0x80, v3, vm0, $0xb8;
	[tilespmem:$0x10800] =	vst v63  }
0x27: {  	s16 =	simm.s32 $0x3000  }
0x28: {  	[tilespmem:s16], [sflag:$0x1] =	stream.indirect_vreg.gather [hbm4b:s5+s3], $0x80, v3, vm0, $0xb8;
	[tilespmem:$0x10800] =	vst v63  }
0x29: {  	s17 =	simm.s32 $0x3800  }
0x2a: {  	[tilespmem:s17], [sflag:$0x1] =	stream.indirect_vreg.gather [hbm4b:s6+s3], $0x80, v3, vm0, $0xb8;
	[tilespmem:$0x10800] =	vst v63  }
0x2b: {  	s18 =	simm.s32 $0x4000  }
0x2c: {  	[tilespmem:s18], [sflag:$0x1] =	stream.indirect_vreg.gather [hbm4b:s7+s3], $0x80, v3, vm0, $0xb8;
	[tilespmem:$0x10800] =	vst v63  }
0x2d: {  	v3 =	vld [tilespmem:$0x10];
	_ =	sdelay $0x4  }
0x2e: {  	v33 =	vshll.u32 v3, $0x3  }
0x2f: {  	v3 =	vand.u32 $0x7, v3;
	v4 =	vand.u32 $0xFFFFFFC0, v33  }
0x30: {  	v3 =	vor.u32 v3, v4  }
0x31: {  	v4 =	vperm.xlane v3, v0;
	_ =	sdelay $0x1  }
0x32: {  	v4 =	vadd.s32 v1, v4;
	_ =	sdelay $0x3  }
0x33: {  	s19 =	simm.s32 $0x4800  }
0x34: {  	[tilespmem:s19], [sflag:$0x1] =	stream.indirect_vreg.gather [hbm4b:s26+s3], $0x80, v4, vm0, $0xb8;
	[tilespmem:$0x10800] =	vst v63  }
0x35: {  	s20 =	simm.s32 $0x5000;
	v3 =	vperm.xlane v3, v2  }
0x36: {  	[tilespmem:s20], [sflag:$0x1] =	stream.indirect_vreg.gather [hbm4b:s5+s3], $0x80, v4, vm0, $0xb8;
	[tilespmem:$0x10800] =	vst v63  }
0x37: {  	s21 =	simm.s32 $0x5800;
	v3 =	vadd.s32 v1, v3  }
0x38: {  	[tilespmem:s21], [sflag:$0x1] =	stream.indirect_vreg.gather [hbm4b:s6+s3], $0x80, v4, vm0, $0xb8;
	[tilespmem:$0x10800] =	vst v63  }
0x39: {  	s22 =	simm.s32 $0x6000  }
0x3a: {  	[tilespmem:s22], [sflag:$0x1] =	stream.indirect_vreg.gather [hbm4b:s7+s3], $0x80, v4, vm0, $0xb8;
	[tilespmem:$0x10800] =	vst v63  }
0x3b: {  	s23 =	simm.s32 $0x6800  }
0x3c: {  	[tilespmem:s23], [sflag:$0x1] =	stream.indirect_vreg.gather [hbm4b:s26+s3], $0x80, v3, vm0, $0xb8;
	[tilespmem:$0x10800] =	vst v63  }
0x3d: {  	s24 =	simm.s32 $0x7000  }
0x3e: {  	[tilespmem:s24], [sflag:$0x1] =	stream.indirect_vreg.gather [hbm4b:s5+s3], $0x80, v3, vm0, $0xb8;
	[tilespmem:$0x10800] =	vst v63  }
0x3f: {  	s29 =	simm.s32 $0x7800  }
0x40: {  	[tilespmem:s29], [sflag:$0x1] =	stream.indirect_vreg.gather [hbm4b:s6+s3], $0x80, v3, vm0, $0xb8;
	[tilespmem:$0x10800] =	vst v63  }
0x41: {  	s30 =	simm.s32 $0x8000  }
0x42: {  	[tilespmem:s30], [sflag:$0x1] =	stream.indirect_vreg.gather [hbm4b:s7+s3], $0x80, v3, vm0, $0xb8;
	[tilespmem:$0x10800] =	vst v63  }
0x43: {  	v3 =	vld [tilespmem:$0x80];
	_ =	sdelay $0x4  }
0x44: {  	v34 =	vshll.u32 v3, $0x3  }
0x45: {  	v3 =	vand.u32 $0x7, v3;
	v4 =	vand.u32 $0xFFFFFFC0, v34  }
0x46: {  	v3 =	vor.u32 v3, v4  }
0x47: {  	v4 =	vperm.xlane v3, v0;
	_ =	sdelay $0x1  }
0x48: {  	v4 =	vadd.s32 v1, v4;
	_ =	sdelay $0x3  }
0x49: {  	s23 =	simm.s32 $0x8800  }
0x4a: {  	[tilespmem:s23], [sflag:$0x2] =	stream.indirect_vreg.gather [hbm4b:s26+s3], $0x80, v4, vm0, $0xb8;
	[tilespmem:$0x10800] =	vst v63  }
0x4b: {  	s0 =	simm.s32 $0x9000;
	v3 =	vperm.xlane v3, v2  }
0x4c: {  	[tilespmem:s0], [sflag:$0x2] =	stream.indirect_vreg.gather [hbm4b:s5+s3], $0x80, v4, vm0, $0xb8;
	[tilespmem:$0x10800] =	vst v63  }
0x4d: {  	s1 =	simm.s32 $0x9800;
	v3 =	vadd.s32 v1, v3  }
0x4e: {  	[tilespmem:s1], [sflag:$0x2] =	stream.indirect_vreg.gather [hbm4b:s6+s3], $0x80, v4, vm0, $0xb8;
	[tilespmem:$0x10800] =	vst v63  }
0x4f: {  	s2 =	simm.s32 $0xA000  }
0x50: {  	[tilespmem:s2], [sflag:$0x2] =	stream.indirect_vreg.gather [hbm4b:s7+s3], $0x80, v4, vm0, $0xb8;
	[tilespmem:$0x10800] =	vst v63  }
0x51: {  	s11 =	simm.s32 $0xA800  }
0x52: {  	[tilespmem:s11], [sflag:$0x2] =	stream.indirect_vreg.gather [hbm4b:s26+s3], $0x80, v3, vm0, $0xb8;
	[tilespmem:$0x10800] =	vst v63  }
0x53: {  	s12 =	simm.s32 $0xB000  }
0x54: {  	[tilespmem:s12], [sflag:$0x2] =	stream.indirect_vreg.gather [hbm4b:s5+s3], $0x80, v3, vm0, $0xb8;
	[tilespmem:$0x10800] =	vst v63  }
0x55: {  	s13 =	simm.s32 $0xB800  }
0x56: {  	[tilespmem:s13], [sflag:$0x2] =	stream.indirect_vreg.gather [hbm4b:s6+s3], $0x80, v3, vm0, $0xb8;
	[tilespmem:$0x10800] =	vst v63  }
0x57: {  	s14 =	simm.s32 $0xC000  }
0x58: {  	[tilespmem:s14], [sflag:$0x2] =	stream.indirect_vreg.gather [hbm4b:s7+s3], $0x80, v3, vm0, $0xb8;
	[tilespmem:$0x10800] =	vst v63  }
0x59: {  	v3 =	vld [tilespmem:$0x90];
	_ =	sdelay $0x4  }
0x5a: {  	v35 =	vshll.u32 v3, $0x3  }
0x5b: {  	v3 =	vand.u32 $0x7, v3;
	v4 =	vand.u32 $0xFFFFFFC0, v35  }
0x5c: {  	v3 =	vor.u32 v3, v4  }
0x5d: {  	v4 =	vperm.xlane v3, v0;
	_ =	sdelay $0x1  }
0x5e: {  	v4 =	vadd.s32 v1, v4;
	_ =	sdelay $0x3  }
0x5f: {  	s15 =	simm.s32 $0xC800  }
0x60: {  	[tilespmem:s15], [sflag:$0x2] =	stream.indirect_vreg.gather [hbm4b:s26+s3], $0x80, v4, vm0, $0xb8;
	[tilespmem:$0x10800] =	vst v63  }
0x61: {  	s16 =	simm.s32 $0xD000;
	v3 =	vperm.xlane v3, v2  }
0x62: {  	[tilespmem:s16], [sflag:$0x2] =	stream.indirect_vreg.gather [hbm4b:s5+s3], $0x80, v4, vm0, $0xb8;
	[tilespmem:$0x10800] =	vst v63  }
0x63: {  	s17 =	simm.s32 $0xD800;
	v3 =	vadd.s32 v1, v3  }
0x64: {  	[tilespmem:s17], [sflag:$0x2] =	stream.indirect_vreg.gather [hbm4b:s6+s3], $0x80, v4, vm0, $0xb8;
	[tilespmem:$0x10800] =	vst v63  }
0x65: {  	s18 =	simm.s32 $0xE000  }
0x66: {  	[tilespmem:s18], [sflag:$0x2] =	stream.indirect_vreg.gather [hbm4b:s7+s3], $0x80, v4, vm0, $0xb8;
	[tilespmem:$0x10800] =	vst v63  }
0x67: {  	s19 =	simm.s32 $0xE800  }
0x68: {  	[tilespmem:s19], [sflag:$0x2] =	stream.indirect_vreg.gather [hbm4b:s26+s3], $0x80, v3, vm0, $0xb8;
	[tilespmem:$0x10800] =	vst v63  }
0x69: {  	s20 =	simm.s32 $0xF000  }
0x6a: {  	[tilespmem:s20], [sflag:$0x2] =	stream.indirect_vreg.gather [hbm4b:s5+s3], $0x80, v3, vm0, $0xb8;
	[tilespmem:$0x10800] =	vst v63  }
0x6b: {  	s21 =	simm.s32 $0xF800  }
0x6c: {  	[tilespmem:s21], [sflag:$0x2] =	stream.indirect_vreg.gather [hbm4b:s6+s3], $0x80, v3, vm0, $0xb8;
	[tilespmem:$0x10800] =	vst v63  }
0x6d: {  	s22 =	simm.s32 $0x10000;
	s29 =	simm.s32 $0x1  }
0x6e: {  	[tilespmem:s22], [sflag:$0x2] =	stream.indirect_vreg.gather [hbm4b:s7+s3], $0x80, v3, vm0, $0xb8;
	[tilespmem:$0x10800] =	vst v63  }
0x6f: {  	_ =	swait.ge [sflag:s29], $0x8000  }
0x70: {  	[sflag:s29] =	ssyncset.done $0x0  }
0x71: {  	[sflag:s29] =	ssyncadd.s32 $0xFFFF8000  }
0x72: {  	v3 =	vld [tilespmem:$0x400];
	_ =	sdelay $0x4  }
0x73: {  	v36 =	vshll.u32 v3, $0x3  }
0x74: {  	v3 =	vand.u32 $0x7, v3;
	v4 =	vand.u32 $0xFFFFFFC0, v36  }
0x75: {  	v3 =	vor.u32 v3, v4  }
0x76: {  	v4 =	vperm.xlane v3, v0;
	_ =	sdelay $0x1  }
0x77: {  	v4 =	vadd.s32 v1, v4;
	_ =	sdelay $0x3  }
0x78: {  	s17 =	simm.s32 $0x800  }
0x79: {  	[hbm4b:s4+s3] =	stream.indirect_vreg.scatter [tilespmem:s17], [sflag:$0x3], $0x80, v4, vm0, $0xb8;
	[tilespmem:$0x10800] =	vst v63  }
0x7a: {  	s22 =	simm.s32 $0x1000;
	v3 =	vperm.xlane v3, v2  }
0x7b: {  	[hbm4b:s8+s3] =	stream.indirect_vreg.scatter [tilespmem:s22], [sflag:$0x3], $0x80, v4, vm0, $0xb8;
	[tilespmem:$0x10800] =	vst v63  }
0x7c: {  	v3 =	vadd.s32 v1, v3  }
0x7d: {  	[hbm4b:s9+s3] =	stream.indirect_vreg.scatter [tilespmem:s31], [sflag:$0x3], $0x80, v4, vm0, $0xb8;
	[tilespmem:$0x10800] =	vst v63  }
0x7e: {  	s23 =	simm.s32 $0x2000  }
0x7f: {  	[hbm4b:s10+s3] =	stream.indirect_vreg.scatter [tilespmem:s23], [sflag:$0x3], $0x80, v4, vm0, $0xb8;
	[tilespmem:$0x10800] =	vst v63  }
0x80: {  	s24 =	simm.s32 $0x2800  }
0x81: {  	[hbm4b:s4+s3] =	stream.indirect_vreg.scatter [tilespmem:s24], [sflag:$0x3], $0x80, v3, vm0, $0xb8;
	[tilespmem:$0x10800] =	vst v63  }
0x82: {  	s2 =	simm.s32 $0x3000  }
0x83: {  	[hbm4b:s8+s3] =	stream.indirect_vreg.scatter [tilespmem:s2], [sflag:$0x3], $0x80, v3, vm0, $0xb8;
	[tilespmem:$0x10800] =	vst v63  }
0x84: {  	s11 =	simm.s32 $0x3800  }
0x85: {  	[hbm4b:s9+s3] =	stream.indirect_vreg.scatter [tilespmem:s11], [sflag:$0x3], $0x80, v3, vm0, $0xb8;
	[tilespmem:$0x10800] =	vst v63  }
0x86: {  	s18 =	simm.s32 $0x4000  }
0x87: {  	[hbm4b:s10+s3] =	stream.indirect_vreg.scatter [tilespmem:s18], [sflag:$0x3], $0x80, v3, vm0, $0xb8;
	[tilespmem:$0x10800] =	vst v63  }
0x88: {  	v3 =	vld [tilespmem:$0x410];
	_ =	sdelay $0x4  }
0x89: {  	v37 =	vshll.u32 v3, $0x3  }
0x8a: {  	v3 =	vand.u32 $0x7, v3;
	v4 =	vand.u32 $0xFFFFFFC0, v37  }
0x8b: {  	v3 =	vor.u32 v3, v4  }
0x8c: {  	v4 =	vperm.xlane v3, v0;
	_ =	sdelay $0x1  }
0x8d: {  	v4 =	vadd.s32 v1, v4;
	_ =	sdelay $0x3  }
0x8e: {  	s19 =	simm.s32 $0x4800  }
0x8f: {  	[hbm4b:s4+s3] =	stream.indirect_vreg.scatter [tilespmem:s19], [sflag:$0x3], $0x80, v4, vm0, $0xb8;
	[tilespmem:$0x10800] =	vst v63  }
0x90: {  	s20 =	simm.s32 $0x5000;
	v3 =	vperm.xlane v3, v2  }
0x91: {  	[hbm4b:s8+s3] =	stream.indirect_vreg.scatter [tilespmem:s20], [sflag:$0x3], $0x80, v4, vm0, $0xb8;
	[tilespmem:$0x10800] =	vst v63  }
0x92: {  	s12 =	simm.s32 $0x5800;
	v3 =	vadd.s32 v1, v3  }
0x93: {  	[hbm4b:s9+s3] =	stream.indirect_vreg.scatter [tilespmem:s12], [sflag:$0x3], $0x80, v4, vm0, $0xb8;
	[tilespmem:$0x10800] =	vst v63  }
0x94: {  	s13 =	simm.s32 $0x6000  }
0x95: {  	[hbm4b:s10+s3] =	stream.indirect_vreg.scatter [tilespmem:s13], [sflag:$0x3], $0x80, v4, vm0, $0xb8;
	[tilespmem:$0x10800] =	vst v63  }
0x96: {  	s14 =	simm.s32 $0x6800  }
0x97: {  	[hbm4b:s4+s3] =	stream.indirect_vreg.scatter [tilespmem:s14], [sflag:$0x3], $0x80, v3, vm0, $0xb8;
	[tilespmem:$0x10800] =	vst v63  }
0x98: {  	s15 =	simm.s32 $0x7000  }
0x99: {  	[hbm4b:s8+s3] =	stream.indirect_vreg.scatter [tilespmem:s15], [sflag:$0x3], $0x80, v3, vm0, $0xb8;
	[tilespmem:$0x10800] =	vst v63  }
0x9a: {  	s16 =	simm.s32 $0x7800  }
0x9b: {  	[hbm4b:s9+s3] =	stream.indirect_vreg.scatter [tilespmem:s16], [sflag:$0x3], $0x80, v3, vm0, $0xb8;
	[tilespmem:$0x10800] =	vst v63  }
0x9c: {  	s30 =	simm.s32 $0x3;
	s21 =	simm.s32 $0x8000  }
0x9d: {  	[hbm4b:s10+s3] =	stream.indirect_vreg.scatter [tilespmem:s21], [sflag:$0x3], $0x80, v3, vm0, $0xb8;
	[tilespmem:$0x10800] =	vst v63  }
0x9e: {  	_ =	swait.ge [sflag:s30], $0x8000  }
0x9f: {  	[sflag:s30] =	ssyncset.done $0x0  }
0xa0: {  	[sflag:s30] =	ssyncadd.s32 $0xFFFF8000  }
0xa1: {  	v3 =	vld [tilespmem:$0x100];
	_ =	sdelay $0x4  }
0xa2: {  	v38 =	vshll.u32 v3, $0x3  }
0xa3: {  	v3 =	vand.u32 $0x7, v3;
	v4 =	vand.u32 $0xFFFFFFC0, v38  }
0xa4: {  	v3 =	vor.u32 v3, v4  }
0xa5: {  	v4 =	vperm.xlane v3, v0;
	_ =	sdelay $0x1  }
0xa6: {  	v4 =	vadd.s32 v1, v4;
	_ =	sdelay $0x4  }
0xa7: {  	[tilespmem:s17], [sflag:$0x1] =	stream.indirect_vreg.gather [hbm4b:s26+s3], $0x80, v4, vm0, $0xb8;
	[tilespmem:$0x10800] =	vst v63  }
0xa8: {  	v3 =	vperm.xlane v3, v2  }
0xa9: {  	[tilespmem:s22], [sflag:$0x1] =	stream.indirect_vreg.gather [hbm4b:s5+s3], $0x80, v4, vm0, $0xb8;
	[tilespmem:$0x10800] =	vst v63  }
0xaa: {  	v3 =	vadd.s32 v1, v3  }
0xab: {  	[tilespmem:s31], [sflag:$0x1] =	stream.indirect_vreg.gather [hbm4b:s6+s3], $0x80, v4, vm0, $0xb8;
	[tilespmem:$0x10800] =	vst v63  }
0xac: {  	_ = 	snop  }
0xad: {  	[tilespmem:s23], [sflag:$0x1] =	stream.indirect_vreg.gather [hbm4b:s7+s3], $0x80, v4, vm0, $0xb8;
	[tilespmem:$0x10800] =	vst v63  }
0xae: {  	_ = 	snop  }
0xaf: {  	[tilespmem:s24], [sflag:$0x1] =	stream.indirect_vreg.gather [hbm4b:s26+s3], $0x80, v3, vm0, $0xb8;
	[tilespmem:$0x10800] =	vst v63  }
0xb0: {  	_ = 	snop  }
0xb1: {  	[tilespmem:s2], [sflag:$0x1] =	stream.indirect_vreg.gather [hbm4b:s5+s3], $0x80, v3, vm0, $0xb8;
	[tilespmem:$0x10800] =	vst v63  }
0xb2: {  	_ = 	snop  }
0xb3: {  	[tilespmem:s11], [sflag:$0x1] =	stream.indirect_vreg.gather [hbm4b:s6+s3], $0x80, v3, vm0, $0xb8;
	[tilespmem:$0x10800] =	vst v63  }
0xb4: {  	_ = 	snop  }
0xb5: {  	[tilespmem:s18], [sflag:$0x1] =	stream.indirect_vreg.gather [hbm4b:s7+s3], $0x80, v3, vm0, $0xb8;
	[tilespmem:$0x10800] =	vst v63  }
0xb6: {  	v3 =	vld [tilespmem:$0x110];
	_ =	sdelay $0x4  }
0xb7: {  	v39 =	vshll.u32 v3, $0x3  }
0xb8: {  	v3 =	vand.u32 $0x7, v3;
	v4 =	vand.u32 $0xFFFFFFC0, v39  }
0xb9: {  	v3 =	vor.u32 v3, v4  }
0xba: {  	v4 =	vperm.xlane v3, v0;
	_ =	sdelay $0x1  }
0xbb: {  	v4 =	vadd.s32 v1, v4;
	_ =	sdelay $0x4  }
0xbc: {  	[tilespmem:s19], [sflag:$0x1] =	stream.indirect_vreg.gather [hbm4b:s26+s3], $0x80, v4, vm0, $0xb8;
	[tilespmem:$0x10800] =	vst v63  }
0xbd: {  	v3 =	vperm.xlane v3, v2  }
0xbe: {  	[tilespmem:s20], [sflag:$0x1] =	stream.indirect_vreg.gather [hbm4b:s5+s3], $0x80, v4, vm0, $0xb8;
	[tilespmem:$0x10800] =	vst v63  }
0xbf: {  	v3 =	vadd.s32 v1, v3  }
0xc0: {  	[tilespmem:s12], [sflag:$0x1] =	stream.indirect_vreg.gather [hbm4b:s6+s3], $0x80, v4, vm0, $0xb8;
	[tilespmem:$0x10800] =	vst v63  }
0xc1: {  	_ = 	snop  }
0xc2: {  	[tilespmem:s13], [sflag:$0x1] =	stream.indirect_vreg.gather [hbm4b:s7+s3], $0x80, v4, vm0, $0xb8;
	[tilespmem:$0x10800] =	vst v63  }
0xc3: {  	_ = 	snop  }
0xc4: {  	[tilespmem:s14], [sflag:$0x1] =	stream.indirect_vreg.gather [hbm4b:s26+s3], $0x80, v3, vm0, $0xb8;
	[tilespmem:$0x10800] =	vst v63  }
0xc5: {  	_ = 	snop  }
0xc6: {  	[tilespmem:s15], [sflag:$0x1] =	stream.indirect_vreg.gather [hbm4b:s5+s3], $0x80, v3, vm0, $0xb8;
	[tilespmem:$0x10800] =	vst v63  }
0xc7: {  	_ = 	snop  }
0xc8: {  	[tilespmem:s16], [sflag:$0x1] =	stream.indirect_vreg.gather [hbm4b:s6+s3], $0x80, v3, vm0, $0xb8;
	[tilespmem:$0x10800] =	vst v63  }
0xc9: {  	_ = 	snop  }
0xca: {  	[tilespmem:s21], [sflag:$0x1] =	stream.indirect_vreg.gather [hbm4b:s7+s3], $0x80, v3, vm0, $0xb8;
	[tilespmem:$0x10800] =	vst v63  }
0xcb: {  	_ =	swait.ge [sflag:s28], $0x8000  }
0xcc: {  	[sflag:s28] =	ssyncset.done $0x0  }
0xcd: {  	[sflag:s28] =	ssyncadd.s32 $0xFFFF8000  }
0xce: {  	v3 =	vld [tilespmem:$0x480];
	_ =	sdelay $0x4  }
0xcf: {  	v40 =	vshll.u32 v3, $0x3  }
0xd0: {  	v3 =	vand.u32 $0x7, v3;
	v4 =	vand.u32 $0xFFFFFFC0, v40  }
0xd1: {  	v3 =	vor.u32 v3, v4  }
0xd2: {  	v4 =	vperm.xlane v3, v0;
	_ =	sdelay $0x1  }
0xd3: {  	v4 =	vadd.s32 v1, v4;
	_ =	sdelay $0x3  }
0xd4: {  	s18 =	simm.s32 $0x8800  }
0xd5: {  	[hbm4b:s4+s3] =	stream.indirect_vreg.scatter [tilespmem:s18], [sflag:$0x4], $0x80, v4, vm0, $0xb8;
	[tilespmem:$0x10800] =	vst v63  }
0xd6: {  	s0 =	simm.s32 $0x9000;
	v3 =	vperm.xlane v3, v2  }
0xd7: {  	[hbm4b:s8+s3] =	stream.indirect_vreg.scatter [tilespmem:s0], [sflag:$0x4], $0x80, v4, vm0, $0xb8;
	[tilespmem:$0x10800] =	vst v63  }
0xd8: {  	s23 =	simm.s32 $0x9800;
	v3 =	vadd.s32 v1, v3  }
0xd9: {  	[hbm4b:s9+s3] =	stream.indirect_vreg.scatter [tilespmem:s23], [sflag:$0x4], $0x80, v4, vm0, $0xb8;
	[tilespmem:$0x10800] =	vst v63  }
0xda: {  	s1 =	simm.s32 $0xA000  }
0xdb: {  	[hbm4b:s10+s3] =	stream.indirect_vreg.scatter [tilespmem:s1], [sflag:$0x4], $0x80, v4, vm0, $0xb8;
	[tilespmem:$0x10800] =	vst v63  }
0xdc: {  	s24 =	simm.s32 $0xA800  }
0xdd: {  	[hbm4b:s4+s3] =	stream.indirect_vreg.scatter [tilespmem:s24], [sflag:$0x4], $0x80, v3, vm0, $0xb8;
	[tilespmem:$0x10800] =	vst v63  }
0xde: {  	s12 =	simm.s32 $0xB000  }
0xdf: {  	[hbm4b:s8+s3] =	stream.indirect_vreg.scatter [tilespmem:s12], [sflag:$0x4], $0x80, v3, vm0, $0xb8;
	[tilespmem:$0x10800] =	vst v63  }
0xe0: {  	s20 =	simm.s32 $0xB800  }
0xe1: {  	[hbm4b:s9+s3] =	stream.indirect_vreg.scatter [tilespmem:s20], [sflag:$0x4], $0x80, v3, vm0, $0xb8;
	[tilespmem:$0x10800] =	vst v63  }
0xe2: {  	s22 =	simm.s32 $0xC000  }
0xe3: {  	[hbm4b:s10+s3] =	stream.indirect_vreg.scatter [tilespmem:s22], [sflag:$0x4], $0x80, v3, vm0, $0xb8;
	[tilespmem:$0x10800] =	vst v63  }
0xe4: {  	v3 =	vld [tilespmem:$0x490];
	_ =	sdelay $0x4  }
0xe5: {  	v41 =	vshll.u32 v3, $0x3  }
0xe6: {  	v3 =	vand.u32 $0x7, v3;
	v4 =	vand.u32 $0xFFFFFFC0, v41  }
0xe7: {  	v3 =	vor.u32 v3, v4  }
0xe8: {  	v4 =	vperm.xlane v3, v0;
	_ =	sdelay $0x1  }
0xe9: {  	v4 =	vadd.s32 v1, v4;
	_ =	sdelay $0x3  }
0xea: {  	s21 =	simm.s32 $0xC800  }
0xeb: {  	[hbm4b:s4+s3] =	stream.indirect_vreg.scatter [tilespmem:s21], [sflag:$0x4], $0x80, v4, vm0, $0xb8;
	[tilespmem:$0x10800] =	vst v63  }
0xec: {  	s14 =	simm.s32 $0xD000;
	v3 =	vperm.xlane v3, v2  }
0xed: {  	[hbm4b:s8+s3] =	stream.indirect_vreg.scatter [tilespmem:s14], [sflag:$0x4], $0x80, v4, vm0, $0xb8;
	[tilespmem:$0x10800] =	vst v63  }
0xee: {  	s13 =	simm.s32 $0xD800;
	v3 =	vadd.s32 v1, v3  }
0xef: {  	[hbm4b:s9+s3] =	stream.indirect_vreg.scatter [tilespmem:s13], [sflag:$0x4], $0x80, v4, vm0, $0xb8;
	[tilespmem:$0x10800] =	vst v63  }
0xf0: {  	s16 =	simm.s32 $0xE000  }
0xf1: {  	[hbm4b:s10+s3] =	stream.indirect_vreg.scatter [tilespmem:s16], [sflag:$0x4], $0x80, v4, vm0, $0xb8;
	[tilespmem:$0x10800] =	vst v63  }
0xf2: {  	s15 =	simm.s32 $0xE800  }
0xf3: {  	[hbm4b:s4+s3] =	stream.indirect_vreg.scatter [tilespmem:s15], [sflag:$0x4], $0x80, v3, vm0, $0xb8;
	[tilespmem:$0x10800] =	vst v63  }
0xf4: {  	s17 =	simm.s32 $0xF000  }
0xf5: {  	[hbm4b:s8+s3] =	stream.indirect_vreg.scatter [tilespmem:s17], [sflag:$0x4], $0x80, v3, vm0, $0xb8;
	[tilespmem:$0x10800] =	vst v63  }
0xf6: {  	s2 =	simm.s32 $0xF800  }
0xf7: {  	[hbm4b:s9+s3] =	stream.indirect_vreg.scatter [tilespmem:s2], [sflag:$0x4], $0x80, v3, vm0, $0xb8;
	[tilespmem:$0x10800] =	vst v63  }
0xf8: {  	s11 =	simm.s32 $0x10000  }
0xf9: {  	[hbm4b:s10+s3] =	stream.indirect_vreg.scatter [tilespmem:s11], [sflag:$0x4], $0x80, v3, vm0, $0xb8;
	[tilespmem:$0x10800] =	vst v63  }
0xfa: {  	_ =	swait.ge [sflag:s25], $0x8000  }
0xfb: {  	[sflag:s25] =	ssyncset.done $0x0  }
0xfc: {  	[sflag:s25] =	ssyncadd.s32 $0xFFFF8000  }
0xfd: {  	v3 =	vld [tilespmem:$0x180];
	_ =	sdelay $0x4  }
0xfe: {  	v42 =	vshll.u32 v3, $0x3  }
0xff: {  	v3 =	vand.u32 $0x7, v3;
	v4 =	vand.u32 $0xFFFFFFC0, v42  }
0x100: {  	v3 =	vor.u32 v3, v4  }
0x101: {  	v4 =	vperm.xlane v3, v0;
	_ =	sdelay $0x1  }
0x102: {  	v4 =	vadd.s32 v1, v4;
	_ =	sdelay $0x4  }
0x103: {  	[tilespmem:s18], [sflag:$0x2] =	stream.indirect_vreg.gather [hbm4b:s26+s3], $0x80, v4, vm0, $0xb8;
	[tilespmem:$0x10800] =	vst v63  }
0x104: {  	v3 =	vperm.xlane v3, v2  }
0x105: {  	[tilespmem:s0], [sflag:$0x2] =	stream.indirect_vreg.gather [hbm4b:s5+s3], $0x80, v4, vm0, $0xb8;
	[tilespmem:$0x10800] =	vst v63  }
0x106: {  	v3 =	vadd.s32 v1, v3  }
0x107: {  	[tilespmem:s23], [sflag:$0x2] =	stream.indirect_vreg.gather [hbm4b:s6+s3], $0x80, v4, vm0, $0xb8;
	[tilespmem:$0x10800] =	vst v63  }
0x108: {  	_ = 	snop  }
0x109: {  	[tilespmem:s1], [sflag:$0x2] =	stream.indirect_vreg.gather [hbm4b:s7+s3], $0x80, v4, vm0, $0xb8;
	[tilespmem:$0x10800] =	vst v63  }
0x10a: {  	_ = 	snop  }
0x10b: {  	[tilespmem:s24], [sflag:$0x2] =	stream.indirect_vreg.gather [hbm4b:s26+s3], $0x80, v3, vm0, $0xb8;
	[tilespmem:$0x10800] =	vst v63  }
0x10c: {  	_ = 	snop  }
0x10d: {  	[tilespmem:s12], [sflag:$0x2] =	stream.indirect_vreg.gather [hbm4b:s5+s3], $0x80, v3, vm0, $0xb8;
	[tilespmem:$0x10800] =	vst v63  }
0x10e: {  	_ = 	snop  }
0x10f: {  	[tilespmem:s20], [sflag:$0x2] =	stream.indirect_vreg.gather [hbm4b:s6+s3], $0x80, v3, vm0, $0xb8;
	[tilespmem:$0x10800] =	vst v63  }
0x110: {  	_ = 	snop  }
0x111: {  	[tilespmem:s22], [sflag:$0x2] =	stream.indirect_vreg.gather [hbm4b:s7+s3], $0x80, v3, vm0, $0xb8;
	[tilespmem:$0x10800] =	vst v63  }
0x112: {  	v3 =	vld [tilespmem:$0x190];
	_ =	sdelay $0x4  }
0x113: {  	v43 =	vshll.u32 v3, $0x3  }
0x114: {  	v3 =	vand.u32 $0x7, v3;
	v4 =	vand.u32 $0xFFFFFFC0, v43  }
0x115: {  	v3 =	vor.u32 v3, v4  }
0x116: {  	v4 =	vperm.xlane v3, v0;
	_ =	sdelay $0x1  }
0x117: {  	v4 =	vadd.s32 v1, v4;
	_ =	sdelay $0x4  }
0x118: {  	[tilespmem:s21], [sflag:$0x2] =	stream.indirect_vreg.gather [hbm4b:s26+s3], $0x80, v4, vm0, $0xb8;
	[tilespmem:$0x10800] =	vst v63  }
0x119: {  	v3 =	vperm.xlane v3, v2  }
0x11a: {  	[tilespmem:s14], [sflag:$0x2] =	stream.indirect_vreg.gather [hbm4b:s5+s3], $0x80, v4, vm0, $0xb8;
	[tilespmem:$0x10800] =	vst v63  }
0x11b: {  	v3 =	vadd.s32 v1, v3  }
0x11c: {  	[tilespmem:s13], [sflag:$0x2] =	stream.indirect_vreg.gather [hbm4b:s6+s3], $0x80, v4, vm0, $0xb8;
	[tilespmem:$0x10800] =	vst v63  }
0x11d: {  	_ = 	snop  }
0x11e: {  	[tilespmem:s16], [sflag:$0x2] =	stream.indirect_vreg.gather [hbm4b:s7+s3], $0x80, v4, vm0, $0xb8;
	[tilespmem:$0x10800] =	vst v63  }
0x11f: {  	_ = 	snop  }
0x120: {  	[tilespmem:s15], [sflag:$0x2] =	stream.indirect_vreg.gather [hbm4b:s26+s3], $0x80, v3, vm0, $0xb8;
	[tilespmem:$0x10800] =	vst v63  }
0x121: {  	_ = 	snop  }
0x122: {  	[tilespmem:s17], [sflag:$0x2] =	stream.indirect_vreg.gather [hbm4b:s5+s3], $0x80, v3, vm0, $0xb8;
	[tilespmem:$0x10800] =	vst v63  }
0x123: {  	_ = 	snop  }
0x124: {  	[tilespmem:s2], [sflag:$0x2] =	stream.indirect_vreg.gather [hbm4b:s6+s3], $0x80, v3, vm0, $0xb8;
	[tilespmem:$0x10800] =	vst v63  }
0x125: {  	_ = 	snop  }
0x126: {  	[tilespmem:s11], [sflag:$0x2] =	stream.indirect_vreg.gather [hbm4b:s7+s3], $0x80, v3, vm0, $0xb8;
	[tilespmem:$0x10800] =	vst v63  }
0x127: {  	_ =	swait.ge [sflag:s29], $0x8000  }
0x128: {  	[sflag:s29] =	ssyncset.done $0x0  }
0x129: {  	[sflag:s29] =	ssyncadd.s32 $0xFFFF8000  }
0x12a: {  	v3 =	vld [tilespmem:$0x500];
	_ =	sdelay $0x4  }
0x12b: {  	v44 =	vshll.u32 v3, $0x3  }
0x12c: {  	v3 =	vand.u32 $0x7, v3;
	v4 =	vand.u32 $0xFFFFFFC0, v44  }
0x12d: {  	v3 =	vor.u32 v3, v4  }
0x12e: {  	v4 =	vperm.xlane v3, v0;
	_ =	sdelay $0x1  }
0x12f: {  	v4 =	vadd.s32 v1, v4;
	_ =	sdelay $0x3  }
0x130: {  	s20 =	simm.s32 $0x800  }
0x131: {  	[hbm4b:s4+s3] =	stream.indirect_vreg.scatter [tilespmem:s20], [sflag:$0x3], $0x80, v4, vm0, $0xb8;
	[tilespmem:$0x10800] =	vst v63  }
0x132: {  	s21 =	simm.s32 $0x1000;
	v3 =	vperm.xlane v3, v2  }
0x133: {  	[hbm4b:s8+s3] =	stream.indirect_vreg.scatter [tilespmem:s21], [sflag:$0x3], $0x80, v4, vm0, $0xb8;
	[tilespmem:$0x10800] =	vst v63  }
0x134: {  	v3 =	vadd.s32 v1, v3  }
0x135: {  	[hbm4b:s9+s3] =	stream.indirect_vreg.scatter [tilespmem:s31], [sflag:$0x3], $0x80, v4, vm0, $0xb8;
	[tilespmem:$0x10800] =	vst v63  }
0x136: {  	s22 =	simm.s32 $0x2000  }
0x137: {  	[hbm4b:s10+s3] =	stream.indirect_vreg.scatter [tilespmem:s22], [sflag:$0x3], $0x80, v4, vm0, $0xb8;
	[tilespmem:$0x10800] =	vst v63  }
0x138: {  	s0 =	simm.s32 $0x2800  }
0x139: {  	[hbm4b:s4+s3] =	stream.indirect_vreg.scatter [tilespmem:s0], [sflag:$0x3], $0x80, v3, vm0, $0xb8;
	[tilespmem:$0x10800] =	vst v63  }
0x13a: {  	s16 =	simm.s32 $0x3000  }
0x13b: {  	[hbm4b:s8+s3] =	stream.indirect_vreg.scatter [tilespmem:s16], [sflag:$0x3], $0x80, v3, vm0, $0xb8;
	[tilespmem:$0x10800] =	vst v63  }
0x13c: {  	s18 =	simm.s32 $0x3800  }
0x13d: {  	[hbm4b:s9+s3] =	stream.indirect_vreg.scatter [tilespmem:s18], [sflag:$0x3], $0x80, v3, vm0, $0xb8;
	[tilespmem:$0x10800] =	vst v63  }
0x13e: {  	s19 =	simm.s32 $0x4000  }
0x13f: {  	[hbm4b:s10+s3] =	stream.indirect_vreg.scatter [tilespmem:s19], [sflag:$0x3], $0x80, v3, vm0, $0xb8;
	[tilespmem:$0x10800] =	vst v63  }
0x140: {  	v3 =	vld [tilespmem:$0x510];
	_ =	sdelay $0x4  }
0x141: {  	v45 =	vshll.u32 v3, $0x3  }
0x142: {  	v3 =	vand.u32 $0x7, v3;
	v4 =	vand.u32 $0xFFFFFFC0, v45  }
0x143: {  	v3 =	vor.u32 v3, v4  }
0x144: {  	v4 =	vperm.xlane v3, v0;
	_ =	sdelay $0x1  }
0x145: {  	v4 =	vadd.s32 v1, v4;
	_ =	sdelay $0x3  }
0x146: {  	s1 =	simm.s32 $0x4800  }
0x147: {  	[hbm4b:s4+s3] =	stream.indirect_vreg.scatter [tilespmem:s1], [sflag:$0x3], $0x80, v4, vm0, $0xb8;
	[tilespmem:$0x10800] =	vst v63  }
0x148: {  	s2 =	simm.s32 $0x5000;
	v3 =	vperm.xlane v3, v2  }
0x149: {  	[hbm4b:s8+s3] =	stream.indirect_vreg.scatter [tilespmem:s2], [sflag:$0x3], $0x80, v4, vm0, $0xb8;
	[tilespmem:$0x10800] =	vst v63  }
0x14a: {  	s11 =	simm.s32 $0x5800;
	v3 =	vadd.s32 v1, v3  }
0x14b: {  	[hbm4b:s9+s3] =	stream.indirect_vreg.scatter [tilespmem:s11], [sflag:$0x3], $0x80, v4, vm0, $0xb8;
	[tilespmem:$0x10800] =	vst v63  }
0x14c: {  	s12 =	simm.s32 $0x6000  }
0x14d: {  	[hbm4b:s10+s3] =	stream.indirect_vreg.scatter [tilespmem:s12], [sflag:$0x3], $0x80, v4, vm0, $0xb8;
	[tilespmem:$0x10800] =	vst v63  }
0x14e: {  	s13 =	simm.s32 $0x6800  }
0x14f: {  	[hbm4b:s4+s3] =	stream.indirect_vreg.scatter [tilespmem:s13], [sflag:$0x3], $0x80, v3, vm0, $0xb8;
	[tilespmem:$0x10800] =	vst v63  }
0x150: {  	s14 =	simm.s32 $0x7000  }
0x151: {  	[hbm4b:s8+s3] =	stream.indirect_vreg.scatter [tilespmem:s14], [sflag:$0x3], $0x80, v3, vm0, $0xb8;
	[tilespmem:$0x10800] =	vst v63  }
0x152: {  	s23 =	simm.s32 $0x7800  }
0x153: {  	[hbm4b:s9+s3] =	stream.indirect_vreg.scatter [tilespmem:s23], [sflag:$0x3], $0x80, v3, vm0, $0xb8;
	[tilespmem:$0x10800] =	vst v63  }
0x154: {  	s24 =	simm.s32 $0x8000  }
0x155: {  	[hbm4b:s10+s3] =	stream.indirect_vreg.scatter [tilespmem:s24], [sflag:$0x3], $0x80, v3, vm0, $0xb8;
	[tilespmem:$0x10800] =	vst v63  }
0x156: {  	_ =	swait.ge [sflag:s30], $0x8000  }
0x157: {  	[sflag:s30] =	ssyncset.done $0x0  }
0x158: {  	[sflag:s30] =	ssyncadd.s32 $0xFFFF8000  }
0x159: {  	v3 =	vld [tilespmem:$0x200];
	_ =	sdelay $0x4  }
0x15a: {  	v46 =	vshll.u32 v3, $0x3  }
0x15b: {  	v3 =	vand.u32 $0x7, v3;
	v4 =	vand.u32 $0xFFFFFFC0, v46  }
0x15c: {  	v3 =	vor.u32 v3, v4  }
0x15d: {  	v4 =	vperm.xlane v3, v0;
	_ =	sdelay $0x1  }
0x15e: {  	v4 =	vadd.s32 v1, v4;
	_ =	sdelay $0x4  }
0x15f: {  	[tilespmem:s20], [sflag:$0x1] =	stream.indirect_vreg.gather [hbm4b:s26+s3], $0x80, v4, vm0, $0xb8;
	[tilespmem:$0x10800] =	vst v63  }
0x160: {  	v3 =	vperm.xlane v3, v2  }
0x161: {  	[tilespmem:s21], [sflag:$0x1] =	stream.indirect_vreg.gather [hbm4b:s5+s3], $0x80, v4, vm0, $0xb8;
	[tilespmem:$0x10800] =	vst v63  }
0x162: {  	v3 =	vadd.s32 v1, v3  }
0x163: {  	[tilespmem:s31], [sflag:$0x1] =	stream.indirect_vreg.gather [hbm4b:s6+s3], $0x80, v4, vm0, $0xb8;
	[tilespmem:$0x10800] =	vst v63  }
0x164: {  	_ = 	snop  }
0x165: {  	[tilespmem:s22], [sflag:$0x1] =	stream.indirect_vreg.gather [hbm4b:s7+s3], $0x80, v4, vm0, $0xb8;
	[tilespmem:$0x10800] =	vst v63  }
0x166: {  	_ = 	snop  }
0x167: {  	[tilespmem:s0], [sflag:$0x1] =	stream.indirect_vreg.gather [hbm4b:s26+s3], $0x80, v3, vm0, $0xb8;
	[tilespmem:$0x10800] =	vst v63  }
0x168: {  	_ = 	snop  }
0x169: {  	[tilespmem:s16], [sflag:$0x1] =	stream.indirect_vreg.gather [hbm4b:s5+s3], $0x80, v3, vm0, $0xb8;
	[tilespmem:$0x10800] =	vst v63  }
0x16a: {  	_ = 	snop  }
0x16b: {  	[tilespmem:s18], [sflag:$0x1] =	stream.indirect_vreg.gather [hbm4b:s6+s3], $0x80, v3, vm0, $0xb8;
	[tilespmem:$0x10800] =	vst v63  }
0x16c: {  	_ = 	snop  }
0x16d: {  	[tilespmem:s19], [sflag:$0x1] =	stream.indirect_vreg.gather [hbm4b:s7+s3], $0x80, v3, vm0, $0xb8;
	[tilespmem:$0x10800] =	vst v63  }
0x16e: {  	v3 =	vld [tilespmem:$0x210];
	_ =	sdelay $0x4  }
0x16f: {  	v47 =	vshll.u32 v3, $0x3  }
0x170: {  	v3 =	vand.u32 $0x7, v3;
	v4 =	vand.u32 $0xFFFFFFC0, v47  }
0x171: {  	v3 =	vor.u32 v3, v4  }
0x172: {  	v4 =	vperm.xlane v3, v0;
	_ =	sdelay $0x1  }
0x173: {  	v4 =	vadd.s32 v1, v4;
	_ =	sdelay $0x4  }
0x174: {  	[tilespmem:s1], [sflag:$0x1] =	stream.indirect_vreg.gather [hbm4b:s26+s3], $0x80, v4, vm0, $0xb8;
	[tilespmem:$0x10800] =	vst v63  }
0x175: {  	v3 =	vperm.xlane v3, v2  }
0x176: {  	[tilespmem:s2], [sflag:$0x1] =	stream.indirect_vreg.gather [hbm4b:s5+s3], $0x80, v4, vm0, $0xb8;
	[tilespmem:$0x10800] =	vst v63  }
0x177: {  	v3 =	vadd.s32 v1, v3  }
0x178: {  	[tilespmem:s11], [sflag:$0x1] =	stream.indirect_vreg.gather [hbm4b:s6+s3], $0x80, v4, vm0, $0xb8;
	[tilespmem:$0x10800] =	vst v63  }
0x179: {  	_ = 	snop  }
0x17a: {  	[tilespmem:s12], [sflag:$0x1] =	stream.indirect_vreg.gather [hbm4b:s7+s3], $0x80, v4, vm0, $0xb8;
	[tilespmem:$0x10800] =	vst v63  }
0x17b: {  	_ = 	snop  }
0x17c: {  	[tilespmem:s13], [sflag:$0x1] =	stream.indirect_vreg.gather [hbm4b:s26+s3], $0x80, v3, vm0, $0xb8;
	[tilespmem:$0x10800] =	vst v63  }
0x17d: {  	_ = 	snop  }
0x17e: {  	[tilespmem:s14], [sflag:$0x1] =	stream.indirect_vreg.gather [hbm4b:s5+s3], $0x80, v3, vm0, $0xb8;
	[tilespmem:$0x10800] =	vst v63  }
0x17f: {  	_ = 	snop  }
0x180: {  	[tilespmem:s23], [sflag:$0x1] =	stream.indirect_vreg.gather [hbm4b:s6+s3], $0x80, v3, vm0, $0xb8;
	[tilespmem:$0x10800] =	vst v63  }
0x181: {  	_ = 	snop  }
0x182: {  	[tilespmem:s24], [sflag:$0x1] =	stream.indirect_vreg.gather [hbm4b:s7+s3], $0x80, v3, vm0, $0xb8;
	[tilespmem:$0x10800] =	vst v63  }
0x183: {  	_ =	swait.ge [sflag:s28], $0x8000  }
0x184: {  	[sflag:s28] =	ssyncset.done $0x0  }
0x185: {  	[sflag:s28] =	ssyncadd.s32 $0xFFFF8000  }
0x186: {  	v3 =	vld [tilespmem:$0x580];
	_ =	sdelay $0x4  }
0x187: {  	v48 =	vshll.u32 v3, $0x3  }
0x188: {  	v3 =	vand.u32 $0x7, v3;
	v4 =	vand.u32 $0xFFFFFFC0, v48  }
0x189: {  	v3 =	vor.u32 v3, v4  }
0x18a: {  	v4 =	vperm.xlane v3, v0;
	_ =	sdelay $0x1  }
0x18b: {  	v4 =	vadd.s32 v1, v4;
	_ =	sdelay $0x3  }
0x18c: {  	s1 =	simm.s32 $0x8800  }
0x18d: {  	[hbm4b:s4+s3] =	stream.indirect_vreg.scatter [tilespmem:s1], [sflag:$0x4], $0x80, v4, vm0, $0xb8;
	[tilespmem:$0x10800] =	vst v63  }
0x18e: {  	s14 =	simm.s32 $0x9000;
	v3 =	vperm.xlane v3, v2  }
0x18f: {  	[hbm4b:s8+s3] =	stream.indirect_vreg.scatter [tilespmem:s14], [sflag:$0x4], $0x80, v4, vm0, $0xb8;
	[tilespmem:$0x10800] =	vst v63  }
0x190: {  	s22 =	simm.s32 $0x9800;
	v3 =	vadd.s32 v1, v3  }
0x191: {  	[hbm4b:s9+s3] =	stream.indirect_vreg.scatter [tilespmem:s22], [sflag:$0x4], $0x80, v4, vm0, $0xb8;
	[tilespmem:$0x10800] =	vst v63  }
0x192: {  	s24 =	simm.s32 $0xA000  }
0x193: {  	[hbm4b:s10+s3] =	stream.indirect_vreg.scatter [tilespmem:s24], [sflag:$0x4], $0x80, v4, vm0, $0xb8;
	[tilespmem:$0x10800] =	vst v63  }
0x194: {  	s20 =	simm.s32 $0xA800  }
0x195: {  	[hbm4b:s4+s3] =	stream.indirect_vreg.scatter [tilespmem:s20], [sflag:$0x4], $0x80, v3, vm0, $0xb8;
	[tilespmem:$0x10800] =	vst v63  }
0x196: {  	s19 =	simm.s32 $0xB000  }
0x197: {  	[hbm4b:s8+s3] =	stream.indirect_vreg.scatter [tilespmem:s19], [sflag:$0x4], $0x80, v3, vm0, $0xb8;
	[tilespmem:$0x10800] =	vst v63  }
0x198: {  	s0 =	simm.s32 $0xB800  }
0x199: {  	[hbm4b:s9+s3] =	stream.indirect_vreg.scatter [tilespmem:s0], [sflag:$0x4], $0x80, v3, vm0, $0xb8;
	[tilespmem:$0x10800] =	vst v63  }
0x19a: {  	s16 =	simm.s32 $0xC000  }
0x19b: {  	[hbm4b:s10+s3] =	stream.indirect_vreg.scatter [tilespmem:s16], [sflag:$0x4], $0x80, v3, vm0, $0xb8;
	[tilespmem:$0x10800] =	vst v63  }
0x19c: {  	v3 =	vld [tilespmem:$0x590];
	_ =	sdelay $0x4  }
0x19d: {  	v49 =	vshll.u32 v3, $0x3  }
0x19e: {  	v3 =	vand.u32 $0x7, v3;
	v4 =	vand.u32 $0xFFFFFFC0, v49  }
0x19f: {  	v3 =	vor.u32 v3, v4  }
0x1a0: {  	v4 =	vperm.xlane v3, v0;
	_ =	sdelay $0x1  }
0x1a1: {  	v4 =	vadd.s32 v1, v4;
	_ =	sdelay $0x3  }
0x1a2: {  	s18 =	simm.s32 $0xC800  }
0x1a3: {  	[hbm4b:s4+s3] =	stream.indirect_vreg.scatter [tilespmem:s18], [sflag:$0x4], $0x80, v4, vm0, $0xb8;
	[tilespmem:$0x10800] =	vst v63  }
0x1a4: {  	s17 =	simm.s32 $0xD000;
	v3 =	vperm.xlane v3, v2  }
0x1a5: {  	[hbm4b:s8+s3] =	stream.indirect_vreg.scatter [tilespmem:s17], [sflag:$0x4], $0x80, v4, vm0, $0xb8;
	[tilespmem:$0x10800] =	vst v63  }
0x1a6: {  	s23 =	simm.s32 $0xD800;
	v3 =	vadd.s32 v1, v3  }
0x1a7: {  	[hbm4b:s9+s3] =	stream.indirect_vreg.scatter [tilespmem:s23], [sflag:$0x4], $0x80, v4, vm0, $0xb8;
	[tilespmem:$0x10800] =	vst v63  }
0x1a8: {  	s2 =	simm.s32 $0xE000  }
0x1a9: {  	[hbm4b:s10+s3] =	stream.indirect_vreg.scatter [tilespmem:s2], [sflag:$0x4], $0x80, v4, vm0, $0xb8;
	[tilespmem:$0x10800] =	vst v63  }
0x1aa: {  	s12 =	simm.s32 $0xE800  }
0x1ab: {  	[hbm4b:s4+s3] =	stream.indirect_vreg.scatter [tilespmem:s12], [sflag:$0x4], $0x80, v3, vm0, $0xb8;
	[tilespmem:$0x10800] =	vst v63  }
0x1ac: {  	s11 =	simm.s32 $0xF000  }
0x1ad: {  	[hbm4b:s8+s3] =	stream.indirect_vreg.scatter [tilespmem:s11], [sflag:$0x4], $0x80, v3, vm0, $0xb8;
	[tilespmem:$0x10800] =	vst v63  }
0x1ae: {  	s13 =	simm.s32 $0xF800  }
0x1af: {  	[hbm4b:s9+s3] =	stream.indirect_vreg.scatter [tilespmem:s13], [sflag:$0x4], $0x80, v3, vm0, $0xb8;
	[tilespmem:$0x10800] =	vst v63  }
0x1b0: {  	s21 =	simm.s32 $0x10000  }
0x1b1: {  	[hbm4b:s10+s3] =	stream.indirect_vreg.scatter [tilespmem:s21], [sflag:$0x4], $0x80, v3, vm0, $0xb8;
	[tilespmem:$0x10800] =	vst v63  }
0x1b2: {  	_ =	swait.ge [sflag:s25], $0x8000  }
0x1b3: {  	[sflag:s25] =	ssyncset.done $0x0  }
0x1b4: {  	[sflag:s25] =	ssyncadd.s32 $0xFFFF8000  }
0x1b5: {  	v3 =	vld [tilespmem:$0x280];
	_ =	sdelay $0x4  }
0x1b6: {  	v50 =	vshll.u32 v3, $0x3  }
0x1b7: {  	v3 =	vand.u32 $0x7, v3;
	v4 =	vand.u32 $0xFFFFFFC0, v50  }
0x1b8: {  	v3 =	vor.u32 v3, v4  }
0x1b9: {  	v4 =	vperm.xlane v3, v0;
	_ =	sdelay $0x1  }
0x1ba: {  	v4 =	vadd.s32 v1, v4;
	_ =	sdelay $0x4  }
0x1bb: {  	[tilespmem:s1], [sflag:$0x2] =	stream.indirect_vreg.gather [hbm4b:s26+s3], $0x80, v4, vm0, $0xb8;
	[tilespmem:$0x10800] =	vst v63  }
0x1bc: {  	v3 =	vperm.xlane v3, v2  }
0x1bd: {  	[tilespmem:s14], [sflag:$0x2] =	stream.indirect_vreg.gather [hbm4b:s5+s3], $0x80, v4, vm0, $0xb8;
	[tilespmem:$0x10800] =	vst v63  }
0x1be: {  	v3 =	vadd.s32 v1, v3  }
0x1bf: {  	[tilespmem:s22], [sflag:$0x2] =	stream.indirect_vreg.gather [hbm4b:s6+s3], $0x80, v4, vm0, $0xb8;
	[tilespmem:$0x10800] =	vst v63  }
0x1c0: {  	_ = 	snop  }
0x1c1: {  	[tilespmem:s24], [sflag:$0x2] =	stream.indirect_vreg.gather [hbm4b:s7+s3], $0x80, v4, vm0, $0xb8;
	[tilespmem:$0x10800] =	vst v63  }
0x1c2: {  	_ = 	snop  }
0x1c3: {  	[tilespmem:s20], [sflag:$0x2] =	stream.indirect_vreg.gather [hbm4b:s26+s3], $0x80, v3, vm0, $0xb8;
	[tilespmem:$0x10800] =	vst v63  }
0x1c4: {  	_ = 	snop  }
0x1c5: {  	[tilespmem:s19], [sflag:$0x2] =	stream.indirect_vreg.gather [hbm4b:s5+s3], $0x80, v3, vm0, $0xb8;
	[tilespmem:$0x10800] =	vst v63  }
0x1c6: {  	_ = 	snop  }
0x1c7: {  	[tilespmem:s0], [sflag:$0x2] =	stream.indirect_vreg.gather [hbm4b:s6+s3], $0x80, v3, vm0, $0xb8;
	[tilespmem:$0x10800] =	vst v63  }
0x1c8: {  	_ = 	snop  }
0x1c9: {  	[tilespmem:s16], [sflag:$0x2] =	stream.indirect_vreg.gather [hbm4b:s7+s3], $0x80, v3, vm0, $0xb8;
	[tilespmem:$0x10800] =	vst v63  }
0x1ca: {  	v3 =	vld [tilespmem:$0x290];
	_ =	sdelay $0x4  }
0x1cb: {  	v51 =	vshll.u32 v3, $0x3  }
0x1cc: {  	v3 =	vand.u32 $0x7, v3;
	v4 =	vand.u32 $0xFFFFFFC0, v51  }
0x1cd: {  	v3 =	vor.u32 v3, v4  }
0x1ce: {  	v4 =	vperm.xlane v3, v0;
	_ =	sdelay $0x1  }
0x1cf: {  	v4 =	vadd.s32 v1, v4;
	_ =	sdelay $0x4  }
0x1d0: {  	[tilespmem:s18], [sflag:$0x2] =	stream.indirect_vreg.gather [hbm4b:s26+s3], $0x80, v4, vm0, $0xb8;
	[tilespmem:$0x10800] =	vst v63  }
0x1d1: {  	v3 =	vperm.xlane v3, v2  }
0x1d2: {  	[tilespmem:s17], [sflag:$0x2] =	stream.indirect_vreg.gather [hbm4b:s5+s3], $0x80, v4, vm0, $0xb8;
	[tilespmem:$0x10800] =	vst v63  }
0x1d3: {  	v3 =	vadd.s32 v1, v3  }
0x1d4: {  	[tilespmem:s23], [sflag:$0x2] =	stream.indirect_vreg.gather [hbm4b:s6+s3], $0x80, v4, vm0, $0xb8;
	[tilespmem:$0x10800] =	vst v63  }
0x1d5: {  	_ = 	snop  }
0x1d6: {  	[tilespmem:s2], [sflag:$0x2] =	stream.indirect_vreg.gather [hbm4b:s7+s3], $0x80, v4, vm0, $0xb8;
	[tilespmem:$0x10800] =	vst v63  }
0x1d7: {  	_ = 	snop  }
0x1d8: {  	[tilespmem:s12], [sflag:$0x2] =	stream.indirect_vreg.gather [hbm4b:s26+s3], $0x80, v3, vm0, $0xb8;
	[tilespmem:$0x10800] =	vst v63  }
0x1d9: {  	_ = 	snop  }
0x1da: {  	[tilespmem:s11], [sflag:$0x2] =	stream.indirect_vreg.gather [hbm4b:s5+s3], $0x80, v3, vm0, $0xb8;
	[tilespmem:$0x10800] =	vst v63  }
0x1db: {  	_ = 	snop  }
0x1dc: {  	[tilespmem:s13], [sflag:$0x2] =	stream.indirect_vreg.gather [hbm4b:s6+s3], $0x80, v3, vm0, $0xb8;
	[tilespmem:$0x10800] =	vst v63  }
0x1dd: {  	_ = 	snop  }
0x1de: {  	[tilespmem:s21], [sflag:$0x2] =	stream.indirect_vreg.gather [hbm4b:s7+s3], $0x80, v3, vm0, $0xb8;
	[tilespmem:$0x10800] =	vst v63  }
0x1df: {  	_ =	swait.ge [sflag:s29], $0x8000  }
0x1e0: {  	[sflag:s29] =	ssyncset.done $0x0  }
0x1e1: {  	[sflag:s29] =	ssyncadd.s32 $0xFFFF8000  }
0x1e2: {  	v3 =	vld [tilespmem:$0x600];
	_ =	sdelay $0x4  }
0x1e3: {  	v52 =	vshll.u32 v3, $0x3  }
0x1e4: {  	v3 =	vand.u32 $0x7, v3;
	v4 =	vand.u32 $0xFFFFFFC0, v52  }
0x1e5: {  	v3 =	vor.u32 v3, v4  }
0x1e6: {  	v4 =	vperm.xlane v3, v0;
	_ =	sdelay $0x1  }
0x1e7: {  	v4 =	vadd.s32 v1, v4;
	_ =	sdelay $0x3  }
0x1e8: {  	s20 =	simm.s32 $0x800  }
0x1e9: {  	[hbm4b:s4+s3] =	stream.indirect_vreg.scatter [tilespmem:s20], [sflag:$0x3], $0x80, v4, vm0, $0xb8;
	[tilespmem:$0x10800] =	vst v63  }
0x1ea: {  	s0 =	simm.s32 $0x1000;
	v3 =	vperm.xlane v3, v2  }
0x1eb: {  	[hbm4b:s8+s3] =	stream.indirect_vreg.scatter [tilespmem:s0], [sflag:$0x3], $0x80, v4, vm0, $0xb8;
	[tilespmem:$0x10800] =	vst v63  }
0x1ec: {  	v3 =	vadd.s32 v1, v3  }
0x1ed: {  	[hbm4b:s9+s3] =	stream.indirect_vreg.scatter [tilespmem:s31], [sflag:$0x3], $0x80, v4, vm0, $0xb8;
	[tilespmem:$0x10800] =	vst v63  }
0x1ee: {  	s23 =	simm.s32 $0x2000  }
0x1ef: {  	[hbm4b:s10+s3] =	stream.indirect_vreg.scatter [tilespmem:s23], [sflag:$0x3], $0x80, v4, vm0, $0xb8;
	[tilespmem:$0x10800] =	vst v63  }
0x1f0: {  	s1 =	simm.s32 $0x2800  }
0x1f1: {  	[hbm4b:s4+s3] =	stream.indirect_vreg.scatter [tilespmem:s1], [sflag:$0x3], $0x80, v3, vm0, $0xb8;
	[tilespmem:$0x10800] =	vst v63  }
0x1f2: {  	s2 =	simm.s32 $0x3000  }
0x1f3: {  	[hbm4b:s8+s3] =	stream.indirect_vreg.scatter [tilespmem:s2], [sflag:$0x3], $0x80, v3, vm0, $0xb8;
	[tilespmem:$0x10800] =	vst v63  }
0x1f4: {  	s17 =	simm.s32 $0x3800  }
0x1f5: {  	[hbm4b:s9+s3] =	stream.indirect_vreg.scatter [tilespmem:s17], [sflag:$0x3], $0x80, v3, vm0, $0xb8;
	[tilespmem:$0x10800] =	vst v63  }
0x1f6: {  	s18 =	simm.s32 $0x4000  }
0x1f7: {  	[hbm4b:s10+s3] =	stream.indirect_vreg.scatter [tilespmem:s18], [sflag:$0x3], $0x80, v3, vm0, $0xb8;
	[tilespmem:$0x10800] =	vst v63  }
0x1f8: {  	v3 =	vld [tilespmem:$0x610];
	_ =	sdelay $0x4  }
0x1f9: {  	v53 =	vshll.u32 v3, $0x3  }
0x1fa: {  	v3 =	vand.u32 $0x7, v3;
	v4 =	vand.u32 $0xFFFFFFC0, v53  }
0x1fb: {  	v3 =	vor.u32 v3, v4  }
0x1fc: {  	v4 =	vperm.xlane v3, v0;
	_ =	sdelay $0x1  }
0x1fd: {  	v4 =	vadd.s32 v1, v4;
	_ =	sdelay $0x3  }
0x1fe: {  	s19 =	simm.s32 $0x4800  }
0x1ff: {  	[hbm4b:s4+s3] =	stream.indirect_vreg.scatter [tilespmem:s19], [sflag:$0x3], $0x80, v4, vm0, $0xb8;
	[tilespmem:$0x10800] =	vst v63  }
0x200: {  	s11 =	simm.s32 $0x5000;
	v3 =	vperm.xlane v3, v2  }
0x201: {  	[hbm4b:s8+s3] =	stream.indirect_vreg.scatter [tilespmem:s11], [sflag:$0x3], $0x80, v4, vm0, $0xb8;
	[tilespmem:$0x10800] =	vst v63  }
0x202: {  	s12 =	simm.s32 $0x5800;
	v3 =	vadd.s32 v1, v3  }
0x203: {  	[hbm4b:s9+s3] =	stream.indirect_vreg.scatter [tilespmem:s12], [sflag:$0x3], $0x80, v4, vm0, $0xb8;
	[tilespmem:$0x10800] =	vst v63  }
0x204: {  	s13 =	simm.s32 $0x6000  }
0x205: {  	[hbm4b:s10+s3] =	stream.indirect_vreg.scatter [tilespmem:s13], [sflag:$0x3], $0x80, v4, vm0, $0xb8;
	[tilespmem:$0x10800] =	vst v63  }
0x206: {  	s14 =	simm.s32 $0x6800  }
0x207: {  	[hbm4b:s4+s3] =	stream.indirect_vreg.scatter [tilespmem:s14], [sflag:$0x3], $0x80, v3, vm0, $0xb8;
	[tilespmem:$0x10800] =	vst v63  }
0x208: {  	s15 =	simm.s32 $0x7000  }
0x209: {  	[hbm4b:s8+s3] =	stream.indirect_vreg.scatter [tilespmem:s15], [sflag:$0x3], $0x80, v3, vm0, $0xb8;
	[tilespmem:$0x10800] =	vst v63  }
0x20a: {  	s22 =	simm.s32 $0x7800  }
0x20b: {  	[hbm4b:s9+s3] =	stream.indirect_vreg.scatter [tilespmem:s22], [sflag:$0x3], $0x80, v3, vm0, $0xb8;
	[tilespmem:$0x10800] =	vst v63  }
0x20c: {  	s21 =	simm.s32 $0x8000  }
0x20d: {  	[hbm4b:s10+s3] =	stream.indirect_vreg.scatter [tilespmem:s21], [sflag:$0x3], $0x80, v3, vm0, $0xb8;
	[tilespmem:$0x10800] =	vst v63  }
0x20e: {  	_ =	swait.ge [sflag:s30], $0x8000  }
0x20f: {  	[sflag:s30] =	ssyncset.done $0x0  }
0x210: {  	[sflag:s30] =	ssyncadd.s32 $0xFFFF8000  }
0x211: {  	v3 =	vld [tilespmem:$0x300];
	_ =	sdelay $0x4  }
0x212: {  	v54 =	vshll.u32 v3, $0x3  }
0x213: {  	v3 =	vand.u32 $0x7, v3;
	v4 =	vand.u32 $0xFFFFFFC0, v54  }
0x214: {  	v3 =	vor.u32 v3, v4  }
0x215: {  	v4 =	vperm.xlane v3, v0;
	_ =	sdelay $0x1  }
0x216: {  	v4 =	vadd.s32 v1, v4;
	_ =	sdelay $0x4  }
0x217: {  	[tilespmem:s20], [sflag:$0x1] =	stream.indirect_vreg.gather [hbm4b:s26+s3], $0x80, v4, vm0, $0xb8;
	[tilespmem:$0x10800] =	vst v63  }
0x218: {  	v3 =	vperm.xlane v3, v2  }
0x219: {  	[tilespmem:s0], [sflag:$0x1] =	stream.indirect_vreg.gather [hbm4b:s5+s3], $0x80, v4, vm0, $0xb8;
	[tilespmem:$0x10800] =	vst v63  }
0x21a: {  	v3 =	vadd.s32 v1, v3  }
0x21b: {  	[tilespmem:s31], [sflag:$0x1] =	stream.indirect_vreg.gather [hbm4b:s6+s3], $0x80, v4, vm0, $0xb8;
	[tilespmem:$0x10800] =	vst v63  }
0x21c: {  	_ = 	snop  }
0x21d: {  	[tilespmem:s23], [sflag:$0x1] =	stream.indirect_vreg.gather [hbm4b:s7+s3], $0x80, v4, vm0, $0xb8;
	[tilespmem:$0x10800] =	vst v63  }
0x21e: {  	_ = 	snop  }
0x21f: {  	[tilespmem:s1], [sflag:$0x1] =	stream.indirect_vreg.gather [hbm4b:s26+s3], $0x80, v3, vm0, $0xb8;
	[tilespmem:$0x10800] =	vst v63  }
0x220: {  	_ = 	snop  }
0x221: {  	[tilespmem:s2], [sflag:$0x1] =	stream.indirect_vreg.gather [hbm4b:s5+s3], $0x80, v3, vm0, $0xb8;
	[tilespmem:$0x10800] =	vst v63  }
0x222: {  	_ = 	snop  }
0x223: {  	[tilespmem:s17], [sflag:$0x1] =	stream.indirect_vreg.gather [hbm4b:s6+s3], $0x80, v3, vm0, $0xb8;
	[tilespmem:$0x10800] =	vst v63  }
0x224: {  	_ = 	snop  }
0x225: {  	[tilespmem:s18], [sflag:$0x1] =	stream.indirect_vreg.gather [hbm4b:s7+s3], $0x80, v3, vm0, $0xb8;
	[tilespmem:$0x10800] =	vst v63  }
0x226: {  	v3 =	vld [tilespmem:$0x310];
	_ =	sdelay $0x4  }
0x227: {  	v55 =	vshll.u32 v3, $0x3  }
0x228: {  	v3 =	vand.u32 $0x7, v3;
	v4 =	vand.u32 $0xFFFFFFC0, v55  }
0x229: {  	v3 =	vor.u32 v3, v4  }
0x22a: {  	v4 =	vperm.xlane v3, v0;
	_ =	sdelay $0x1  }
0x22b: {  	v4 =	vadd.s32 v1, v4;
	_ =	sdelay $0x4  }
0x22c: {  	[tilespmem:s19], [sflag:$0x1] =	stream.indirect_vreg.gather [hbm4b:s26+s3], $0x80, v4, vm0, $0xb8;
	[tilespmem:$0x10800] =	vst v63  }
0x22d: {  	v3 =	vperm.xlane v3, v2  }
0x22e: {  	[tilespmem:s11], [sflag:$0x1] =	stream.indirect_vreg.gather [hbm4b:s5+s3], $0x80, v4, vm0, $0xb8;
	[tilespmem:$0x10800] =	vst v63  }
0x22f: {  	v3 =	vadd.s32 v1, v3  }
0x230: {  	[tilespmem:s12], [sflag:$0x1] =	stream.indirect_vreg.gather [hbm4b:s6+s3], $0x80, v4, vm0, $0xb8;
	[tilespmem:$0x10800] =	vst v63  }
0x231: {  	_ = 	snop  }
0x232: {  	[tilespmem:s13], [sflag:$0x1] =	stream.indirect_vreg.gather [hbm4b:s7+s3], $0x80, v4, vm0, $0xb8;
	[tilespmem:$0x10800] =	vst v63  }
0x233: {  	_ = 	snop  }
0x234: {  	[tilespmem:s14], [sflag:$0x1] =	stream.indirect_vreg.gather [hbm4b:s26+s3], $0x80, v3, vm0, $0xb8;
	[tilespmem:$0x10800] =	vst v63  }
0x235: {  	_ = 	snop  }
0x236: {  	[tilespmem:s15], [sflag:$0x1] =	stream.indirect_vreg.gather [hbm4b:s5+s3], $0x80, v3, vm0, $0xb8;
	[tilespmem:$0x10800] =	vst v63  }
0x237: {  	_ = 	snop  }
0x238: {  	[tilespmem:s22], [sflag:$0x1] =	stream.indirect_vreg.gather [hbm4b:s6+s3], $0x80, v3, vm0, $0xb8;
	[tilespmem:$0x10800] =	vst v63  }
0x239: {  	_ = 	snop  }
0x23a: {  	[tilespmem:s21], [sflag:$0x1] =	stream.indirect_vreg.gather [hbm4b:s7+s3], $0x80, v3, vm0, $0xb8;
	[tilespmem:$0x10800] =	vst v63  }
0x23b: {  	_ =	swait.ge [sflag:s28], $0x8000  }
0x23c: {  	[sflag:s28] =	ssyncset.done $0x0  }
0x23d: {  	[sflag:s28] =	ssyncadd.s32 $0xFFFF8000  }
0x23e: {  	v3 =	vld [tilespmem:$0x680];
	_ =	sdelay $0x4  }
0x23f: {  	v56 =	vshll.u32 v3, $0x3  }
0x240: {  	v3 =	vand.u32 $0x7, v3;
	v4 =	vand.u32 $0xFFFFFFC0, v56  }
0x241: {  	v3 =	vor.u32 v3, v4  }
0x242: {  	v4 =	vperm.xlane v3, v0;
	_ =	sdelay $0x1  }
0x243: {  	v4 =	vadd.s32 v1, v4;
	_ =	sdelay $0x3  }
0x244: {  	s14 =	simm.s32 $0x8800  }
0x245: {  	[hbm4b:s4+s3] =	stream.indirect_vreg.scatter [tilespmem:s14], [sflag:$0x4], $0x80, v4, vm0, $0xb8;
	[tilespmem:$0x10800] =	vst v63  }
0x246: {  	s1 =	simm.s32 $0x9000;
	v3 =	vperm.xlane v3, v2  }
0x247: {  	[hbm4b:s8+s3] =	stream.indirect_vreg.scatter [tilespmem:s1], [sflag:$0x4], $0x80, v4, vm0, $0xb8;
	[tilespmem:$0x10800] =	vst v63  }
0x248: {  	s15 =	simm.s32 $0x9800;
	v3 =	vadd.s32 v1, v3  }
0x249: {  	[hbm4b:s9+s3] =	stream.indirect_vreg.scatter [tilespmem:s15], [sflag:$0x4], $0x80, v4, vm0, $0xb8;
	[tilespmem:$0x10800] =	vst v63  }
0x24a: {  	s24 =	simm.s32 $0xA000  }
0x24b: {  	[hbm4b:s10+s3] =	stream.indirect_vreg.scatter [tilespmem:s24], [sflag:$0x4], $0x80, v4, vm0, $0xb8;
	[tilespmem:$0x10800] =	vst v63  }
0x24c: {  	s20 =	simm.s32 $0xA800  }
0x24d: {  	[hbm4b:s4+s3] =	stream.indirect_vreg.scatter [tilespmem:s20], [sflag:$0x4], $0x80, v3, vm0, $0xb8;
	[tilespmem:$0x10800] =	vst v63  }
0x24e: {  	s19 =	simm.s32 $0xB000  }
0x24f: {  	[hbm4b:s8+s3] =	stream.indirect_vreg.scatter [tilespmem:s19], [sflag:$0x4], $0x80, v3, vm0, $0xb8;
	[tilespmem:$0x10800] =	vst v63  }
0x250: {  	s0 =	simm.s32 $0xB800  }
0x251: {  	[hbm4b:s9+s3] =	stream.indirect_vreg.scatter [tilespmem:s0], [sflag:$0x4], $0x80, v3, vm0, $0xb8;
	[tilespmem:$0x10800] =	vst v63  }
0x252: {  	s16 =	simm.s32 $0xC000  }
0x253: {  	[hbm4b:s10+s3] =	stream.indirect_vreg.scatter [tilespmem:s16], [sflag:$0x4], $0x80, v3, vm0, $0xb8;
	[tilespmem:$0x10800] =	vst v63  }
0x254: {  	v3 =	vld [tilespmem:$0x690];
	_ =	sdelay $0x4  }
0x255: {  	v57 =	vshll.u32 v3, $0x3  }
0x256: {  	v3 =	vand.u32 $0x7, v3;
	v4 =	vand.u32 $0xFFFFFFC0, v57  }
0x257: {  	v3 =	vor.u32 v3, v4  }
0x258: {  	v4 =	vperm.xlane v3, v0;
	_ =	sdelay $0x1  }
0x259: {  	v4 =	vadd.s32 v1, v4;
	_ =	sdelay $0x3  }
0x25a: {  	s18 =	simm.s32 $0xC800  }
0x25b: {  	[hbm4b:s4+s3] =	stream.indirect_vreg.scatter [tilespmem:s18], [sflag:$0x4], $0x80, v4, vm0, $0xb8;
	[tilespmem:$0x10800] =	vst v63  }
0x25c: {  	s17 =	simm.s32 $0xD000;
	v3 =	vperm.xlane v3, v2  }
0x25d: {  	[hbm4b:s8+s3] =	stream.indirect_vreg.scatter [tilespmem:s17], [sflag:$0x4], $0x80, v4, vm0, $0xb8;
	[tilespmem:$0x10800] =	vst v63  }
0x25e: {  	s21 =	simm.s32 $0xD800;
	v3 =	vadd.s32 v1, v3  }
0x25f: {  	[hbm4b:s9+s3] =	stream.indirect_vreg.scatter [tilespmem:s21], [sflag:$0x4], $0x80, v4, vm0, $0xb8;
	[tilespmem:$0x10800] =	vst v63  }
0x260: {  	s2 =	simm.s32 $0xE000  }
0x261: {  	[hbm4b:s10+s3] =	stream.indirect_vreg.scatter [tilespmem:s2], [sflag:$0x4], $0x80, v4, vm0, $0xb8;
	[tilespmem:$0x10800] =	vst v63  }
0x262: {  	s12 =	simm.s32 $0xE800  }
0x263: {  	[hbm4b:s4+s3] =	stream.indirect_vreg.scatter [tilespmem:s12], [sflag:$0x4], $0x80, v3, vm0, $0xb8;
	[tilespmem:$0x10800] =	vst v63  }
0x264: {  	s11 =	simm.s32 $0xF000  }
0x265: {  	[hbm4b:s8+s3] =	stream.indirect_vreg.scatter [tilespmem:s11], [sflag:$0x4], $0x80, v3, vm0, $0xb8;
	[tilespmem:$0x10800] =	vst v63  }
0x266: {  	s13 =	simm.s32 $0xF800  }
0x267: {  	[hbm4b:s9+s3] =	stream.indirect_vreg.scatter [tilespmem:s13], [sflag:$0x4], $0x80, v3, vm0, $0xb8;
	[tilespmem:$0x10800] =	vst v63  }
0x268: {  	s22 =	simm.s32 $0x10000  }
0x269: {  	[hbm4b:s10+s3] =	stream.indirect_vreg.scatter [tilespmem:s22], [sflag:$0x4], $0x80, v3, vm0, $0xb8;
	[tilespmem:$0x10800] =	vst v63  }
0x26a: {  	_ =	swait.ge [sflag:s25], $0x8000  }
0x26b: {  	[sflag:s25] =	ssyncset.done $0x0  }
0x26c: {  	[sflag:s25] =	ssyncadd.s32 $0xFFFF8000  }
0x26d: {  	v3 =	vld [tilespmem:$0x380];
	_ =	sdelay $0x4  }
0x26e: {  	v58 =	vshll.u32 v3, $0x3  }
0x26f: {  	v3 =	vand.u32 $0x7, v3;
	v4 =	vand.u32 $0xFFFFFFC0, v58  }
0x270: {  	v3 =	vor.u32 v3, v4  }
0x271: {  	v4 =	vperm.xlane v3, v0;
	_ =	sdelay $0x1  }
0x272: {  	v4 =	vadd.s32 v1, v4;
	_ =	sdelay $0x4  }
0x273: {  	[tilespmem:s14], [sflag:$0x2] =	stream.indirect_vreg.gather [hbm4b:s26+s3], $0x80, v4, vm0, $0xb8;
	[tilespmem:$0x10800] =	vst v63  }
0x274: {  	v3 =	vperm.xlane v3, v2  }
0x275: {  	[tilespmem:s1], [sflag:$0x2] =	stream.indirect_vreg.gather [hbm4b:s5+s3], $0x80, v4, vm0, $0xb8;
	[tilespmem:$0x10800] =	vst v63  }
0x276: {  	v3 =	vadd.s32 v1, v3  }
0x277: {  	[tilespmem:s15], [sflag:$0x2] =	stream.indirect_vreg.gather [hbm4b:s6+s3], $0x80, v4, vm0, $0xb8;
	[tilespmem:$0x10800] =	vst v63  }
0x278: {  	_ = 	snop  }
0x279: {  	[tilespmem:s24], [sflag:$0x2] =	stream.indirect_vreg.gather [hbm4b:s7+s3], $0x80, v4, vm0, $0xb8;
	[tilespmem:$0x10800] =	vst v63  }
0x27a: {  	_ = 	snop  }
0x27b: {  	[tilespmem:s20], [sflag:$0x2] =	stream.indirect_vreg.gather [hbm4b:s26+s3], $0x80, v3, vm0, $0xb8;
	[tilespmem:$0x10800] =	vst v63  }
0x27c: {  	_ = 	snop  }
0x27d: {  	[tilespmem:s19], [sflag:$0x2] =	stream.indirect_vreg.gather [hbm4b:s5+s3], $0x80, v3, vm0, $0xb8;
	[tilespmem:$0x10800] =	vst v63  }
0x27e: {  	_ = 	snop  }
0x27f: {  	[tilespmem:s0], [sflag:$0x2] =	stream.indirect_vreg.gather [hbm4b:s6+s3], $0x80, v3, vm0, $0xb8;
	[tilespmem:$0x10800] =	vst v63  }
0x280: {  	_ = 	snop  }
0x281: {  	[tilespmem:s16], [sflag:$0x2] =	stream.indirect_vreg.gather [hbm4b:s7+s3], $0x80, v3, vm0, $0xb8;
	[tilespmem:$0x10800] =	vst v63  }
0x282: {  	v3 =	vld [tilespmem:$0x390];
	_ =	sdelay $0x4  }
0x283: {  	v59 =	vshll.u32 v3, $0x3  }
0x284: {  	v3 =	vand.u32 $0x7, v3;
	v4 =	vand.u32 $0xFFFFFFC0, v59  }
0x285: {  	v3 =	vor.u32 v3, v4  }
0x286: {  	v4 =	vperm.xlane v3, v0;
	_ =	sdelay $0x1  }
0x287: {  	v4 =	vadd.s32 v1, v4;
	_ =	sdelay $0x4  }
0x288: {  	[tilespmem:s18], [sflag:$0x2] =	stream.indirect_vreg.gather [hbm4b:s26+s3], $0x80, v4, vm0, $0xb8;
	[tilespmem:$0x10800] =	vst v63  }
0x289: {  	v3 =	vperm.xlane v3, v2  }
0x28a: {  	[tilespmem:s17], [sflag:$0x2] =	stream.indirect_vreg.gather [hbm4b:s5+s3], $0x80, v4, vm0, $0xb8;
	[tilespmem:$0x10800] =	vst v63  }
0x28b: {  	v3 =	vadd.s32 v1, v3  }
0x28c: {  	[tilespmem:s21], [sflag:$0x2] =	stream.indirect_vreg.gather [hbm4b:s6+s3], $0x80, v4, vm0, $0xb8;
	[tilespmem:$0x10800] =	vst v63  }
0x28d: {  	_ = 	snop  }
0x28e: {  	[tilespmem:s2], [sflag:$0x2] =	stream.indirect_vreg.gather [hbm4b:s7+s3], $0x80, v4, vm0, $0xb8;
	[tilespmem:$0x10800] =	vst v63  }
0x28f: {  	_ = 	snop  }
0x290: {  	[tilespmem:s12], [sflag:$0x2] =	stream.indirect_vreg.gather [hbm4b:s26+s3], $0x80, v3, vm0, $0xb8;
	[tilespmem:$0x10800] =	vst v63  }
0x291: {  	_ = 	snop  }
0x292: {  	[tilespmem:s11], [sflag:$0x2] =	stream.indirect_vreg.gather [hbm4b:s5+s3], $0x80, v3, vm0, $0xb8;
	[tilespmem:$0x10800] =	vst v63  }
0x293: {  	_ = 	snop  }
0x294: {  	[tilespmem:s13], [sflag:$0x2] =	stream.indirect_vreg.gather [hbm4b:s6+s3], $0x80, v3, vm0, $0xb8;
	[tilespmem:$0x10800] =	vst v63  }
0x295: {  	_ = 	snop  }
0x296: {  	[tilespmem:s22], [sflag:$0x2] =	stream.indirect_vreg.gather [hbm4b:s7+s3], $0x80, v3, vm0, $0xb8;
	[tilespmem:$0x10800] =	vst v63  }
0x297: {  	_ =	swait.ge [sflag:s29], $0x8000  }
0x298: {  	[sflag:s29] =	ssyncset.done $0x0  }
0x299: {  	[sflag:s29] =	ssyncadd.s32 $0xFFFF8000  }
0x29a: {  	v3 =	vld [tilespmem:$0x700];
	_ =	sdelay $0x4  }
0x29b: {  	v60 =	vshll.u32 v3, $0x3  }
0x29c: {  	v3 =	vand.u32 $0x7, v3;
	v4 =	vand.u32 $0xFFFFFFC0, v60  }
0x29d: {  	v3 =	vor.u32 v3, v4  }
0x29e: {  	v4 =	vperm.xlane v3, v0;
	_ =	sdelay $0x1  }
0x29f: {  	v4 =	vadd.s32 v1, v4;
	_ =	sdelay $0x3  }
0x2a0: {  	s29 =	simm.s32 $0x800  }
0x2a1: {  	[hbm4b:s4+s3] =	stream.indirect_vreg.scatter [tilespmem:s29], [sflag:$0x3], $0x80, v4, vm0, $0xb8;
	[tilespmem:$0x10800] =	vst v63  }
0x2a2: {  	v3 =	vperm.xlane v3, v2;
	s29 =	simm.s32 $0x1000  }
0x2a3: {  	[hbm4b:s8+s3] =	stream.indirect_vreg.scatter [tilespmem:s29], [sflag:$0x3], $0x80, v4, vm0, $0xb8;
	[tilespmem:$0x10800] =	vst v63  }
0x2a4: {  	v3 =	vadd.s32 v1, v3  }
0x2a5: {  	[hbm4b:s9+s3] =	stream.indirect_vreg.scatter [tilespmem:s31], [sflag:$0x3], $0x80, v4, vm0, $0xb8;
	[tilespmem:$0x10800] =	vst v63  }
0x2a6: {  	s31 =	simm.s32 $0x2000  }
0x2a7: {  	[hbm4b:s10+s3] =	stream.indirect_vreg.scatter [tilespmem:s31], [sflag:$0x3], $0x80, v4, vm0, $0xb8;
	[tilespmem:$0x10800] =	vst v63  }
0x2a8: {  	s31 =	simm.s32 $0x2800  }
0x2a9: {  	[hbm4b:s4+s3] =	stream.indirect_vreg.scatter [tilespmem:s31], [sflag:$0x3], $0x80, v3, vm0, $0xb8;
	[tilespmem:$0x10800] =	vst v63  }
0x2aa: {  	s23 =	simm.s32 $0x3000  }
0x2ab: {  	[hbm4b:s8+s3] =	stream.indirect_vreg.scatter [tilespmem:s23], [sflag:$0x3], $0x80, v3, vm0, $0xb8;
	[tilespmem:$0x10800] =	vst v63  }
0x2ac: {  	s31 =	simm.s32 $0x3800  }
0x2ad: {  	[hbm4b:s9+s3] =	stream.indirect_vreg.scatter [tilespmem:s31], [sflag:$0x3], $0x80, v3, vm0, $0xb8;
	[tilespmem:$0x10800] =	vst v63  }
0x2ae: {  	s29 =	simm.s32 $0x4000  }
0x2af: {  	[hbm4b:s10+s3] =	stream.indirect_vreg.scatter [tilespmem:s29], [sflag:$0x3], $0x80, v3, vm0, $0xb8;
	[tilespmem:$0x10800] =	vst v63  }
0x2b0: {  	v3 =	vld [tilespmem:$0x710];
	_ =	sdelay $0x4  }
0x2b1: {  	v61 =	vshll.u32 v3, $0x3  }
0x2b2: {  	v3 =	vand.u32 $0x7, v3;
	v4 =	vand.u32 $0xFFFFFFC0, v61  }
0x2b3: {  	v3 =	vor.u32 v3, v4  }
0x2b4: {  	v4 =	vperm.xlane v3, v0;
	_ =	sdelay $0x1  }
0x2b5: {  	v4 =	vadd.s32 v1, v4;
	_ =	sdelay $0x3  }
0x2b6: {  	s31 =	simm.s32 $0x4800  }
0x2b7: {  	[hbm4b:s4+s3] =	stream.indirect_vreg.scatter [tilespmem:s31], [sflag:$0x3], $0x80, v4, vm0, $0xb8;
	[tilespmem:$0x10800] =	vst v63  }
0x2b8: {  	s29 =	simm.s32 $0x5000;
	v3 =	vperm.xlane v3, v2  }
0x2b9: {  	[hbm4b:s8+s3] =	stream.indirect_vreg.scatter [tilespmem:s29], [sflag:$0x3], $0x80, v4, vm0, $0xb8;
	[tilespmem:$0x10800] =	vst v63  }
0x2ba: {  	v3 =	vadd.s32 v1, v3;
	s31 =	simm.s32 $0x5800  }
0x2bb: {  	[hbm4b:s9+s3] =	stream.indirect_vreg.scatter [tilespmem:s31], [sflag:$0x3], $0x80, v4, vm0, $0xb8;
	[tilespmem:$0x10800] =	vst v63  }
0x2bc: {  	s29 =	simm.s32 $0x6000  }
0x2bd: {  	[hbm4b:s10+s3] =	stream.indirect_vreg.scatter [tilespmem:s29], [sflag:$0x3], $0x80, v4, vm0, $0xb8;
	[tilespmem:$0x10800] =	vst v63  }
0x2be: {  	s31 =	simm.s32 $0x6800  }
0x2bf: {  	[hbm4b:s4+s3] =	stream.indirect_vreg.scatter [tilespmem:s31], [sflag:$0x3], $0x80, v3, vm0, $0xb8;
	[tilespmem:$0x10800] =	vst v63  }
0x2c0: {  	s29 =	simm.s32 $0x7000  }
0x2c1: {  	[hbm4b:s8+s3] =	stream.indirect_vreg.scatter [tilespmem:s29], [sflag:$0x3], $0x80, v3, vm0, $0xb8;
	[tilespmem:$0x10800] =	vst v63  }
0x2c2: {  	s31 =	simm.s32 $0x7800  }
0x2c3: {  	[hbm4b:s9+s3] =	stream.indirect_vreg.scatter [tilespmem:s31], [sflag:$0x3], $0x80, v3, vm0, $0xb8;
	[tilespmem:$0x10800] =	vst v63  }
0x2c4: {  	s29 =	simm.s32 $0x8000  }
0x2c5: {  	[hbm4b:s10+s3] =	stream.indirect_vreg.scatter [tilespmem:s29], [sflag:$0x3], $0x80, v3, vm0, $0xb8;
	[tilespmem:$0x10800] =	vst v63  }
0x2c6: {  	_ =	swait.ge [sflag:s30], $0x8000  }
0x2c7: {  	[sflag:s30] =	ssyncset.done $0x0  }
0x2c8: {  	[sflag:s30] =	ssyncadd.s32 $0xFFFF8000  }
0x2c9: {  	_ =	swait.ge [sflag:s28], $0x8000  }
0x2ca: {  	[sflag:s28] =	ssyncset.done $0x0  }
0x2cb: {  	[sflag:s28] =	ssyncadd.s32 $0xFFFF8000  }
0x2cc: {  	v3 =	vld [tilespmem:$0x780];
	_ =	sdelay $0x4  }
0x2cd: {  	v62 =	vshll.u32 v3, $0x3  }
0x2ce: {  	v3 =	vand.u32 $0x7, v3;
	v4 =	vand.u32 $0xFFFFFFC0, v62  }
0x2cf: {  	v3 =	vor.u32 v3, v4  }
0x2d0: {  	v4 =	vperm.xlane v3, v0;
	_ =	sdelay $0x1  }
0x2d1: {  	v4 =	vadd.s32 v1, v4;
	_ =	sdelay $0x3  }
0x2d2: {  	s14 =	simm.s32 $0x8800  }
0x2d3: {  	[hbm4b:s4+s3] =	stream.indirect_vreg.scatter [tilespmem:s14], [sflag:$0x4], $0x80, v4, vm0, $0xb8;
	[tilespmem:$0x10800] =	vst v63  }
0x2d4: {  	s1 =	simm.s32 $0x9000;
	v3 =	vperm.xlane v3, v2  }
0x2d5: {  	[hbm4b:s8+s3] =	stream.indirect_vreg.scatter [tilespmem:s1], [sflag:$0x4], $0x80, v4, vm0, $0xb8;
	[tilespmem:$0x10800] =	vst v63  }
0x2d6: {  	s15 =	simm.s32 $0x9800;
	v3 =	vadd.s32 v1, v3  }
0x2d7: {  	[hbm4b:s9+s3] =	stream.indirect_vreg.scatter [tilespmem:s15], [sflag:$0x4], $0x80, v4, vm0, $0xb8;
	[tilespmem:$0x10800] =	vst v63  }
0x2d8: {  	_ = 	snop  }
0x2d9: {  	[hbm4b:s10+s3] =	stream.indirect_vreg.scatter [tilespmem:s24], [sflag:$0x4], $0x80, v4, vm0, $0xb8;
	[tilespmem:$0x10800] =	vst v63  }
0x2da: {  	s20 =	simm.s32 $0xA800  }
0x2db: {  	[hbm4b:s4+s3] =	stream.indirect_vreg.scatter [tilespmem:s20], [sflag:$0x4], $0x80, v3, vm0, $0xb8;
	[tilespmem:$0x10800] =	vst v63  }
0x2dc: {  	s19 =	simm.s32 $0xB000  }
0x2dd: {  	[hbm4b:s8+s3] =	stream.indirect_vreg.scatter [tilespmem:s19], [sflag:$0x4], $0x80, v3, vm0, $0xb8;
	[tilespmem:$0x10800] =	vst v63  }
0x2de: {  	s0 =	simm.s32 $0xB800  }
0x2df: {  	[hbm4b:s9+s3] =	stream.indirect_vreg.scatter [tilespmem:s0], [sflag:$0x4], $0x80, v3, vm0, $0xb8;
	[tilespmem:$0x10800] =	vst v63  }
0x2e0: {  	s16 =	simm.s32 $0xC000  }
0x2e1: {  	[hbm4b:s10+s3] =	stream.indirect_vreg.scatter [tilespmem:s16], [sflag:$0x4], $0x80, v3, vm0, $0xb8;
	[tilespmem:$0x10800] =	vst v63  }
0x2e2: {  	v3 =	vld [tilespmem:$0x790];
	_ =	sdelay $0x4  }
0x2e3: {  	v63 =	vshll.u32 v3, $0x3  }
0x2e4: {  	v3 =	vand.u32 $0x7, v3;
	v4 =	vand.u32 $0xFFFFFFC0, v63  }
0x2e5: {  	v3 =	vor.u32 v3, v4  }
0x2e6: {  	v4 =	vperm.xlane v3, v0;
	_ =	sdelay $0x1  }
0x2e7: {  	v4 =	vadd.s32 v1, v4;
	_ =	sdelay $0x3  }
0x2e8: {  	s18 =	simm.s32 $0xC800  }
0x2e9: {  	[hbm4b:s4+s3] =	stream.indirect_vreg.scatter [tilespmem:s18], [sflag:$0x4], $0x80, v4, vm0, $0xb8;
	[tilespmem:$0x10800] =	vst v63  }
0x2ea: {  	s17 =	simm.s32 $0xD000;
	v3 =	vperm.xlane v3, v2  }
0x2eb: {  	[hbm4b:s8+s3] =	stream.indirect_vreg.scatter [tilespmem:s17], [sflag:$0x4], $0x80, v4, vm0, $0xb8;
	[tilespmem:$0x10800] =	vst v63  }
0x2ec: {  	s21 =	simm.s32 $0xD800;
	v3 =	vadd.s32 v1, v3  }
0x2ed: {  	[hbm4b:s9+s3] =	stream.indirect_vreg.scatter [tilespmem:s21], [sflag:$0x4], $0x80, v4, vm0, $0xb8;
	[tilespmem:$0x10800] =	vst v63  }
0x2ee: {  	s2 =	simm.s32 $0xE000  }
0x2ef: {  	[hbm4b:s10+s3] =	stream.indirect_vreg.scatter [tilespmem:s2], [sflag:$0x4], $0x80, v4, vm0, $0xb8;
	[tilespmem:$0x10800] =	vst v63  }
0x2f0: {  	s12 =	simm.s32 $0xE800  }
0x2f1: {  	[hbm4b:s4+s3] =	stream.indirect_vreg.scatter [tilespmem:s12], [sflag:$0x4], $0x80, v3, vm0, $0xb8;
	[tilespmem:$0x10800] =	vst v63  }
0x2f2: {  	s11 =	simm.s32 $0xF000;
	s31 =	rddreg [dreg:$0x6]  }
0x2f3: {  	[hbm4b:s8+s3] =	stream.indirect_vreg.scatter [tilespmem:s11], [sflag:$0x4], $0x80, v3, vm0, $0xb8;
	[tilespmem:$0x10800] =	vst v63  }
0x2f4: {  	s13 =	simm.s32 $0xF800;
	p0 =	sne.s32 s31, $0x1  }
0x2f5: {  	[hbm4b:s9+s3] =	stream.indirect_vreg.scatter [tilespmem:s13], [sflag:$0x4], $0x80, v3, vm0, $0xb8;
	[tilespmem:$0x10800] =	vst v63  }
.Ltmp0:
0x2f6: {  	s22 =	simm.s32 $0x10000;
	(pc) =	sbr.rel @p0 .LBB2_1-.Ltmp0, $4  }
0x2f7: {  	[hbm4b:s10+s3] =	stream.indirect_vreg.scatter [tilespmem:s22], [sflag:$0x4], $0x80, v3, vm0, $0xb8;
	[tilespmem:$0x10800] =	vst v63  }
0x2f8: {  	_ =	swait.ge [sflag:s25], $0x8000  }
0x2f9: {  	[sflag:s25] =	ssyncset.done $0x0  }
0x2fa: {  	s1 =	sadd.s32 $0xFFFFFFFF, s31;
	[sflag:s25] =	ssyncadd.s32 $0xFFFF8000  }
0x2fb: {  	_ =	sfence.sel $0x180000  }
0x2fc: {  	[bflag:$0x0] =	sbarrier.arrive $0xFFFF  }
0x2fd: {  	_ =	strace $0x90000047  }
0x2fe: {  	s0 =	stileid.u32;
	[bflag:$0x2] =	sbarrier.arrive $0xFFFF  }
0x2ff: {  	p0 =	sne.s32 s0, $0x0;
	s0 =	rddreg [dreg:$0x2]  }
0x300: {  	s0 =	sadd.s32 @!p0 $0x100000, s0  }
0x301: {  	[sflag:s0] =	ssyncadd.tile.s32 @!p0 $0x1;
	_ =	shalt  }
.Lfunc_end2:
_tile_overlayer_lowered:
.L_overlay_start_2:
0x302: {  	(tag) =	ssettag $0x2  }
0x303: {  	s0 =	rddreg [dreg:$0x0];
	s2 =	stileid.u32  }
0x304: {  	s1 =	rddreg [dreg:$0x1];
	p0 =	sne.s32 s2, $0x0  }
0x305: {  	s3 =	rddreg [dreg:$0x2];
	[bflag:$0x3] =	sbarrier.arrive $0xFFFF;
	s2 =	simm.s32 @!p0 $0x1C05  }
0x306: {  	[timem:s3], [sflag:s2] =	dma.local @!p0 [hbm:s0], s1  }
0x307: {  	s0 =	simm.s32 @!p0 $0x5  }
0x308: {  	_ =	swait.ge @!p0 [sflag:s0], s1  }
0x309: {  	s1 =	ssub.s32 @!p0 $0x0, s1;
	[sflag:s0] =	ssyncset.done @!p0 $0x0  }
0x30a: {  	[sflag:s0] =	ssyncadd.s32 @!p0 s1  }
0x30b: {  	[bflag:$0x3] =	sbarrier.arrive $0xFFFF  }
0x30c: {  	_ =	shalt  }

</sc_bundles>
